<compile_context>
chip_gen: v7x
topology: tpu7x:2x2x1
jax: 0.10.2.dev20260603
libtpu: 0.0.44.dev20260713+nightly
codegen_flags: <defaults>
</compile_context>

<pallas_src>
import jax
import jax.numpy as jnp
from jax import lax
from jax.experimental import pallas as pl
from jax.experimental.pallas import tpu as pltpu
from jax.experimental.pallas import tpu_sc as plsc

_ROWS = 32
_COLS = 32768
_N = _ROWS * _COLS
_K = 512 * _ROWS
_NSUB = 16
_C = _N // _NSUB
_NV = _C // 16
_CAP = 16400
_CCAP = 16384


def _tokey(v):
    s = lax.shift_right_logical(lax.shift_right_arithmetic(v, 31), 1)
    return v ^ s


def _suffix_search(ref, nvec, kneed, base):

    def outer_cond(carry):
        jj, _, jf, _ = carry
        return (jj < nvec) & (jf < 0)

    def outer(carry):
        jj, acc, jf, accb = carry
        j = nvec - 1 - jj
        s = jnp.sum(ref[pl.ds(base + 16 * j, 16)])
        newacc = acc + s
        crossed = newacc >= kneed
        jf = jnp.where(crossed, j, jf)
        accb = jnp.where(crossed, acc, accb)
        return jj + 1, newacc, jf, accb

    _, _, jf, accb = lax.while_loop(
        outer_cond,
        outer,
        (jnp.int32(0), jnp.int32(0), jnp.int32(-1), jnp.int32(0)),
    )

    hv = ref[pl.ds(base + 16 * jf, 16)]
    cum = plsc.cumsum(hv)
    total = cum[15]
    suffix_incl = accb + total - cum + hv
    ntrue = jnp.sum((suffix_incl >= kneed).astype(jnp.int32))
    bl = ntrue - 1
    lanes = lax.iota(jnp.int32, 16)
    cum_at = jnp.sum(jnp.where(lanes == bl, cum, 0))
    bf = 16 * jf + bl
    mf = accb + total - cum_at
    return bf, mf


def _sc_body(
    x_hbm,
    out_hbm,
    keys,
    hist,
    mhist,
    tmp,
    h3,
    cbufk,
    cbufi,
    stage,
    smem,
    sem,
    sem4,
    sh_hist,
    sh_merged,
):
    sid = lax.axis_index("s")
    base = sid * _C
    ones = jnp.ones((16,), jnp.int32)
    zeros = jnp.zeros((16,), jnp.int32)
    lanes = lax.iota(jnp.int32, 16)

    in_handles = [
        pltpu.async_copy(
            x_hbm.at[pl.ds(base + q * (_C // 4), _C // 4)],
            keys.at[pl.ds(q * (_C // 4), _C // 4)],
            sem4.at[q],
        )
        for q in range(4)
    ]

    def zero_hist():
        @plsc.parallel_loop(0, 256, unroll=4)
        def _zero(_i):
            hist[pl.ds(16 * _i, 16)] = zeros

    zero_hist()

    for q in range(4):
        in_handles[q].wait()

        @plsc.parallel_loop(q * (_NV // 4), (q + 1) * (_NV // 4), unroll=4)
        def pass_a(i):
            v = _tokey(keys[pl.ds(16 * i, 16)])
            keys[pl.ds(16 * i, 16)] = v
            b = lax.shift_right_arithmetic(v, 20) + 2048
            plsc.addupdate_scatter(hist, [b], ones)

    def merge_4096():
        pltpu.sync_copy(hist, sh_hist.at[sid])
        plsc.subcore_barrier()
        col = sid * 256

        def merge_row(r, c):
            pltpu.sync_copy(sh_hist.at[r, pl.ds(col, 256)], tmp)

            def addv(vv, cc):
                sl = pl.ds(16 * vv, 16)
                mhist[sl] = jnp.where(r == 0, tmp[sl], mhist[sl] + tmp[sl])
                return cc

            lax.fori_loop(0, 16, addv, 0)
            return c

        lax.fori_loop(0, 16, merge_row, 0)
        pltpu.sync_copy(mhist.at[pl.ds(0, 256)], sh_merged.at[pl.ds(col, 256)])
        plsc.subcore_barrier()
        pltpu.sync_copy(sh_merged, mhist)

    merge_4096()
    b1, m1 = _suffix_search(mhist, 256, _K, 0)

    zero_hist()
    hi1 = b1 - 2048

    @plsc.parallel_loop(0, _NV, unroll=4, carry=jnp.int32(0))
    def pass_b(i, c):
        v = keys[pl.ds(16 * i, 16)]
        msk = lax.shift_right_arithmetic(v, 20) == hi1
        b = lax.shift_right_arithmetic(v, 8) & 0xFFF
        plsc.addupdate_scatter(hist, [b], ones, mask=msk)
        off = jnp.minimum(c, _CCAP - 16)
        smsk = msk & (c <= _CCAP - 16)
        plsc.store_compressed(cbufk.at[pl.ds(off, 16)], v, mask=smsk)
        plsc.store_compressed(cbufi.at[pl.ds(off, 16)], 16 * i + lanes, mask=smsk)
        return c + jnp.sum(msk.astype(jnp.int32))

    n_cand = pass_b
    ovf = n_cand > _CCAP - 16
    nv_cand0 = (jnp.minimum(n_cand, _CCAP) + 15) // 16
    merge_4096()
    kneed2 = _K - m1
    b2, m2p = _suffix_search(mhist, 256, kneed2, 0)
    m2 = m1 + m2p
    p24 = hi1 * 4096 + b2

    zero_hist()
    nv_cand = nv_cand0

    @plsc.parallel_loop(0, nv_cand, unroll=2)
    def pass_c(j):
        v = cbufk[pl.ds(16 * j, 16)]
        valid = (16 * j + lanes) < n_cand
        msk = valid & (lax.shift_right_arithmetic(v, 8) == p24)
        b = v & 0xFF
        plsc.addupdate_scatter(hist, [b], ones, mask=msk)

    @pl.when(ovf)
    def _pass_c_full():
        @plsc.parallel_loop(0, 256, unroll=4)
        def _zero(_i):
            hist[pl.ds(16 * _i, 16)] = zeros

        @plsc.parallel_loop(0, _NV, unroll=4)
        def _full(i):
            v = keys[pl.ds(16 * i, 16)]
            msk = lax.shift_right_arithmetic(v, 8) == p24
            plsc.addupdate_scatter(hist, [v & 0xFF], ones, mask=msk)

    pltpu.sync_copy(hist.at[pl.ds(0, 256)], sh_hist.at[sid, pl.ds(0, 256)])
    plsc.subcore_barrier()

    def fetch_row(r, c):
        pltpu.sync_copy(sh_hist.at[r, pl.ds(0, 256)], mhist.at[pl.ds(256 * r, 256)])
        return c

    lax.fori_loop(0, 16, fetch_row, 0)

    def rowsum(vv, c):
        def addr(r, acc):
            return acc + mhist[pl.ds(256 * r + 16 * vv, 16)]

        h3[pl.ds(16 * vv, 16)] = lax.fori_loop(0, 16, addr, zeros)
        return c

    lax.fori_loop(0, 16, rowsum, 0)

    kneed3 = _K - m2
    b3, m3p = _suffix_search(h3, 16, kneed3, 0)
    m3 = m2 + m3p
    t_key = p24 * 256 + b3
    r_quota = _K - m3

    tr = plsc.load_gather(mhist, [256 * lanes + b3])
    p_w = jnp.sum(jnp.where(lanes < sid, tr, 0))
    t_w = jnp.sum(jnp.where(lanes == sid, tr, 0))
    q_w = jnp.clip(r_quota - p_w, 0, t_w)

    def d1c(j, carry):
        rank, ck = carry
        kv = cbufk[pl.ds(16 * j, 16)]
        pos = cbufi[pl.ds(16 * j, 16)]
        valid = (16 * j + lanes) < n_cand
        tie = valid & (kv == t_key)
        tc = tie.astype(jnp.int32)
        rank_v = rank + plsc.cumsum(tc)
        keep = tie & (rank_v <= q_w)
        plsc.store_compressed(cbufi.at[pl.ds(ck, 16)], pos, mask=keep)
        return rank + jnp.sum(tc), ck + jnp.sum(keep.astype(jnp.int32))

    _, ckept_fast = lax.fori_loop(
        0, nv_cand, d1c, (jnp.int32(0), jnp.int32(0))
    )

    @pl.when(ovf)
    def _d1_full():
        def d1_cond(carry):
            i, rank, ck = carry
            return (i < _NV) & (ck < q_w)

        def d1_body(carry):
            i, rank, ck = carry
            v = keys[pl.ds(16 * i, 16)]
            tie = v == t_key
            tc = tie.astype(jnp.int32)
            rank_v = rank + plsc.cumsum(tc)
            keep = tie & (rank_v <= q_w)
            pos = 16 * i + lanes
            plsc.store_compressed(cbufi.at[pl.ds(ck, 16)], pos, mask=keep)
            ck = ck + jnp.sum(keep.astype(jnp.int32))
            rank = rank + jnp.sum(tc)
            return i + 1, rank, ck

        _, _, ck = lax.while_loop(
            d1_cond, d1_body, (jnp.int32(0), jnp.int32(0), jnp.int32(0))
        )
        smem[0] = ck

    ckept = jnp.where(ovf, smem[0], ckept_fast)

    inv_t = t_key ^ lax.shift_right_logical(
        lax.shift_right_arithmetic(t_key, 31), 1
    )
    tie_val = jnp.full((16,), inv_t, jnp.int32)
    nv_tie = (ckept + 15) // 16
    out_handles = []
    for q in range(4):
        @plsc.parallel_loop(q * (_NV // 4), (q + 1) * (_NV // 4), unroll=4)
        def pass_d2(i):
            v = keys[pl.ds(16 * i, 16)]
            keys[pl.ds(16 * i, 16)] = jnp.where(v > t_key, _tokey(v), 0)

        def pass_d3(j, c):
            posv = cbufi[pl.ds(16 * j, 16)]
            msk = (16 * j + lanes) < ckept
            inq = (posv >= q * (_C // 4)) & (posv < (q + 1) * (_C // 4))
            plsc.store_scatter(keys, [posv], tie_val, mask=msk & inq)
            return c

        lax.fori_loop(0, nv_tie, pass_d3, 0)
        out_handles.append(
            pltpu.async_copy(
                keys.at[pl.ds(q * (_C // 4), _C // 4)],
                out_hbm.at[pl.ds(base + q * (_C // 4), _C // 4)],
                sem4.at[q],
            )
        )

    for h in out_handles:
        h.wait()


def kernel(x):
    bits = jax.lax.bitcast_convert_type(x, jnp.int32).reshape(_N)
    mesh = plsc.VectorSubcoreMesh(
        core_axis_name="c", subcore_axis_name="s", num_cores=1, num_subcores=_NSUB
    )
    out_bits = pl.kernel(
        _sc_body,
        out_type=jax.ShapeDtypeStruct((_N,), jnp.int32),
        mesh=mesh,
        compiler_params=pltpu.CompilerParams(
            use_tc_tiling_on_sc=False, needs_layout_passes=False
        ),
        scratch_types=[
            pltpu.VMEM((_C,), jnp.int32),
            pltpu.VMEM((4096,), jnp.int32),
            pltpu.VMEM((4096,), jnp.int32),
            pltpu.VMEM((256,), jnp.int32),
            pltpu.VMEM((256,), jnp.int32),
            pltpu.VMEM((_CCAP,), jnp.int32),
            pltpu.VMEM((_CAP,), jnp.int32),
            pltpu.VMEM((4096,), jnp.int32),
            pltpu.SMEM((8,), jnp.int32),
            pltpu.SemaphoreType.DMA,
            pltpu.SemaphoreType.DMA((4,)),
            pltpu.VMEM_SHARED((16, 4096), jnp.int32),
            pltpu.VMEM_SHARED((4096,), jnp.int32),
        ],
    )(bits)
    return jax.lax.bitcast_convert_type(out_bits.reshape(_ROWS, _COLS), jnp.float32)

# --- scband reference (transcript-rebuilt; emitter-appended) ---
"""Pipeline reference for scband-batch-top-k-29360396435622 (READ-ONLY COPY).

The authoritative reference and input builder live on the scoring server;
editing this copy changes nothing except your own understanding.
"""

import jax, jax.numpy as jnp
import numpy as np

TOPK = 512

def setup_inputs(seed: int = 0) -> dict:
    key = jax.random.key(seed)
    x = jax.random.normal(key, (32, 32768), dtype=jnp.float32)
    return {"x": x}

def reference(x):
    original_shape = x.shape
    x_flat = x.reshape(-1)
    k = min(TOPK * original_shape[0], x_flat.size)
    topk_values, topk_indices = jax.lax.top_k(x_flat, k)
    result = jnp.zeros_like(x_flat).at[topk_indices].set(topk_values)
    return result.reshape(original_shape)

if __name__ == "__main__":
    import jax
    _d = setup_inputs()
    print(jax.jit(kernel)(*tuple(_d.values())))

</pallas_src>

<mosaic_0001>
#map = affine_map<(d0, d1) -> (0)>
module attributes {stable_mosaic.version = 14 : i64} {
  func.func @_sc_body(%arg0: i32, %arg1: i32, %arg2: memref<1048576xi32, #tpu.memory_space<hbm>>, %arg3: memref<1048576xi32, #tpu.memory_space<hbm>>, %arg4: memref<65536xi32, #tpu.memory_space<vmem>>, %arg5: memref<4096xi32, #tpu.memory_space<vmem>>, %arg6: memref<4096xi32, #tpu.memory_space<vmem>>, %arg7: memref<256xi32, #tpu.memory_space<vmem>>, %arg8: memref<256xi32, #tpu.memory_space<vmem>>, %arg9: memref<16384xi32, #tpu.memory_space<vmem>>, %arg10: memref<16400xi32, #tpu.memory_space<vmem>>, %arg11: memref<4096xi32, #tpu.memory_space<vmem>>, %arg12: memref<8xi32, #tpu.memory_space<smem>>, %arg13: memref<!tpu.dma_semaphore, #tpu.memory_space<semaphore_mem>>, %arg14: memref<4x!tpu.dma_semaphore, #tpu.memory_space<semaphore_mem>>, %arg15: memref<16x4096xi32, #tpu.memory_space<vmem_shared>>, %arg16: memref<4096xi32, #tpu.memory_space<vmem_shared>>) attributes {dimension_semantics = [#tpu.dimension_semantics<core_parallel>, #tpu.dimension_semantics<subcore_parallel>], iteration_bounds = array<i64: 1, 16>, scalar_prefetch = 0 : i64, scratch_operands = 13 : i64, tpu.core_type = #tpu.core_type<sc_vector_subcore>, window_params = [{transform_indices = #map}, {transform_indices = #map}]} {
    %mul3A = arith.constant 65536 : i32
    %mul3A_0 = arith.muli %arg1, %mul3A : i32
    %broadcast_in_dim3A = arith.constant 1 : i32
    %broadcast_in_dim3A_1 = vector.broadcast %broadcast_in_dim3A : i32 to vector<16xi32>
    %broadcast_in_dim3A_2 = arith.constant 0 : i32
    %broadcast_in_dim3A_3 = vector.broadcast %broadcast_in_dim3A_2 : i32 to vector<16xi32>
    %iota3A = tpu.iota {dimensions = array<i32: 0>} : vector<16xi32>
    %add3A = arith.constant 0 : i32
    %add3A_4 = arith.addi %mul3A_0, %add3A : i32
    %dma_start3A = arith.constant 0 : i32
    %dma_start3A_5 = arith.constant 0 : i32
    %dma_start3A_6 = tpu.memref_slice %arg4[%dma_start3A_5] : memref<65536xi32, #tpu.memory_space<vmem>> -> memref<16384xi32, #tpu.memory_space<vmem>>
    %dma_start3A_7 = tpu.memref_slice %arg2[%add3A_4] : memref<1048576xi32, #tpu.memory_space<hbm>> -> memref<16384xi32, #tpu.memory_space<hbm>>
    %dma_start3A_8 = tpu.memref_slice %arg14[%dma_start3A] : memref<4x!tpu.dma_semaphore, #tpu.memory_space<semaphore_mem>> -> memref<1x!tpu.dma_semaphore, #tpu.memory_space<semaphore_mem>>
    %dma_start3A_9 = tpu.memref_squeeze %dma_start3A_8 : memref<1x!tpu.dma_semaphore, #tpu.memory_space<semaphore_mem>> -> memref<!tpu.dma_semaphore, #tpu.memory_space<semaphore_mem>>
    %dma_start3A_10 = arith.constant 0 : i32
    %dma_start3A_11 = tpu.memref_slice %arg4[%dma_start3A_10] : memref<65536xi32, #tpu.memory_space<vmem>> -> memref<16384xi32, #tpu.memory_space<vmem>>
    %dma_start3A_12 = tpu.memref_slice %arg2[%add3A_4] : memref<1048576xi32, #tpu.memory_space<hbm>> -> memref<16384xi32, #tpu.memory_space<hbm>>
    tpu.enqueue_dma source(%dma_start3A_12 : memref<16384xi32, #tpu.memory_space<hbm>>) target(%dma_start3A_11 : memref<16384xi32, #tpu.memory_space<vmem>>) target_semaphore(%dma_start3A_9 : memref<!tpu.dma_semaphore, #tpu.memory_space<semaphore_mem>>)
    %add3A_13 = arith.constant 16384 : i32
    %add3A_14 = arith.addi %mul3A_0, %add3A_13 : i32
    %dma_start3A_15 = arith.constant 1 : i32
    %dma_start3A_16 = arith.constant 16384 : i32
    %dma_start3A_17 = tpu.memref_slice %arg4[%dma_start3A_16] : memref<65536xi32, #tpu.memory_space<vmem>> -> memref<16384xi32, #tpu.memory_space<vmem>>
    %dma_start3A_18 = tpu.memref_slice %arg2[%add3A_14] : memref<1048576xi32, #tpu.memory_space<hbm>> -> memref<16384xi32, #tpu.memory_space<hbm>>
    %dma_start3A_19 = tpu.memref_slice %arg14[%dma_start3A_15] : memref<4x!tpu.dma_semaphore, #tpu.memory_space<semaphore_mem>> -> memref<1x!tpu.dma_semaphore, #tpu.memory_space<semaphore_mem>>
    %dma_start3A_20 = tpu.memref_squeeze %dma_start3A_19 : memref<1x!tpu.dma_semaphore, #tpu.memory_space<semaphore_mem>> -> memref<!tpu.dma_semaphore, #tpu.memory_space<semaphore_mem>>
    %dma_start3A_21 = arith.constant 16384 : i32
    %dma_start3A_22 = tpu.memref_slice %arg4[%dma_start3A_21] : memref<65536xi32, #tpu.memory_space<vmem>> -> memref<16384xi32, #tpu.memory_space<vmem>>
    %dma_start3A_23 = tpu.memref_slice %arg2[%add3A_14] : memref<1048576xi32, #tpu.memory_space<hbm>> -> memref<16384xi32, #tpu.memory_space<hbm>>
    tpu.enqueue_dma source(%dma_start3A_23 : memref<16384xi32, #tpu.memory_space<hbm>>) target(%dma_start3A_22 : memref<16384xi32, #tpu.memory_space<vmem>>) target_semaphore(%dma_start3A_20 : memref<!tpu.dma_semaphore, #tpu.memory_space<semaphore_mem>>)
    %add3A_24 = arith.constant 32768 : i32
    %add3A_25 = arith.addi %mul3A_0, %add3A_24 : i32
    %dma_start3A_26 = arith.constant 2 : i32
    %dma_start3A_27 = arith.constant 32768 : i32
    %dma_start3A_28 = tpu.memref_slice %arg4[%dma_start3A_27] : memref<65536xi32, #tpu.memory_space<vmem>> -> memref<16384xi32, #tpu.memory_space<vmem>>
    %dma_start3A_29 = tpu.memref_slice %arg2[%add3A_25] : memref<1048576xi32, #tpu.memory_space<hbm>> -> memref<16384xi32, #tpu.memory_space<hbm>>
    %dma_start3A_30 = tpu.memref_slice %arg14[%dma_start3A_26] : memref<4x!tpu.dma_semaphore, #tpu.memory_space<semaphore_mem>> -> memref<1x!tpu.dma_semaphore, #tpu.memory_space<semaphore_mem>>
    %dma_start3A_31 = tpu.memref_squeeze %dma_start3A_30 : memref<1x!tpu.dma_semaphore, #tpu.memory_space<semaphore_mem>> -> memref<!tpu.dma_semaphore, #tpu.memory_space<semaphore_mem>>
    %dma_start3A_32 = arith.constant 32768 : i32
    %dma_start3A_33 = tpu.memref_slice %arg4[%dma_start3A_32] : memref<65536xi32, #tpu.memory_space<vmem>> -> memref<16384xi32, #tpu.memory_space<vmem>>
    %dma_start3A_34 = tpu.memref_slice %arg2[%add3A_25] : memref<1048576xi32, #tpu.memory_space<hbm>> -> memref<16384xi32, #tpu.memory_space<hbm>>
    tpu.enqueue_dma source(%dma_start3A_34 : memref<16384xi32, #tpu.memory_space<hbm>>) target(%dma_start3A_33 : memref<16384xi32, #tpu.memory_space<vmem>>) target_semaphore(%dma_start3A_31 : memref<!tpu.dma_semaphore, #tpu.memory_space<semaphore_mem>>)
    %add3A_35 = arith.constant 49152 : i32
    %add3A_36 = arith.addi %mul3A_0, %add3A_35 : i32
    %dma_start3A_37 = arith.constant 3 : i32
    %dma_start3A_38 = arith.constant 49152 : i32
    %dma_start3A_39 = tpu.memref_slice %arg4[%dma_start3A_38] : memref<65536xi32, #tpu.memory_space<vmem>> -> memref<16384xi32, #tpu.memory_space<vmem>>
    %dma_start3A_40 = tpu.memref_slice %arg2[%add3A_36] : memref<1048576xi32, #tpu.memory_space<hbm>> -> memref<16384xi32, #tpu.memory_space<hbm>>
    %dma_start3A_41 = tpu.memref_slice %arg14[%dma_start3A_37] : memref<4x!tpu.dma_semaphore, #tpu.memory_space<semaphore_mem>> -> memref<1x!tpu.dma_semaphore, #tpu.memory_space<semaphore_mem>>
    %dma_start3A_42 = tpu.memref_squeeze %dma_start3A_41 : memref<1x!tpu.dma_semaphore, #tpu.memory_space<semaphore_mem>> -> memref<!tpu.dma_semaphore, #tpu.memory_space<semaphore_mem>>
    %dma_start3A_43 = arith.constant 49152 : i32
    %dma_start3A_44 = tpu.memref_slice %arg4[%dma_start3A_43] : memref<65536xi32, #tpu.memory_space<vmem>> -> memref<16384xi32, #tpu.memory_space<vmem>>
    %dma_start3A_45 = tpu.memref_slice %arg2[%add3A_36] : memref<1048576xi32, #tpu.memory_space<hbm>> -> memref<16384xi32, #tpu.memory_space<hbm>>
    tpu.enqueue_dma source(%dma_start3A_45 : memref<16384xi32, #tpu.memory_space<hbm>>) target(%dma_start3A_44 : memref<16384xi32, #tpu.memory_space<vmem>>) target_semaphore(%dma_start3A_42 : memref<!tpu.dma_semaphore, #tpu.memory_space<semaphore_mem>>)
    %parallel_loop3A = arith.constant 0 : i32
    %parallel_loop3A_46 = arith.constant 256 : i32
    %parallel_loop3A_47 = arith.constant 1 : i32
    scf.for %parallel_loop3A_507 = %parallel_loop3A to %parallel_loop3A_46 step %parallel_loop3A_47  : i32 {
      %parallel_loop3A_508 = arith.constant 16 : i32
      %parallel_loop3A_509 = arith.muli %parallel_loop3A_508, %parallel_loop3A_507 : i32
      %parallel_loop3A_510 = arith.index_cast %parallel_loop3A_509 : i32 to index
      %parallel_loop3A_511 = tpu.vector_load %arg5[%parallel_loop3A_510] {strides = array<i32>} : memref<4096xi32, #tpu.memory_space<vmem>>, vector<16xi32>,
      tpu.vector_store %arg5[%parallel_loop3A_510], %broadcast_in_dim3A_3 {strides = array<i32>} : memref<4096xi32, #tpu.memory_space<vmem>>, vector<16xi32>,
    } {sc.loop_unroll_factor = 4 : i64, sc.parallel_access}
    %dma_wait3A = arith.constant 0 : i32
    %dma_wait3A_48 = arith.constant 0 : i32
    %dma_wait3A_49 = tpu.memref_slice %arg4[%dma_wait3A_48] : memref<65536xi32, #tpu.memory_space<vmem>> -> memref<16384xi32, #tpu.memory_space<vmem>>
    %dma_wait3A_50 = tpu.memref_slice %arg2[%add3A_4] : memref<1048576xi32, #tpu.memory_space<hbm>> -> memref<16384xi32, #tpu.memory_space<hbm>>
    %dma_wait3A_51 = tpu.memref_slice %arg14[%dma_wait3A] : memref<4x!tpu.dma_semaphore, #tpu.memory_space<semaphore_mem>> -> memref<1x!tpu.dma_semaphore, #tpu.memory_space<semaphore_mem>>
    %dma_wait3A_52 = tpu.memref_squeeze %dma_wait3A_51 : memref<1x!tpu.dma_semaphore, #tpu.memory_space<semaphore_mem>> -> memref<!tpu.dma_semaphore, #tpu.memory_space<semaphore_mem>>
    %dma_wait3A_53 = arith.constant 0 : i32
    %dma_wait3A_54 = tpu.memref_slice %arg4[%dma_wait3A_53] : memref<65536xi32, #tpu.memory_space<vmem>> -> memref<16384xi32, #tpu.memory_space<vmem>>
    %dma_wait3A_55 = tpu.memref_slice %arg2[%add3A_4] : memref<1048576xi32, #tpu.memory_space<hbm>> -> memref<16384xi32, #tpu.memory_space<hbm>>
    tpu.wait_dma2 semaphore(%dma_wait3A_52 : memref<!tpu.dma_semaphore, #tpu.memory_space<semaphore_mem>>) src(%dma_wait3A_55 : memref<16384xi32, #tpu.memory_space<hbm>>) dst(%dma_wait3A_54 : memref<16384xi32, #tpu.memory_space<vmem>>)
    %parallel_loop3A_56 = arith.constant 0 : i32
    %parallel_loop3A_57 = arith.constant 1024 : i32
    %parallel_loop3A_58 = arith.constant 1 : i32
    scf.for %parallel_loop3A_507 = %parallel_loop3A_56 to %parallel_loop3A_57 step %parallel_loop3A_58  : i32 {
      %parallel_loop3A_508 = arith.constant 16 : i32
      %parallel_loop3A_509 = arith.muli %parallel_loop3A_508, %parallel_loop3A_507 : i32
      %parallel_loop3A_510 = arith.index_cast %parallel_loop3A_509 : i32 to index
      %parallel_loop3A_511 = tpu.vector_load %arg4[%parallel_loop3A_510] {strides = array<i32>} : memref<65536xi32, #tpu.memory_space<vmem>>, vector<16xi32>,
      %parallel_loop3A_512 = arith.constant 31 : i32
      %parallel_loop3A_513 = vector.broadcast %parallel_loop3A_512 : i32 to vector<16xi32>
      %parallel_loop3A_514 = arith.shrsi %parallel_loop3A_511, %parallel_loop3A_513 : vector<16xi32>
      %parallel_loop3A_515 = arith.constant 1 : i32
      %parallel_loop3A_516 = vector.broadcast %parallel_loop3A_515 : i32 to vector<16xi32>
      %parallel_loop3A_517 = arith.shrui %parallel_loop3A_514, %parallel_loop3A_516 : vector<16xi32>
      %parallel_loop3A_518 = arith.xori %parallel_loop3A_511, %parallel_loop3A_517 : vector<16xi32>
      %parallel_loop3A_519 = arith.constant 16 : i32
      %parallel_loop3A_520 = arith.muli %parallel_loop3A_519, %parallel_loop3A_507 : i32
      %parallel_loop3A_521 = arith.index_cast %parallel_loop3A_520 : i32 to index
      %parallel_loop3A_522 = tpu.vector_load %arg4[%parallel_loop3A_521] {strides = array<i32>} : memref<65536xi32, #tpu.memory_space<vmem>>, vector<16xi32>,
      tpu.vector_store %arg4[%parallel_loop3A_521], %parallel_loop3A_518 {strides = array<i32>} : memref<65536xi32, #tpu.memory_space<vmem>>, vector<16xi32>,
      %parallel_loop3A_523 = arith.constant 20 : i32
      %parallel_loop3A_524 = vector.broadcast %parallel_loop3A_523 : i32 to vector<16xi32>
      %parallel_loop3A_525 = arith.shrsi %parallel_loop3A_518, %parallel_loop3A_524 : vector<16xi32>
      %parallel_loop3A_526 = arith.constant 2048 : i32
      %parallel_loop3A_527 = vector.broadcast %parallel_loop3A_526 : i32 to vector<16xi32>
      %parallel_loop3A_528 = arith.addi %parallel_loop3A_525, %parallel_loop3A_527 : vector<16xi32>
      tpu.vector_store_idx %arg5[%parallel_loop3A_528], %broadcast_in_dim3A_1 {add = true} : memref<4096xi32, #tpu.memory_space<vmem>>[vector<16xi32>], vector<16xi32>,
    } {sc.loop_unroll_factor = 4 : i64, sc.parallel_access}
    %dma_wait3A_59 = arith.constant 1 : i32
    %dma_wait3A_60 = arith.constant 16384 : i32
    %dma_wait3A_61 = tpu.memref_slice %arg4[%dma_wait3A_60] : memref<65536xi32, #tpu.memory_space<vmem>> -> memref<16384xi32, #tpu.memory_space<vmem>>
    %dma_wait3A_62 = tpu.memref_slice %arg2[%add3A_14] : memref<1048576xi32, #tpu.memory_space<hbm>> -> memref<16384xi32, #tpu.memory_space<hbm>>
    %dma_wait3A_63 = tpu.memref_slice %arg14[%dma_wait3A_59] : memref<4x!tpu.dma_semaphore, #tpu.memory_space<semaphore_mem>> -> memref<1x!tpu.dma_semaphore, #tpu.memory_space<semaphore_mem>>
    %dma_wait3A_64 = tpu.memref_squeeze %dma_wait3A_63 : memref<1x!tpu.dma_semaphore, #tpu.memory_space<semaphore_mem>> -> memref<!tpu.dma_semaphore, #tpu.memory_space<semaphore_mem>>
    %dma_wait3A_65 = arith.constant 16384 : i32
    %dma_wait3A_66 = tpu.memref_slice %arg4[%dma_wait3A_65] : memref<65536xi32, #tpu.memory_space<vmem>> -> memref<16384xi32, #tpu.memory_space<vmem>>
    %dma_wait3A_67 = tpu.memref_slice %arg2[%add3A_14] : memref<1048576xi32, #tpu.memory_space<hbm>> -> memref<16384xi32, #tpu.memory_space<hbm>>
    tpu.wait_dma2 semaphore(%dma_wait3A_64 : memref<!tpu.dma_semaphore, #tpu.memory_space<semaphore_mem>>) src(%dma_wait3A_67 : memref<16384xi32, #tpu.memory_space<hbm>>) dst(%dma_wait3A_66 : memref<16384xi32, #tpu.memory_space<vmem>>)
    %parallel_loop3A_68 = arith.constant 1024 : i32
    %parallel_loop3A_69 = arith.constant 2048 : i32
    %parallel_loop3A_70 = arith.constant 1 : i32
    scf.for %parallel_loop3A_507 = %parallel_loop3A_68 to %parallel_loop3A_69 step %parallel_loop3A_70  : i32 {
      %parallel_loop3A_508 = arith.constant 16 : i32
      %parallel_loop3A_509 = arith.muli %parallel_loop3A_508, %parallel_loop3A_507 : i32
      %parallel_loop3A_510 = arith.index_cast %parallel_loop3A_509 : i32 to index
      %parallel_loop3A_511 = tpu.vector_load %arg4[%parallel_loop3A_510] {strides = array<i32>} : memref<65536xi32, #tpu.memory_space<vmem>>, vector<16xi32>,
      %parallel_loop3A_512 = arith.constant 31 : i32
      %parallel_loop3A_513 = vector.broadcast %parallel_loop3A_512 : i32 to vector<16xi32>
      %parallel_loop3A_514 = arith.shrsi %parallel_loop3A_511, %parallel_loop3A_513 : vector<16xi32>
      %parallel_loop3A_515 = arith.constant 1 : i32
      %parallel_loop3A_516 = vector.broadcast %parallel_loop3A_515 : i32 to vector<16xi32>
      %parallel_loop3A_517 = arith.shrui %parallel_loop3A_514, %parallel_loop3A_516 : vector<16xi32>
      %parallel_loop3A_518 = arith.xori %parallel_loop3A_511, %parallel_loop3A_517 : vector<16xi32>
      %parallel_loop3A_519 = arith.constant 16 : i32
      %parallel_loop3A_520 = arith.muli %parallel_loop3A_519, %parallel_loop3A_507 : i32
      %parallel_loop3A_521 = arith.index_cast %parallel_loop3A_520 : i32 to index
      %parallel_loop3A_522 = tpu.vector_load %arg4[%parallel_loop3A_521] {strides = array<i32>} : memref<65536xi32, #tpu.memory_space<vmem>>, vector<16xi32>,
      tpu.vector_store %arg4[%parallel_loop3A_521], %parallel_loop3A_518 {strides = array<i32>} : memref<65536xi32, #tpu.memory_space<vmem>>, vector<16xi32>,
      %parallel_loop3A_523 = arith.constant 20 : i32
      %parallel_loop3A_524 = vector.broadcast %parallel_loop3A_523 : i32 to vector<16xi32>
      %parallel_loop3A_525 = arith.shrsi %parallel_loop3A_518, %parallel_loop3A_524 : vector<16xi32>
      %parallel_loop3A_526 = arith.constant 2048 : i32
      %parallel_loop3A_527 = vector.broadcast %parallel_loop3A_526 : i32 to vector<16xi32>
      %parallel_loop3A_528 = arith.addi %parallel_loop3A_525, %parallel_loop3A_527 : vector<16xi32>
      tpu.vector_store_idx %arg5[%parallel_loop3A_528], %broadcast_in_dim3A_1 {add = true} : memref<4096xi32, #tpu.memory_space<vmem>>[vector<16xi32>], vector<16xi32>,
    } {sc.loop_unroll_factor = 4 : i64, sc.parallel_access}
    %dma_wait3A_71 = arith.constant 2 : i32
    %dma_wait3A_72 = arith.constant 32768 : i32
    %dma_wait3A_73 = tpu.memref_slice %arg4[%dma_wait3A_72] : memref<65536xi32, #tpu.memory_space<vmem>> -> memref<16384xi32, #tpu.memory_space<vmem>>
    %dma_wait3A_74 = tpu.memref_slice %arg2[%add3A_25] : memref<1048576xi32, #tpu.memory_space<hbm>> -> memref<16384xi32, #tpu.memory_space<hbm>>
    %dma_wait3A_75 = tpu.memref_slice %arg14[%dma_wait3A_71] : memref<4x!tpu.dma_semaphore, #tpu.memory_space<semaphore_mem>> -> memref<1x!tpu.dma_semaphore, #tpu.memory_space<semaphore_mem>>
    %dma_wait3A_76 = tpu.memref_squeeze %dma_wait3A_75 : memref<1x!tpu.dma_semaphore, #tpu.memory_space<semaphore_mem>> -> memref<!tpu.dma_semaphore, #tpu.memory_space<semaphore_mem>>
    %dma_wait3A_77 = arith.constant 32768 : i32
    %dma_wait3A_78 = tpu.memref_slice %arg4[%dma_wait3A_77] : memref<65536xi32, #tpu.memory_space<vmem>> -> memref<16384xi32, #tpu.memory_space<vmem>>
    %dma_wait3A_79 = tpu.memref_slice %arg2[%add3A_25] : memref<1048576xi32, #tpu.memory_space<hbm>> -> memref<16384xi32, #tpu.memory_space<hbm>>
    tpu.wait_dma2 semaphore(%dma_wait3A_76 : memref<!tpu.dma_semaphore, #tpu.memory_space<semaphore_mem>>) src(%dma_wait3A_79 : memref<16384xi32, #tpu.memory_space<hbm>>) dst(%dma_wait3A_78 : memref<16384xi32, #tpu.memory_space<vmem>>)
    %parallel_loop3A_80 = arith.constant 2048 : i32
    %parallel_loop3A_81 = arith.constant 3072 : i32
    %parallel_loop3A_82 = arith.constant 1 : i32
    scf.for %parallel_loop3A_507 = %parallel_loop3A_80 to %parallel_loop3A_81 step %parallel_loop3A_82  : i32 {
      %parallel_loop3A_508 = arith.constant 16 : i32
      %parallel_loop3A_509 = arith.muli %parallel_loop3A_508, %parallel_loop3A_507 : i32
      %parallel_loop3A_510 = arith.index_cast %parallel_loop3A_509 : i32 to index
      %parallel_loop3A_511 = tpu.vector_load %arg4[%parallel_loop3A_510] {strides = array<i32>} : memref<65536xi32, #tpu.memory_space<vmem>>, vector<16xi32>,
      %parallel_loop3A_512 = arith.constant 31 : i32
      %parallel_loop3A_513 = vector.broadcast %parallel_loop3A_512 : i32 to vector<16xi32>
      %parallel_loop3A_514 = arith.shrsi %parallel_loop3A_511, %parallel_loop3A_513 : vector<16xi32>
      %parallel_loop3A_515 = arith.constant 1 : i32
      %parallel_loop3A_516 = vector.broadcast %parallel_loop3A_515 : i32 to vector<16xi32>
      %parallel_loop3A_517 = arith.shrui %parallel_loop3A_514, %parallel_loop3A_516 : vector<16xi32>
      %parallel_loop3A_518 = arith.xori %parallel_loop3A_511, %parallel_loop3A_517 : vector<16xi32>
      %parallel_loop3A_519 = arith.constant 16 : i32
      %parallel_loop3A_520 = arith.muli %parallel_loop3A_519, %parallel_loop3A_507 : i32
      %parallel_loop3A_521 = arith.index_cast %parallel_loop3A_520 : i32 to index
      %parallel_loop3A_522 = tpu.vector_load %arg4[%parallel_loop3A_521] {strides = array<i32>} : memref<65536xi32, #tpu.memory_space<vmem>>, vector<16xi32>,
      tpu.vector_store %arg4[%parallel_loop3A_521], %parallel_loop3A_518 {strides = array<i32>} : memref<65536xi32, #tpu.memory_space<vmem>>, vector<16xi32>,
      %parallel_loop3A_523 = arith.constant 20 : i32
      %parallel_loop3A_524 = vector.broadcast %parallel_loop3A_523 : i32 to vector<16xi32>
      %parallel_loop3A_525 = arith.shrsi %parallel_loop3A_518, %parallel_loop3A_524 : vector<16xi32>
      %parallel_loop3A_526 = arith.constant 2048 : i32
      %parallel_loop3A_527 = vector.broadcast %parallel_loop3A_526 : i32 to vector<16xi32>
      %parallel_loop3A_528 = arith.addi %parallel_loop3A_525, %parallel_loop3A_527 : vector<16xi32>
      tpu.vector_store_idx %arg5[%parallel_loop3A_528], %broadcast_in_dim3A_1 {add = true} : memref<4096xi32, #tpu.memory_space<vmem>>[vector<16xi32>], vector<16xi32>,
    } {sc.loop_unroll_factor = 4 : i64, sc.parallel_access}
    %dma_wait3A_83 = arith.constant 3 : i32
    %dma_wait3A_84 = arith.constant 49152 : i32
    %dma_wait3A_85 = tpu.memref_slice %arg4[%dma_wait3A_84] : memref<65536xi32, #tpu.memory_space<vmem>> -> memref<16384xi32, #tpu.memory_space<vmem>>
    %dma_wait3A_86 = tpu.memref_slice %arg2[%add3A_36] : memref<1048576xi32, #tpu.memory_space<hbm>> -> memref<16384xi32, #tpu.memory_space<hbm>>
    %dma_wait3A_87 = tpu.memref_slice %arg14[%dma_wait3A_83] : memref<4x!tpu.dma_semaphore, #tpu.memory_space<semaphore_mem>> -> memref<1x!tpu.dma_semaphore, #tpu.memory_space<semaphore_mem>>
    %dma_wait3A_88 = tpu.memref_squeeze %dma_wait3A_87 : memref<1x!tpu.dma_semaphore, #tpu.memory_space<semaphore_mem>> -> memref<!tpu.dma_semaphore, #tpu.memory_space<semaphore_mem>>
    %dma_wait3A_89 = arith.constant 49152 : i32
    %dma_wait3A_90 = tpu.memref_slice %arg4[%dma_wait3A_89] : memref<65536xi32, #tpu.memory_space<vmem>> -> memref<16384xi32, #tpu.memory_space<vmem>>
    %dma_wait3A_91 = tpu.memref_slice %arg2[%add3A_36] : memref<1048576xi32, #tpu.memory_space<hbm>> -> memref<16384xi32, #tpu.memory_space<hbm>>
    tpu.wait_dma2 semaphore(%dma_wait3A_88 : memref<!tpu.dma_semaphore, #tpu.memory_space<semaphore_mem>>) src(%dma_wait3A_91 : memref<16384xi32, #tpu.memory_space<hbm>>) dst(%dma_wait3A_90 : memref<16384xi32, #tpu.memory_space<vmem>>)
    %parallel_loop3A_92 = arith.constant 3072 : i32
    %parallel_loop3A_93 = arith.constant 4096 : i32
    %parallel_loop3A_94 = arith.constant 1 : i32
    scf.for %parallel_loop3A_507 = %parallel_loop3A_92 to %parallel_loop3A_93 step %parallel_loop3A_94  : i32 {
      %parallel_loop3A_508 = arith.constant 16 : i32
      %parallel_loop3A_509 = arith.muli %parallel_loop3A_508, %parallel_loop3A_507 : i32
      %parallel_loop3A_510 = arith.index_cast %parallel_loop3A_509 : i32 to index
      %parallel_loop3A_511 = tpu.vector_load %arg4[%parallel_loop3A_510] {strides = array<i32>} : memref<65536xi32, #tpu.memory_space<vmem>>, vector<16xi32>,
      %parallel_loop3A_512 = arith.constant 31 : i32
      %parallel_loop3A_513 = vector.broadcast %parallel_loop3A_512 : i32 to vector<16xi32>
      %parallel_loop3A_514 = arith.shrsi %parallel_loop3A_511, %parallel_loop3A_513 : vector<16xi32>
      %parallel_loop3A_515 = arith.constant 1 : i32
      %parallel_loop3A_516 = vector.broadcast %parallel_loop3A_515 : i32 to vector<16xi32>
      %parallel_loop3A_517 = arith.shrui %parallel_loop3A_514, %parallel_loop3A_516 : vector<16xi32>
      %parallel_loop3A_518 = arith.xori %parallel_loop3A_511, %parallel_loop3A_517 : vector<16xi32>
      %parallel_loop3A_519 = arith.constant 16 : i32
      %parallel_loop3A_520 = arith.muli %parallel_loop3A_519, %parallel_loop3A_507 : i32
      %parallel_loop3A_521 = arith.index_cast %parallel_loop3A_520 : i32 to index
      %parallel_loop3A_522 = tpu.vector_load %arg4[%parallel_loop3A_521] {strides = array<i32>} : memref<65536xi32, #tpu.memory_space<vmem>>, vector<16xi32>,
      tpu.vector_store %arg4[%parallel_loop3A_521], %parallel_loop3A_518 {strides = array<i32>} : memref<65536xi32, #tpu.memory_space<vmem>>, vector<16xi32>,
      %parallel_loop3A_523 = arith.constant 20 : i32
      %parallel_loop3A_524 = vector.broadcast %parallel_loop3A_523 : i32 to vector<16xi32>
      %parallel_loop3A_525 = arith.shrsi %parallel_loop3A_518, %parallel_loop3A_524 : vector<16xi32>
      %parallel_loop3A_526 = arith.constant 2048 : i32
      %parallel_loop3A_527 = vector.broadcast %parallel_loop3A_526 : i32 to vector<16xi32>
      %parallel_loop3A_528 = arith.addi %parallel_loop3A_525, %parallel_loop3A_527 : vector<16xi32>
      tpu.vector_store_idx %arg5[%parallel_loop3A_528], %broadcast_in_dim3A_1 {add = true} : memref<4096xi32, #tpu.memory_space<vmem>>[vector<16xi32>], vector<16xi32>,
    } {sc.loop_unroll_factor = 4 : i64, sc.parallel_access}
    "tpu.region"() ({
      %run_scoped3A = tpu.sem_alloc : memref<!tpu.dma_semaphore, #tpu.memory_space<semaphore_mem>>
      %dma_start3A_507 = arith.constant 0 : i32
      %dma_start3A_508 = tpu.memref_slice %arg15[%arg1, %dma_start3A_507] : memref<16x4096xi32, #tpu.memory_space<vmem_shared>> -> memref<1x4096xi32, #tpu.memory_space<vmem_shared>>
      %dma_start3A_509 = tpu.memref_squeeze %dma_start3A_508 : memref<1x4096xi32, #tpu.memory_space<vmem_shared>> -> memref<4096xi32, #tpu.memory_space<vmem_shared>>
      %dma_start3A_510 = arith.constant 0 : i32
      %dma_start3A_511 = tpu.memref_slice %arg15[%arg1, %dma_start3A_510] : memref<16x4096xi32, #tpu.memory_space<vmem_shared>> -> memref<1x4096xi32, #tpu.memory_space<vmem_shared>>
      %dma_start3A_512 = tpu.memref_squeeze %dma_start3A_511 : memref<1x4096xi32, #tpu.memory_space<vmem_shared>> -> memref<4096xi32, #tpu.memory_space<vmem_shared>>
      tpu.enqueue_dma source(%arg5 : memref<4096xi32, #tpu.memory_space<vmem>>) target(%dma_start3A_512 : memref<4096xi32, #tpu.memory_space<vmem_shared>>) target_semaphore(%run_scoped3A : memref<!tpu.dma_semaphore, #tpu.memory_space<semaphore_mem>>)
      %dma_wait3A_513 = arith.constant 0 : i32
      %dma_wait3A_514 = tpu.memref_slice %arg15[%arg1, %dma_wait3A_513] : memref<16x4096xi32, #tpu.memory_space<vmem_shared>> -> memref<1x4096xi32, #tpu.memory_space<vmem_shared>>
      %dma_wait3A_515 = tpu.memref_squeeze %dma_wait3A_514 : memref<1x4096xi32, #tpu.memory_space<vmem_shared>> -> memref<4096xi32, #tpu.memory_space<vmem_shared>>
      %dma_wait3A_516 = arith.constant 0 : i32
      %dma_wait3A_517 = tpu.memref_slice %arg15[%arg1, %dma_wait3A_516] : memref<16x4096xi32, #tpu.memory_space<vmem_shared>> -> memref<1x4096xi32, #tpu.memory_space<vmem_shared>>
      %dma_wait3A_518 = tpu.memref_squeeze %dma_wait3A_517 : memref<1x4096xi32, #tpu.memory_space<vmem_shared>> -> memref<4096xi32, #tpu.memory_space<vmem_shared>>
      tpu.wait_dma2 semaphore(%run_scoped3A : memref<!tpu.dma_semaphore, #tpu.memory_space<semaphore_mem>>) src(%arg5 : memref<4096xi32, #tpu.memory_space<vmem>>) dst(%dma_wait3A_518 : memref<4096xi32, #tpu.memory_space<vmem_shared>>)
      tpu.yield
    }) : () -> ()
    %barrier3A = arith.constant 0 : index
    tpu.barrier barrier_id(%barrier3A)
    %mul3A_95 = arith.constant 256 : i32
    %mul3A_96 = arith.muli %arg1, %mul3A_95 : i32
    %scan3A = arith.constant 0 : i32
    %scan3A_97 = arith.constant 0 : i32
    %scan3A_98 = arith.constant 16 : i32
    %scan3A_99 = arith.addi %scan3A_97, %scan3A_98 : i32
    %scan3A_100 = arith.constant 1 : i32
    scf.for %scan3A_507 = %scan3A_97 to %scan3A_99 step %scan3A_100  : i32 {
      "tpu.region"() ({
        %run_scoped3A = tpu.sem_alloc : memref<!tpu.dma_semaphore, #tpu.memory_space<semaphore_mem>>
        %dma_start3A_514 = tpu.memref_slice %arg15[%scan3A_507, %mul3A_96] : memref<16x4096xi32, #tpu.memory_space<vmem_shared>> -> memref<1x256xi32, #tpu.memory_space<vmem_shared>>
        %dma_start3A_515 = tpu.memref_squeeze %dma_start3A_514 : memref<1x256xi32, #tpu.memory_space<vmem_shared>> -> memref<256xi32, #tpu.memory_space<vmem_shared>>
        %dma_start3A_516 = tpu.memref_slice %arg15[%scan3A_507, %mul3A_96] : memref<16x4096xi32, #tpu.memory_space<vmem_shared>> -> memref<1x256xi32, #tpu.memory_space<vmem_shared>>
        %dma_start3A_517 = tpu.memref_squeeze %dma_start3A_516 : memref<1x256xi32, #tpu.memory_space<vmem_shared>> -> memref<256xi32, #tpu.memory_space<vmem_shared>>
        tpu.enqueue_dma source(%dma_start3A_517 : memref<256xi32, #tpu.memory_space<vmem_shared>>) target(%arg7 : memref<256xi32, #tpu.memory_space<vmem>>) target_semaphore(%run_scoped3A : memref<!tpu.dma_semaphore, #tpu.memory_space<semaphore_mem>>)
        %dma_wait3A_518 = tpu.memref_slice %arg15[%scan3A_507, %mul3A_96] : memref<16x4096xi32, #tpu.memory_space<vmem_shared>> -> memref<1x256xi32, #tpu.memory_space<vmem_shared>>
        %dma_wait3A_519 = tpu.memref_squeeze %dma_wait3A_518 : memref<1x256xi32, #tpu.memory_space<vmem_shared>> -> memref<256xi32, #tpu.memory_space<vmem_shared>>
        %dma_wait3A_520 = tpu.memref_slice %arg15[%scan3A_507, %mul3A_96] : memref<16x4096xi32, #tpu.memory_space<vmem_shared>> -> memref<1x256xi32, #tpu.memory_space<vmem_shared>>
        %dma_wait3A_521 = tpu.memref_squeeze %dma_wait3A_520 : memref<1x256xi32, #tpu.memory_space<vmem_shared>> -> memref<256xi32, #tpu.memory_space<vmem_shared>>
        tpu.wait_dma2 semaphore(%run_scoped3A : memref<!tpu.dma_semaphore, #tpu.memory_space<semaphore_mem>>) src(%dma_wait3A_521 : memref<256xi32, #tpu.memory_space<vmem_shared>>) dst(%arg7 : memref<256xi32, #tpu.memory_space<vmem>>)
        tpu.yield
      }) : () -> ()
      %scan3A_508 = arith.constant 0 : i32
      %scan3A_509 = arith.constant 0 : i32
      %scan3A_510 = arith.constant 16 : i32
      %scan3A_511 = arith.addi %scan3A_509, %scan3A_510 : i32
      %scan3A_512 = arith.constant 1 : i32
      scf.for %scan3A_514 = %scan3A_509 to %scan3A_511 step %scan3A_512  : i32 {
        %mul3A_515 = arith.constant 16 : i32
        %mul3A_516 = arith.muli %mul3A_515, %scan3A_514 : i32
        %eq3A_517 = arith.constant 0 : i32
        %eq3A_518 = arith.cmpi eq, %scan3A_507, %eq3A_517 : i32
        %get3A_519 = arith.index_cast %mul3A_516 : i32 to index
        %get3A_520 = tpu.vector_load %arg7[%get3A_519] {strides = array<i32>} : memref<256xi32, #tpu.memory_space<vmem>>, vector<16xi32>,
        %get3A_521 = arith.index_cast %mul3A_516 : i32 to index
        %get3A_522 = tpu.vector_load %arg6[%get3A_521] {strides = array<i32>} : memref<4096xi32, #tpu.memory_space<vmem>>, vector<16xi32>,
        %get3A_523 = arith.index_cast %mul3A_516 : i32 to index
        %get3A_524 = tpu.vector_load %arg7[%get3A_523] {strides = array<i32>} : memref<256xi32, #tpu.memory_space<vmem>>, vector<16xi32>,
        %add3A_525 = arith.addi %get3A_522, %get3A_524 : vector<16xi32>
        %select_n3A_526 = arith.select %eq3A_518, %get3A_520, %add3A_525 : vector<16xi32>
        %swap3A = arith.index_cast %mul3A_516 : i32 to index
        %swap3A_527 = tpu.vector_load %arg6[%swap3A] {strides = array<i32>} : memref<4096xi32, #tpu.memory_space<vmem>>, vector<16xi32>,
        tpu.vector_store %arg6[%swap3A], %select_n3A_526 {strides = array<i32>} : memref<4096xi32, #tpu.memory_space<vmem>>, vector<16xi32>,
      }
      %scan3A_513 = arith.constant 16 : i32
    }
    %scan3A_101 = arith.constant 16 : i32
    "tpu.region"() ({
      %run_scoped3A = tpu.sem_alloc : memref<!tpu.dma_semaphore, #tpu.memory_space<semaphore_mem>>
      %dma_start3A_507 = arith.constant 0 : i32
      %dma_start3A_508 = tpu.memref_slice %arg6[%dma_start3A_507] : memref<4096xi32, #tpu.memory_space<vmem>> -> memref<256xi32, #tpu.memory_space<vmem>>
      %dma_start3A_509 = tpu.memref_slice %arg16[%mul3A_96] : memref<4096xi32, #tpu.memory_space<vmem_shared>> -> memref<256xi32, #tpu.memory_space<vmem_shared>>
      %dma_start3A_510 = tpu.memref_slice %arg16[%mul3A_96] : memref<4096xi32, #tpu.memory_space<vmem_shared>> -> memref<256xi32, #tpu.memory_space<vmem_shared>>
      %dma_start3A_511 = arith.constant 0 : i32
      %dma_start3A_512 = tpu.memref_slice %arg6[%dma_start3A_511] : memref<4096xi32, #tpu.memory_space<vmem>> -> memref<256xi32, #tpu.memory_space<vmem>>
      tpu.enqueue_dma source(%dma_start3A_512 : memref<256xi32, #tpu.memory_space<vmem>>) target(%dma_start3A_510 : memref<256xi32, #tpu.memory_space<vmem_shared>>) target_semaphore(%run_scoped3A : memref<!tpu.dma_semaphore, #tpu.memory_space<semaphore_mem>>)
      %dma_wait3A_513 = arith.constant 0 : i32
      %dma_wait3A_514 = tpu.memref_slice %arg6[%dma_wait3A_513] : memref<4096xi32, #tpu.memory_space<vmem>> -> memref<256xi32, #tpu.memory_space<vmem>>
      %dma_wait3A_515 = tpu.memref_slice %arg16[%mul3A_96] : memref<4096xi32, #tpu.memory_space<vmem_shared>> -> memref<256xi32, #tpu.memory_space<vmem_shared>>
      %dma_wait3A_516 = tpu.memref_slice %arg16[%mul3A_96] : memref<4096xi32, #tpu.memory_space<vmem_shared>> -> memref<256xi32, #tpu.memory_space<vmem_shared>>
      %dma_wait3A_517 = arith.constant 0 : i32
      %dma_wait3A_518 = tpu.memref_slice %arg6[%dma_wait3A_517] : memref<4096xi32, #tpu.memory_space<vmem>> -> memref<256xi32, #tpu.memory_space<vmem>>
      tpu.wait_dma2 semaphore(%run_scoped3A : memref<!tpu.dma_semaphore, #tpu.memory_space<semaphore_mem>>) src(%dma_wait3A_518 : memref<256xi32, #tpu.memory_space<vmem>>) dst(%dma_wait3A_516 : memref<256xi32, #tpu.memory_space<vmem_shared>>)
      tpu.yield
    }) : () -> ()
    %barrier3A_102 = arith.constant 0 : index
    tpu.barrier barrier_id(%barrier3A_102)
    "tpu.region"() ({
      %run_scoped3A = tpu.sem_alloc : memref<!tpu.dma_semaphore, #tpu.memory_space<semaphore_mem>>
      tpu.enqueue_dma source(%arg16 : memref<4096xi32, #tpu.memory_space<vmem_shared>>) target(%arg6 : memref<4096xi32, #tpu.memory_space<vmem>>) target_semaphore(%run_scoped3A : memref<!tpu.dma_semaphore, #tpu.memory_space<semaphore_mem>>)
      tpu.wait_dma2 semaphore(%run_scoped3A : memref<!tpu.dma_semaphore, #tpu.memory_space<semaphore_mem>>) src(%arg16 : memref<4096xi32, #tpu.memory_space<vmem_shared>>) dst(%arg6 : memref<4096xi32, #tpu.memory_space<vmem>>)
      tpu.yield
    }) : () -> ()
    %while3A = arith.constant 0 : i32
    %while3A_103 = arith.constant 0 : i32
    %while3A_104 = arith.constant -1 : i32
    %while3A_105 = arith.constant 0 : i32
    %while3A_106:4 = scf.while (%while3A_507 = %while3A, %while3A_508 = %while3A_103, %while3A_509 = %while3A_104, %while3A_510 = %while3A_105) : (i32, i32, i32, i32) -> (i32, i32, i32, i32) {
      %lt3A_511 = arith.constant 256 : i32
      %lt3A_512 = arith.cmpi slt, %while3A_507, %lt3A_511 : i32
      %lt3A_513 = arith.constant 0 : i32
      %lt3A_514 = arith.cmpi slt, %while3A_509, %lt3A_513 : i32
      %and3A_515 = arith.andi %lt3A_512, %lt3A_514 : i1
      scf.condition(%and3A_515) %while3A_507, %while3A_508, %while3A_509, %while3A_510 : i32, i32, i32, i32
    } do {
    ^bb0(%while3A_507: i32, %while3A_508: i32, %while3A_509: i32, %while3A_510: i32):
      %sub3A_511 = arith.constant 255 : i32
      %sub3A_512 = arith.subi %sub3A_511, %while3A_507 : i32
      %mul3A_513 = arith.constant 16 : i32
      %mul3A_514 = arith.muli %mul3A_513, %sub3A_512 : i32
      %add3A_515 = arith.constant 0 : i32
      %add3A_516 = arith.addi %add3A_515, %mul3A_514 : i32
      %get3A_517 = arith.index_cast %add3A_516 : i32 to index
      %get3A_518 = tpu.vector_load %arg6[%get3A_517] {strides = array<i32>} : memref<4096xi32, #tpu.memory_space<vmem>>, vector<16xi32>,
      %reduce_sum3A_519 = arith.constant true
      %reduce_sum3A_520 = vector.broadcast %reduce_sum3A_519 : i1 to vector<16xi1>
      %reduce_sum3A_521 = tpu.scan <sum>, %get3A_518 masked %reduce_sum3A_520 : vector<16xi32>, vector<16xi1> -> vector<16xi32>
      %reduce_sum3A_522 = vector.extract %reduce_sum3A_521[15] : i32 from vector<16xi32>
      %add3A_523 = arith.addi %while3A_508, %reduce_sum3A_522 : i32
      %ge3A_524 = arith.constant 16384 : i32
      %ge3A_525 = arith.cmpi sge, %add3A_523, %ge3A_524 : i32
      %select_n3A_526 = arith.select %ge3A_525, %sub3A_512, %while3A_509 : i32
      %select_n3A_527 = arith.select %ge3A_525, %while3A_508, %while3A_510 : i32
      %add3A_528 = arith.constant 1 : i32
      %add3A_529 = arith.addi %while3A_507, %add3A_528 : i32
      scf.yield %add3A_529, %add3A_523, %select_n3A_526, %select_n3A_527 : i32, i32, i32, i32
    }
    %mul3A_107 = arith.constant 16 : i32
    %mul3A_108 = arith.muli %mul3A_107, %while3A_106#2 : i32
    %add3A_109 = arith.constant 0 : i32
    %add3A_110 = arith.addi %add3A_109, %mul3A_108 : i32
    %get3A = arith.index_cast %add3A_110 : i32 to index
    %get3A_111 = tpu.vector_load %arg6[%get3A] {strides = array<i32>} : memref<4096xi32, #tpu.memory_space<vmem>>, vector<16xi32>,
    %broadcast_in_dim3A_112 = arith.constant true
    %broadcast_in_dim3A_113 = vector.broadcast %broadcast_in_dim3A_112 : i1 to vector<16xi1>
    %masked_cumsum3A = tpu.scan <sum>, %get3A_111 masked %broadcast_in_dim3A_113 : vector<16xi32>, vector<16xi1> -> vector<16xi32>
    %slice3A = vector.extract_strided_slice %masked_cumsum3A {offsets = [15], sizes = [1], strides = [1]} : vector<16xi32> to vector<1xi32>
    %squeeze3A = vector.extract %slice3A[0] : i32 from vector<1xi32>
    %add3A_114 = arith.addi %while3A_106#3, %squeeze3A : i32
    %sub3A = vector.broadcast %add3A_114 : i32 to vector<16xi32>
    %sub3A_115 = arith.subi %sub3A, %masked_cumsum3A : vector<16xi32>
    %add3A_116 = arith.addi %sub3A_115, %get3A_111 : vector<16xi32>
    %ge3A = arith.constant 16384 : i32
    %ge3A_117 = vector.broadcast %ge3A : i32 to vector<16xi32>
    %ge3A_118 = arith.cmpi sge, %add3A_116, %ge3A_117 : vector<16xi32>
    %convert_element_type3A = arith.extui %ge3A_118 : vector<16xi1> to vector<16xi32>
    %reduce_sum3A = arith.constant true
    %reduce_sum3A_119 = vector.broadcast %reduce_sum3A : i1 to vector<16xi1>
    %reduce_sum3A_120 = tpu.scan <sum>, %convert_element_type3A masked %reduce_sum3A_119 : vector<16xi32>, vector<16xi1> -> vector<16xi32>
    %reduce_sum3A_121 = vector.extract %reduce_sum3A_120[15] : i32 from vector<16xi32>
    %sub3A_122 = arith.constant 1 : i32
    %sub3A_123 = arith.subi %reduce_sum3A_121, %sub3A_122 : i32
    %iota3A_124 = tpu.iota {dimensions = array<i32: 0>} : vector<16xi32>
    %eq3A = vector.broadcast %sub3A_123 : i32 to vector<16xi32>
    %eq3A_125 = arith.cmpi eq, %iota3A_124, %eq3A : vector<16xi32>
    %jit3A = arith.constant 0 : i32
    %broadcast_in_dim3A_126 = vector.broadcast %jit3A : i32 to vector<16xi32>
    %select_n3A = arith.select %eq3A_125, %masked_cumsum3A, %broadcast_in_dim3A_126 : vector<16xi1>, vector<16xi32>
    %reduce_sum3A_127 = arith.constant true
    %reduce_sum3A_128 = vector.broadcast %reduce_sum3A_127 : i1 to vector<16xi1>
    %reduce_sum3A_129 = tpu.scan <sum>, %select_n3A masked %reduce_sum3A_128 : vector<16xi32>, vector<16xi1> -> vector<16xi32>
    %reduce_sum3A_130 = vector.extract %reduce_sum3A_129[15] : i32 from vector<16xi32>
    %mul3A_131 = arith.constant 16 : i32
    %mul3A_132 = arith.muli %mul3A_131, %while3A_106#2 : i32
    %add3A_133 = arith.addi %mul3A_132, %sub3A_123 : i32
    %add3A_134 = arith.addi %while3A_106#3, %squeeze3A : i32
    %sub3A_135 = arith.subi %add3A_134, %reduce_sum3A_130 : i32
    %parallel_loop3A_136 = arith.constant 0 : i32
    %parallel_loop3A_137 = arith.constant 256 : i32
    %parallel_loop3A_138 = arith.constant 1 : i32
    scf.for %parallel_loop3A_507 = %parallel_loop3A_136 to %parallel_loop3A_137 step %parallel_loop3A_138  : i32 {
      %parallel_loop3A_508 = arith.constant 16 : i32
      %parallel_loop3A_509 = arith.muli %parallel_loop3A_508, %parallel_loop3A_507 : i32
      %parallel_loop3A_510 = arith.index_cast %parallel_loop3A_509 : i32 to index
      %parallel_loop3A_511 = tpu.vector_load %arg5[%parallel_loop3A_510] {strides = array<i32>} : memref<4096xi32, #tpu.memory_space<vmem>>, vector<16xi32>,
      tpu.vector_store %arg5[%parallel_loop3A_510], %broadcast_in_dim3A_3 {strides = array<i32>} : memref<4096xi32, #tpu.memory_space<vmem>>, vector<16xi32>,
    } {sc.loop_unroll_factor = 4 : i64, sc.parallel_access}
    %sub3A_139 = arith.constant 2048 : i32
    %sub3A_140 = arith.subi %add3A_133, %sub3A_139 : i32
    %parallel_loop3A_141 = arith.constant 0 : i32
    %parallel_loop3A_142 = arith.constant 4096 : i32
    %parallel_loop3A_143 = arith.constant 1 : i32
    %parallel_loop3A_144 = arith.constant 0 : i32
    %parallel_loop3A_145 = scf.for %parallel_loop3A_507 = %parallel_loop3A_141 to %parallel_loop3A_142 step %parallel_loop3A_143 iter_args(%parallel_loop3A_508 = %parallel_loop3A_144) -> (i32)  : i32 {
      %parallel_loop3A_509 = arith.constant 16 : i32
      %parallel_loop3A_510 = arith.muli %parallel_loop3A_509, %parallel_loop3A_507 : i32
      %parallel_loop3A_511 = arith.index_cast %parallel_loop3A_510 : i32 to index
      %parallel_loop3A_512 = tpu.vector_load %arg4[%parallel_loop3A_511] {strides = array<i32>} : memref<65536xi32, #tpu.memory_space<vmem>>, vector<16xi32>,
      %parallel_loop3A_513 = arith.constant 20 : i32
      %parallel_loop3A_514 = vector.broadcast %parallel_loop3A_513 : i32 to vector<16xi32>
      %parallel_loop3A_515 = arith.shrsi %parallel_loop3A_512, %parallel_loop3A_514 : vector<16xi32>
      %parallel_loop3A_516 = vector.broadcast %sub3A_140 : i32 to vector<16xi32>
      %parallel_loop3A_517 = arith.cmpi eq, %parallel_loop3A_515, %parallel_loop3A_516 : vector<16xi32>
      %parallel_loop3A_518 = arith.constant 8 : i32
      %parallel_loop3A_519 = vector.broadcast %parallel_loop3A_518 : i32 to vector<16xi32>
      %parallel_loop3A_520 = arith.shrsi %parallel_loop3A_512, %parallel_loop3A_519 : vector<16xi32>
      %parallel_loop3A_521 = arith.constant 4095 : i32
      %parallel_loop3A_522 = vector.broadcast %parallel_loop3A_521 : i32 to vector<16xi32>
      %parallel_loop3A_523 = arith.andi %parallel_loop3A_520, %parallel_loop3A_522 : vector<16xi32>
      tpu.vector_store_idx %arg5[%parallel_loop3A_523], %broadcast_in_dim3A_1 masked %parallel_loop3A_517 {add = true} : memref<4096xi32, #tpu.memory_space<vmem>>[vector<16xi32>], vector<16xi32>, vector<16xi1>
      %parallel_loop3A_524 = arith.constant 16368 : i32
      %parallel_loop3A_525 = arith.minsi %parallel_loop3A_508, %parallel_loop3A_524 : i32
      %parallel_loop3A_526 = arith.constant 16368 : i32
      %parallel_loop3A_527 = arith.cmpi sle, %parallel_loop3A_508, %parallel_loop3A_526 : i32
      %parallel_loop3A_528 = vector.broadcast %parallel_loop3A_527 : i1 to vector<16xi1>
      %parallel_loop3A_529 = arith.andi %parallel_loop3A_517, %parallel_loop3A_528 : vector<16xi1>
      %parallel_loop3A_530 = arith.index_cast %parallel_loop3A_525 : i32 to index
      %parallel_loop3A_531 = tpu.vector_load %arg9[%parallel_loop3A_530] masked %parallel_loop3A_529 {strides = array<i32>} : memref<16384xi32, #tpu.memory_space<vmem>>, vector<16xi32>, vector<16xi1>
      tpu.vector_store %arg9[%parallel_loop3A_530], %parallel_loop3A_512 masked %parallel_loop3A_529 {strides = array<i32>} : memref<16384xi32, #tpu.memory_space<vmem>>, vector<16xi32>, vector<16xi1>
      %parallel_loop3A_532 = arith.constant 16 : i32
      %parallel_loop3A_533 = arith.muli %parallel_loop3A_532, %parallel_loop3A_507 : i32
      %parallel_loop3A_534 = vector.broadcast %parallel_loop3A_533 : i32 to vector<16xi32>
      %parallel_loop3A_535 = arith.addi %parallel_loop3A_534, %iota3A : vector<16xi32>
      %parallel_loop3A_536 = arith.index_cast %parallel_loop3A_525 : i32 to index
      %parallel_loop3A_537 = tpu.vector_load %arg10[%parallel_loop3A_536] masked %parallel_loop3A_529 {strides = array<i32>} : memref<16400xi32, #tpu.memory_space<vmem>>, vector<16xi32>, vector<16xi1>
      tpu.vector_store %arg10[%parallel_loop3A_536], %parallel_loop3A_535 masked %parallel_loop3A_529 {strides = array<i32>} : memref<16400xi32, #tpu.memory_space<vmem>>, vector<16xi32>, vector<16xi1>
      %parallel_loop3A_538 = arith.extui %parallel_loop3A_517 : vector<16xi1> to vector<16xi32>
      %parallel_loop3A_539 = arith.constant true
      %parallel_loop3A_540 = vector.broadcast %parallel_loop3A_539 : i1 to vector<16xi1>
      %parallel_loop3A_541 = tpu.scan <sum>, %parallel_loop3A_538 masked %parallel_loop3A_540 : vector<16xi32>, vector<16xi1> -> vector<16xi32>
      %parallel_loop3A_542 = vector.extract %parallel_loop3A_541[15] : i32 from vector<16xi32>
      %parallel_loop3A_543 = arith.addi %parallel_loop3A_508, %parallel_loop3A_542 : i32
      scf.yield %parallel_loop3A_543 : i32
    } {sc.loop_unroll_factor = 4 : i64, sc.parallel_access}
    %gt3A = arith.constant 16368 : i32
    %gt3A_146 = arith.cmpi sgt, %parallel_loop3A_145, %gt3A : i32
    %min3A = arith.constant 16384 : i32
    %min3A_147 = arith.minsi %parallel_loop3A_145, %min3A : i32
    %add3A_148 = arith.constant 15 : i32
    %add3A_149 = arith.addi %min3A_147, %add3A_148 : i32
    %jit3A_150 = arith.constant 16 : i32
    %div3A = arith.divsi %add3A_149, %jit3A_150 : i32
    %sign3A = arith.constant 0 : i32
    %sign3A_151 = arith.cmpi sgt, %add3A_149, %sign3A : i32
    %sign3A_152 = arith.extui %sign3A_151 : i1 to i32
    %sign3A_153 = arith.constant 0 : i32
    %sign3A_154 = arith.cmpi slt, %add3A_149, %sign3A_153 : i32
    %sign3A_155 = arith.extui %sign3A_154 : i1 to i32
    %sign3A_156 = arith.subi %sign3A_152, %sign3A_155 : i32
    %sign3A_157 = arith.constant 0 : i32
    %sign3A_158 = arith.cmpi sgt, %jit3A_150, %sign3A_157 : i32
    %sign3A_159 = arith.extui %sign3A_158 : i1 to i32
    %sign3A_160 = arith.constant 0 : i32
    %sign3A_161 = arith.cmpi slt, %jit3A_150, %sign3A_160 : i32
    %sign3A_162 = arith.extui %sign3A_161 : i1 to i32
    %sign3A_163 = arith.subi %sign3A_159, %sign3A_162 : i32
    %ne3A = arith.cmpi ne, %sign3A_156, %sign3A_163 : i32
    %rem3A = arith.remsi %add3A_149, %jit3A_150 : i32
    %ne3A_164 = arith.constant 0 : i32
    %ne3A_165 = arith.cmpi ne, %rem3A, %ne3A_164 : i32
    %and3A = arith.andi %ne3A, %ne3A_165 : i1
    %sub3A_166 = arith.constant 1 : i32
    %sub3A_167 = arith.subi %div3A, %sub3A_166 : i32
    %select_n3A_168 = arith.select %and3A, %sub3A_167, %div3A : i32
    "tpu.region"() ({
      %run_scoped3A = tpu.sem_alloc : memref<!tpu.dma_semaphore, #tpu.memory_space<semaphore_mem>>
      %dma_start3A_507 = arith.constant 0 : i32
      %dma_start3A_508 = tpu.memref_slice %arg15[%arg1, %dma_start3A_507] : memref<16x4096xi32, #tpu.memory_space<vmem_shared>> -> memref<1x4096xi32, #tpu.memory_space<vmem_shared>>
      %dma_start3A_509 = tpu.memref_squeeze %dma_start3A_508 : memref<1x4096xi32, #tpu.memory_space<vmem_shared>> -> memref<4096xi32, #tpu.memory_space<vmem_shared>>
      %dma_start3A_510 = arith.constant 0 : i32
      %dma_start3A_511 = tpu.memref_slice %arg15[%arg1, %dma_start3A_510] : memref<16x4096xi32, #tpu.memory_space<vmem_shared>> -> memref<1x4096xi32, #tpu.memory_space<vmem_shared>>
      %dma_start3A_512 = tpu.memref_squeeze %dma_start3A_511 : memref<1x4096xi32, #tpu.memory_space<vmem_shared>> -> memref<4096xi32, #tpu.memory_space<vmem_shared>>
      tpu.enqueue_dma source(%arg5 : memref<4096xi32, #tpu.memory_space<vmem>>) target(%dma_start3A_512 : memref<4096xi32, #tpu.memory_space<vmem_shared>>) target_semaphore(%run_scoped3A : memref<!tpu.dma_semaphore, #tpu.memory_space<semaphore_mem>>)
      %dma_wait3A_513 = arith.constant 0 : i32
      %dma_wait3A_514 = tpu.memref_slice %arg15[%arg1, %dma_wait3A_513] : memref<16x4096xi32, #tpu.memory_space<vmem_shared>> -> memref<1x4096xi32, #tpu.memory_space<vmem_shared>>
      %dma_wait3A_515 = tpu.memref_squeeze %dma_wait3A_514 : memref<1x4096xi32, #tpu.memory_space<vmem_shared>> -> memref<4096xi32, #tpu.memory_space<vmem_shared>>
      %dma_wait3A_516 = arith.constant 0 : i32
      %dma_wait3A_517 = tpu.memref_slice %arg15[%arg1, %dma_wait3A_516] : memref<16x4096xi32, #tpu.memory_space<vmem_shared>> -> memref<1x4096xi32, #tpu.memory_space<vmem_shared>>
      %dma_wait3A_518 = tpu.memref_squeeze %dma_wait3A_517 : memref<1x4096xi32, #tpu.memory_space<vmem_shared>> -> memref<4096xi32, #tpu.memory_space<vmem_shared>>
      tpu.wait_dma2 semaphore(%run_scoped3A : memref<!tpu.dma_semaphore, #tpu.memory_space<semaphore_mem>>) src(%arg5 : memref<4096xi32, #tpu.memory_space<vmem>>) dst(%dma_wait3A_518 : memref<4096xi32, #tpu.memory_space<vmem_shared>>)
      tpu.yield
    }) : () -> ()
    %barrier3A_169 = arith.constant 0 : index
    tpu.barrier barrier_id(%barrier3A_169)
    %mul3A_170 = arith.constant 256 : i32
    %mul3A_171 = arith.muli %arg1, %mul3A_170 : i32
    %scan3A_172 = arith.constant 0 : i32
    %scan3A_173 = arith.constant 0 : i32
    %scan3A_174 = arith.constant 16 : i32
    %scan3A_175 = arith.addi %scan3A_173, %scan3A_174 : i32
    %scan3A_176 = arith.constant 1 : i32
    scf.for %scan3A_507 = %scan3A_173 to %scan3A_175 step %scan3A_176  : i32 {
      "tpu.region"() ({
        %run_scoped3A = tpu.sem_alloc : memref<!tpu.dma_semaphore, #tpu.memory_space<semaphore_mem>>
        %dma_start3A_514 = tpu.memref_slice %arg15[%scan3A_507, %mul3A_171] : memref<16x4096xi32, #tpu.memory_space<vmem_shared>> -> memref<1x256xi32, #tpu.memory_space<vmem_shared>>
        %dma_start3A_515 = tpu.memref_squeeze %dma_start3A_514 : memref<1x256xi32, #tpu.memory_space<vmem_shared>> -> memref<256xi32, #tpu.memory_space<vmem_shared>>
        %dma_start3A_516 = tpu.memref_slice %arg15[%scan3A_507, %mul3A_171] : memref<16x4096xi32, #tpu.memory_space<vmem_shared>> -> memref<1x256xi32, #tpu.memory_space<vmem_shared>>
        %dma_start3A_517 = tpu.memref_squeeze %dma_start3A_516 : memref<1x256xi32, #tpu.memory_space<vmem_shared>> -> memref<256xi32, #tpu.memory_space<vmem_shared>>
        tpu.enqueue_dma source(%dma_start3A_517 : memref<256xi32, #tpu.memory_space<vmem_shared>>) target(%arg7 : memref<256xi32, #tpu.memory_space<vmem>>) target_semaphore(%run_scoped3A : memref<!tpu.dma_semaphore, #tpu.memory_space<semaphore_mem>>)
        %dma_wait3A_518 = tpu.memref_slice %arg15[%scan3A_507, %mul3A_171] : memref<16x4096xi32, #tpu.memory_space<vmem_shared>> -> memref<1x256xi32, #tpu.memory_space<vmem_shared>>
        %dma_wait3A_519 = tpu.memref_squeeze %dma_wait3A_518 : memref<1x256xi32, #tpu.memory_space<vmem_shared>> -> memref<256xi32, #tpu.memory_space<vmem_shared>>
        %dma_wait3A_520 = tpu.memref_slice %arg15[%scan3A_507, %mul3A_171] : memref<16x4096xi32, #tpu.memory_space<vmem_shared>> -> memref<1x256xi32, #tpu.memory_space<vmem_shared>>
        %dma_wait3A_521 = tpu.memref_squeeze %dma_wait3A_520 : memref<1x256xi32, #tpu.memory_space<vmem_shared>> -> memref<256xi32, #tpu.memory_space<vmem_shared>>
        tpu.wait_dma2 semaphore(%run_scoped3A : memref<!tpu.dma_semaphore, #tpu.memory_space<semaphore_mem>>) src(%dma_wait3A_521 : memref<256xi32, #tpu.memory_space<vmem_shared>>) dst(%arg7 : memref<256xi32, #tpu.memory_space<vmem>>)
        tpu.yield
      }) : () -> ()
      %scan3A_508 = arith.constant 0 : i32
      %scan3A_509 = arith.constant 0 : i32
      %scan3A_510 = arith.constant 16 : i32
      %scan3A_511 = arith.addi %scan3A_509, %scan3A_510 : i32
      %scan3A_512 = arith.constant 1 : i32
      scf.for %scan3A_514 = %scan3A_509 to %scan3A_511 step %scan3A_512  : i32 {
        %mul3A_515 = arith.constant 16 : i32
        %mul3A_516 = arith.muli %mul3A_515, %scan3A_514 : i32
        %eq3A_517 = arith.constant 0 : i32
        %eq3A_518 = arith.cmpi eq, %scan3A_507, %eq3A_517 : i32
        %get3A_519 = arith.index_cast %mul3A_516 : i32 to index
        %get3A_520 = tpu.vector_load %arg7[%get3A_519] {strides = array<i32>} : memref<256xi32, #tpu.memory_space<vmem>>, vector<16xi32>,
        %get3A_521 = arith.index_cast %mul3A_516 : i32 to index
        %get3A_522 = tpu.vector_load %arg6[%get3A_521] {strides = array<i32>} : memref<4096xi32, #tpu.memory_space<vmem>>, vector<16xi32>,
        %get3A_523 = arith.index_cast %mul3A_516 : i32 to index
        %get3A_524 = tpu.vector_load %arg7[%get3A_523] {strides = array<i32>} : memref<256xi32, #tpu.memory_space<vmem>>, vector<16xi32>,
        %add3A_525 = arith.addi %get3A_522, %get3A_524 : vector<16xi32>
        %select_n3A_526 = arith.select %eq3A_518, %get3A_520, %add3A_525 : vector<16xi32>
        %swap3A = arith.index_cast %mul3A_516 : i32 to index
        %swap3A_527 = tpu.vector_load %arg6[%swap3A] {strides = array<i32>} : memref<4096xi32, #tpu.memory_space<vmem>>, vector<16xi32>,
        tpu.vector_store %arg6[%swap3A], %select_n3A_526 {strides = array<i32>} : memref<4096xi32, #tpu.memory_space<vmem>>, vector<16xi32>,
      }
      %scan3A_513 = arith.constant 16 : i32
    }
    %scan3A_177 = arith.constant 16 : i32
    "tpu.region"() ({
      %run_scoped3A = tpu.sem_alloc : memref<!tpu.dma_semaphore, #tpu.memory_space<semaphore_mem>>
      %dma_start3A_507 = arith.constant 0 : i32
      %dma_start3A_508 = tpu.memref_slice %arg6[%dma_start3A_507] : memref<4096xi32, #tpu.memory_space<vmem>> -> memref<256xi32, #tpu.memory_space<vmem>>
      %dma_start3A_509 = tpu.memref_slice %arg16[%mul3A_171] : memref<4096xi32, #tpu.memory_space<vmem_shared>> -> memref<256xi32, #tpu.memory_space<vmem_shared>>
      %dma_start3A_510 = tpu.memref_slice %arg16[%mul3A_171] : memref<4096xi32, #tpu.memory_space<vmem_shared>> -> memref<256xi32, #tpu.memory_space<vmem_shared>>
      %dma_start3A_511 = arith.constant 0 : i32
      %dma_start3A_512 = tpu.memref_slice %arg6[%dma_start3A_511] : memref<4096xi32, #tpu.memory_space<vmem>> -> memref<256xi32, #tpu.memory_space<vmem>>
      tpu.enqueue_dma source(%dma_start3A_512 : memref<256xi32, #tpu.memory_space<vmem>>) target(%dma_start3A_510 : memref<256xi32, #tpu.memory_space<vmem_shared>>) target_semaphore(%run_scoped3A : memref<!tpu.dma_semaphore, #tpu.memory_space<semaphore_mem>>)
      %dma_wait3A_513 = arith.constant 0 : i32
      %dma_wait3A_514 = tpu.memref_slice %arg6[%dma_wait3A_513] : memref<4096xi32, #tpu.memory_space<vmem>> -> memref<256xi32, #tpu.memory_space<vmem>>
      %dma_wait3A_515 = tpu.memref_slice %arg16[%mul3A_171] : memref<4096xi32, #tpu.memory_space<vmem_shared>> -> memref<256xi32, #tpu.memory_space<vmem_shared>>
      %dma_wait3A_516 = tpu.memref_slice %arg16[%mul3A_171] : memref<4096xi32, #tpu.memory_space<vmem_shared>> -> memref<256xi32, #tpu.memory_space<vmem_shared>>
      %dma_wait3A_517 = arith.constant 0 : i32
      %dma_wait3A_518 = tpu.memref_slice %arg6[%dma_wait3A_517] : memref<4096xi32, #tpu.memory_space<vmem>> -> memref<256xi32, #tpu.memory_space<vmem>>
      tpu.wait_dma2 semaphore(%run_scoped3A : memref<!tpu.dma_semaphore, #tpu.memory_space<semaphore_mem>>) src(%dma_wait3A_518 : memref<256xi32, #tpu.memory_space<vmem>>) dst(%dma_wait3A_516 : memref<256xi32, #tpu.memory_space<vmem_shared>>)
      tpu.yield
    }) : () -> ()
    %barrier3A_178 = arith.constant 0 : index
    tpu.barrier barrier_id(%barrier3A_178)
    "tpu.region"() ({
      %run_scoped3A = tpu.sem_alloc : memref<!tpu.dma_semaphore, #tpu.memory_space<semaphore_mem>>
      tpu.enqueue_dma source(%arg16 : memref<4096xi32, #tpu.memory_space<vmem_shared>>) target(%arg6 : memref<4096xi32, #tpu.memory_space<vmem>>) target_semaphore(%run_scoped3A : memref<!tpu.dma_semaphore, #tpu.memory_space<semaphore_mem>>)
      tpu.wait_dma2 semaphore(%run_scoped3A : memref<!tpu.dma_semaphore, #tpu.memory_space<semaphore_mem>>) src(%arg16 : memref<4096xi32, #tpu.memory_space<vmem_shared>>) dst(%arg6 : memref<4096xi32, #tpu.memory_space<vmem>>)
      tpu.yield
    }) : () -> ()
    %sub3A_179 = arith.constant 16384 : i32
    %sub3A_180 = arith.subi %sub3A_179, %sub3A_135 : i32
    %while3A_181 = arith.constant 0 : i32
    %while3A_182 = arith.constant 0 : i32
    %while3A_183 = arith.constant -1 : i32
    %while3A_184 = arith.constant 0 : i32
    %while3A_185:4 = scf.while (%while3A_507 = %while3A_181, %while3A_508 = %while3A_182, %while3A_509 = %while3A_183, %while3A_510 = %while3A_184) : (i32, i32, i32, i32) -> (i32, i32, i32, i32) {
      %lt3A_511 = arith.constant 256 : i32
      %lt3A_512 = arith.cmpi slt, %while3A_507, %lt3A_511 : i32
      %lt3A_513 = arith.constant 0 : i32
      %lt3A_514 = arith.cmpi slt, %while3A_509, %lt3A_513 : i32
      %and3A_515 = arith.andi %lt3A_512, %lt3A_514 : i1
      scf.condition(%and3A_515) %while3A_507, %while3A_508, %while3A_509, %while3A_510 : i32, i32, i32, i32
    } do {
    ^bb0(%while3A_507: i32, %while3A_508: i32, %while3A_509: i32, %while3A_510: i32):
      %sub3A_511 = arith.constant 255 : i32
      %sub3A_512 = arith.subi %sub3A_511, %while3A_507 : i32
      %mul3A_513 = arith.constant 16 : i32
      %mul3A_514 = arith.muli %mul3A_513, %sub3A_512 : i32
      %add3A_515 = arith.constant 0 : i32
      %add3A_516 = arith.addi %add3A_515, %mul3A_514 : i32
      %get3A_517 = arith.index_cast %add3A_516 : i32 to index
      %get3A_518 = tpu.vector_load %arg6[%get3A_517] {strides = array<i32>} : memref<4096xi32, #tpu.memory_space<vmem>>, vector<16xi32>,
      %reduce_sum3A_519 = arith.constant true
      %reduce_sum3A_520 = vector.broadcast %reduce_sum3A_519 : i1 to vector<16xi1>
      %reduce_sum3A_521 = tpu.scan <sum>, %get3A_518 masked %reduce_sum3A_520 : vector<16xi32>, vector<16xi1> -> vector<16xi32>
      %reduce_sum3A_522 = vector.extract %reduce_sum3A_521[15] : i32 from vector<16xi32>
      %add3A_523 = arith.addi %while3A_508, %reduce_sum3A_522 : i32
      %ge3A_524 = arith.cmpi sge, %add3A_523, %sub3A_180 : i32
      %select_n3A_525 = arith.select %ge3A_524, %sub3A_512, %while3A_509 : i32
      %select_n3A_526 = arith.select %ge3A_524, %while3A_508, %while3A_510 : i32
      %add3A_527 = arith.constant 1 : i32
      %add3A_528 = arith.addi %while3A_507, %add3A_527 : i32
      scf.yield %add3A_528, %add3A_523, %select_n3A_525, %select_n3A_526 : i32, i32, i32, i32
    }
    %mul3A_186 = arith.constant 16 : i32
    %mul3A_187 = arith.muli %mul3A_186, %while3A_185#2 : i32
    %add3A_188 = arith.constant 0 : i32
    %add3A_189 = arith.addi %add3A_188, %mul3A_187 : i32
    %get3A_190 = arith.index_cast %add3A_189 : i32 to index
    %get3A_191 = tpu.vector_load %arg6[%get3A_190] {strides = array<i32>} : memref<4096xi32, #tpu.memory_space<vmem>>, vector<16xi32>,
    %broadcast_in_dim3A_192 = arith.constant true
    %broadcast_in_dim3A_193 = vector.broadcast %broadcast_in_dim3A_192 : i1 to vector<16xi1>
    %masked_cumsum3A_194 = tpu.scan <sum>, %get3A_191 masked %broadcast_in_dim3A_193 : vector<16xi32>, vector<16xi1> -> vector<16xi32>
    %slice3A_195 = vector.extract_strided_slice %masked_cumsum3A_194 {offsets = [15], sizes = [1], strides = [1]} : vector<16xi32> to vector<1xi32>
    %squeeze3A_196 = vector.extract %slice3A_195[0] : i32 from vector<1xi32>
    %add3A_197 = arith.addi %while3A_185#3, %squeeze3A_196 : i32
    %sub3A_198 = vector.broadcast %add3A_197 : i32 to vector<16xi32>
    %sub3A_199 = arith.subi %sub3A_198, %masked_cumsum3A_194 : vector<16xi32>
    %add3A_200 = arith.addi %sub3A_199, %get3A_191 : vector<16xi32>
    %ge3A_201 = vector.broadcast %sub3A_180 : i32 to vector<16xi32>
    %ge3A_202 = arith.cmpi sge, %add3A_200, %ge3A_201 : vector<16xi32>
    %convert_element_type3A_203 = arith.extui %ge3A_202 : vector<16xi1> to vector<16xi32>
    %reduce_sum3A_204 = arith.constant true
    %reduce_sum3A_205 = vector.broadcast %reduce_sum3A_204 : i1 to vector<16xi1>
    %reduce_sum3A_206 = tpu.scan <sum>, %convert_element_type3A_203 masked %reduce_sum3A_205 : vector<16xi32>, vector<16xi1> -> vector<16xi32>
    %reduce_sum3A_207 = vector.extract %reduce_sum3A_206[15] : i32 from vector<16xi32>
    %sub3A_208 = arith.constant 1 : i32
    %sub3A_209 = arith.subi %reduce_sum3A_207, %sub3A_208 : i32
    %iota3A_210 = tpu.iota {dimensions = array<i32: 0>} : vector<16xi32>
    %eq3A_211 = vector.broadcast %sub3A_209 : i32 to vector<16xi32>
    %eq3A_212 = arith.cmpi eq, %iota3A_210, %eq3A_211 : vector<16xi32>
    %jit3A_213 = arith.constant 0 : i32
    %broadcast_in_dim3A_214 = vector.broadcast %jit3A_213 : i32 to vector<16xi32>
    %select_n3A_215 = arith.select %eq3A_212, %masked_cumsum3A_194, %broadcast_in_dim3A_214 : vector<16xi1>, vector<16xi32>
    %reduce_sum3A_216 = arith.constant true
    %reduce_sum3A_217 = vector.broadcast %reduce_sum3A_216 : i1 to vector<16xi1>
    %reduce_sum3A_218 = tpu.scan <sum>, %select_n3A_215 masked %reduce_sum3A_217 : vector<16xi32>, vector<16xi1> -> vector<16xi32>
    %reduce_sum3A_219 = vector.extract %reduce_sum3A_218[15] : i32 from vector<16xi32>
    %mul3A_220 = arith.constant 16 : i32
    %mul3A_221 = arith.muli %mul3A_220, %while3A_185#2 : i32
    %add3A_222 = arith.addi %mul3A_221, %sub3A_209 : i32
    %add3A_223 = arith.addi %while3A_185#3, %squeeze3A_196 : i32
    %sub3A_224 = arith.subi %add3A_223, %reduce_sum3A_219 : i32
    %add3A_225 = arith.addi %sub3A_135, %sub3A_224 : i32
    %mul3A_226 = arith.constant 4096 : i32
    %mul3A_227 = arith.muli %sub3A_140, %mul3A_226 : i32
    %add3A_228 = arith.addi %mul3A_227, %add3A_222 : i32
    %parallel_loop3A_229 = arith.constant 0 : i32
    %parallel_loop3A_230 = arith.constant 256 : i32
    %parallel_loop3A_231 = arith.constant 1 : i32
    scf.for %parallel_loop3A_507 = %parallel_loop3A_229 to %parallel_loop3A_230 step %parallel_loop3A_231  : i32 {
      %parallel_loop3A_508 = arith.constant 16 : i32
      %parallel_loop3A_509 = arith.muli %parallel_loop3A_508, %parallel_loop3A_507 : i32
      %parallel_loop3A_510 = arith.index_cast %parallel_loop3A_509 : i32 to index
      %parallel_loop3A_511 = tpu.vector_load %arg5[%parallel_loop3A_510] {strides = array<i32>} : memref<4096xi32, #tpu.memory_space<vmem>>, vector<16xi32>,
      tpu.vector_store %arg5[%parallel_loop3A_510], %broadcast_in_dim3A_3 {strides = array<i32>} : memref<4096xi32, #tpu.memory_space<vmem>>, vector<16xi32>,
    } {sc.loop_unroll_factor = 4 : i64, sc.parallel_access}
    %parallel_loop3A_232 = arith.constant 0 : i32
    %parallel_loop3A_233 = arith.constant 1 : i32
    scf.for %parallel_loop3A_507 = %parallel_loop3A_232 to %select_n3A_168 step %parallel_loop3A_233  : i32 {
      %parallel_loop3A_508 = arith.constant 16 : i32
      %parallel_loop3A_509 = arith.muli %parallel_loop3A_508, %parallel_loop3A_507 : i32
      %parallel_loop3A_510 = arith.index_cast %parallel_loop3A_509 : i32 to index
      %parallel_loop3A_511 = tpu.vector_load %arg9[%parallel_loop3A_510] {strides = array<i32>} : memref<16384xi32, #tpu.memory_space<vmem>>, vector<16xi32>,
      %parallel_loop3A_512 = arith.constant 16 : i32
      %parallel_loop3A_513 = arith.muli %parallel_loop3A_512, %parallel_loop3A_507 : i32
      %parallel_loop3A_514 = vector.broadcast %parallel_loop3A_513 : i32 to vector<16xi32>
      %parallel_loop3A_515 = arith.addi %parallel_loop3A_514, %iota3A : vector<16xi32>
      %parallel_loop3A_516 = vector.broadcast %parallel_loop3A_145 : i32 to vector<16xi32>
      %parallel_loop3A_517 = arith.cmpi slt, %parallel_loop3A_515, %parallel_loop3A_516 : vector<16xi32>
      %parallel_loop3A_518 = arith.constant 8 : i32
      %parallel_loop3A_519 = vector.broadcast %parallel_loop3A_518 : i32 to vector<16xi32>
      %parallel_loop3A_520 = arith.shrsi %parallel_loop3A_511, %parallel_loop3A_519 : vector<16xi32>
      %parallel_loop3A_521 = vector.broadcast %add3A_228 : i32 to vector<16xi32>
      %parallel_loop3A_522 = arith.cmpi eq, %parallel_loop3A_520, %parallel_loop3A_521 : vector<16xi32>
      %parallel_loop3A_523 = arith.andi %parallel_loop3A_517, %parallel_loop3A_522 : vector<16xi1>
      %parallel_loop3A_524 = arith.constant 255 : i32
      %parallel_loop3A_525 = vector.broadcast %parallel_loop3A_524 : i32 to vector<16xi32>
      %parallel_loop3A_526 = arith.andi %parallel_loop3A_511, %parallel_loop3A_525 : vector<16xi32>
      tpu.vector_store_idx %arg5[%parallel_loop3A_526], %broadcast_in_dim3A_1 masked %parallel_loop3A_523 {add = true} : memref<4096xi32, #tpu.memory_space<vmem>>[vector<16xi32>], vector<16xi32>, vector<16xi1>
    } {sc.loop_unroll_factor = 2 : i64, sc.parallel_access}
    %convert_element_type3A_234 = arith.extui %gt3A_146 : i1 to i32
    %cond3A = arith.constant 0 : i32
    %cond3A_235 = arith.cmpi ne, %convert_element_type3A_234, %cond3A : i32
    scf.if %cond3A_235 {
      %parallel_loop3A_507 = arith.constant 0 : i32
      %parallel_loop3A_508 = arith.constant 256 : i32
      %parallel_loop3A_509 = arith.constant 1 : i32
      scf.for %parallel_loop3A_513 = %parallel_loop3A_507 to %parallel_loop3A_508 step %parallel_loop3A_509  : i32 {
        %parallel_loop3A_514 = arith.constant 16 : i32
        %parallel_loop3A_515 = arith.muli %parallel_loop3A_514, %parallel_loop3A_513 : i32
        %parallel_loop3A_516 = arith.index_cast %parallel_loop3A_515 : i32 to index
        %parallel_loop3A_517 = tpu.vector_load %arg5[%parallel_loop3A_516] {strides = array<i32>} : memref<4096xi32, #tpu.memory_space<vmem>>, vector<16xi32>,
        tpu.vector_store %arg5[%parallel_loop3A_516], %broadcast_in_dim3A_3 {strides = array<i32>} : memref<4096xi32, #tpu.memory_space<vmem>>, vector<16xi32>,
      } {sc.loop_unroll_factor = 4 : i64, sc.parallel_access}
      %parallel_loop3A_510 = arith.constant 0 : i32
      %parallel_loop3A_511 = arith.constant 4096 : i32
      %parallel_loop3A_512 = arith.constant 1 : i32
      scf.for %parallel_loop3A_513 = %parallel_loop3A_510 to %parallel_loop3A_511 step %parallel_loop3A_512  : i32 {
        %parallel_loop3A_514 = arith.constant 16 : i32
        %parallel_loop3A_515 = arith.muli %parallel_loop3A_514, %parallel_loop3A_513 : i32
        %parallel_loop3A_516 = arith.index_cast %parallel_loop3A_515 : i32 to index
        %parallel_loop3A_517 = tpu.vector_load %arg4[%parallel_loop3A_516] {strides = array<i32>} : memref<65536xi32, #tpu.memory_space<vmem>>, vector<16xi32>,
        %parallel_loop3A_518 = arith.constant 8 : i32
        %parallel_loop3A_519 = vector.broadcast %parallel_loop3A_518 : i32 to vector<16xi32>
        %parallel_loop3A_520 = arith.shrsi %parallel_loop3A_517, %parallel_loop3A_519 : vector<16xi32>
        %parallel_loop3A_521 = vector.broadcast %add3A_228 : i32 to vector<16xi32>
        %parallel_loop3A_522 = arith.cmpi eq, %parallel_loop3A_520, %parallel_loop3A_521 : vector<16xi32>
        %parallel_loop3A_523 = arith.constant 255 : i32
        %parallel_loop3A_524 = vector.broadcast %parallel_loop3A_523 : i32 to vector<16xi32>
        %parallel_loop3A_525 = arith.andi %parallel_loop3A_517, %parallel_loop3A_524 : vector<16xi32>
        tpu.vector_store_idx %arg5[%parallel_loop3A_525], %broadcast_in_dim3A_1 masked %parallel_loop3A_522 {add = true} : memref<4096xi32, #tpu.memory_space<vmem>>[vector<16xi32>], vector<16xi32>, vector<16xi1>
      } {sc.loop_unroll_factor = 4 : i64, sc.parallel_access}
    } else {
    }
    "tpu.region"() ({
      %run_scoped3A = tpu.sem_alloc : memref<!tpu.dma_semaphore, #tpu.memory_space<semaphore_mem>>
      %dma_start3A_507 = arith.constant 0 : i32
      %dma_start3A_508 = tpu.memref_slice %arg5[%dma_start3A_507] : memref<4096xi32, #tpu.memory_space<vmem>> -> memref<256xi32, #tpu.memory_space<vmem>>
      %dma_start3A_509 = arith.constant 0 : i32
      %dma_start3A_510 = tpu.memref_slice %arg15[%arg1, %dma_start3A_509] : memref<16x4096xi32, #tpu.memory_space<vmem_shared>> -> memref<1x256xi32, #tpu.memory_space<vmem_shared>>
      %dma_start3A_511 = tpu.memref_squeeze %dma_start3A_510 : memref<1x256xi32, #tpu.memory_space<vmem_shared>> -> memref<256xi32, #tpu.memory_space<vmem_shared>>
      %dma_start3A_512 = arith.constant 0 : i32
      %dma_start3A_513 = tpu.memref_slice %arg15[%arg1, %dma_start3A_512] : memref<16x4096xi32, #tpu.memory_space<vmem_shared>> -> memref<1x256xi32, #tpu.memory_space<vmem_shared>>
      %dma_start3A_514 = tpu.memref_squeeze %dma_start3A_513 : memref<1x256xi32, #tpu.memory_space<vmem_shared>> -> memref<256xi32, #tpu.memory_space<vmem_shared>>
      %dma_start3A_515 = arith.constant 0 : i32
      %dma_start3A_516 = tpu.memref_slice %arg5[%dma_start3A_515] : memref<4096xi32, #tpu.memory_space<vmem>> -> memref<256xi32, #tpu.memory_space<vmem>>
      tpu.enqueue_dma source(%dma_start3A_516 : memref<256xi32, #tpu.memory_space<vmem>>) target(%dma_start3A_514 : memref<256xi32, #tpu.memory_space<vmem_shared>>) target_semaphore(%run_scoped3A : memref<!tpu.dma_semaphore, #tpu.memory_space<semaphore_mem>>)
      %dma_wait3A_517 = arith.constant 0 : i32
      %dma_wait3A_518 = tpu.memref_slice %arg5[%dma_wait3A_517] : memref<4096xi32, #tpu.memory_space<vmem>> -> memref<256xi32, #tpu.memory_space<vmem>>
      %dma_wait3A_519 = arith.constant 0 : i32
      %dma_wait3A_520 = tpu.memref_slice %arg15[%arg1, %dma_wait3A_519] : memref<16x4096xi32, #tpu.memory_space<vmem_shared>> -> memref<1x256xi32, #tpu.memory_space<vmem_shared>>
      %dma_wait3A_521 = tpu.memref_squeeze %dma_wait3A_520 : memref<1x256xi32, #tpu.memory_space<vmem_shared>> -> memref<256xi32, #tpu.memory_space<vmem_shared>>
      %dma_wait3A_522 = arith.constant 0 : i32
      %dma_wait3A_523 = tpu.memref_slice %arg15[%arg1, %dma_wait3A_522] : memref<16x4096xi32, #tpu.memory_space<vmem_shared>> -> memref<1x256xi32, #tpu.memory_space<vmem_shared>>
      %dma_wait3A_524 = tpu.memref_squeeze %dma_wait3A_523 : memref<1x256xi32, #tpu.memory_space<vmem_shared>> -> memref<256xi32, #tpu.memory_space<vmem_shared>>
      %dma_wait3A_525 = arith.constant 0 : i32
      %dma_wait3A_526 = tpu.memref_slice %arg5[%dma_wait3A_525] : memref<4096xi32, #tpu.memory_space<vmem>> -> memref<256xi32, #tpu.memory_space<vmem>>
      tpu.wait_dma2 semaphore(%run_scoped3A : memref<!tpu.dma_semaphore, #tpu.memory_space<semaphore_mem>>) src(%dma_wait3A_526 : memref<256xi32, #tpu.memory_space<vmem>>) dst(%dma_wait3A_524 : memref<256xi32, #tpu.memory_space<vmem_shared>>)
      tpu.yield
    }) : () -> ()
    %barrier3A_236 = arith.constant 0 : index
    tpu.barrier barrier_id(%barrier3A_236)
    %scan3A_237 = arith.constant 0 : i32
    %scan3A_238 = arith.constant 0 : i32
    %scan3A_239 = arith.constant 16 : i32
    %scan3A_240 = arith.addi %scan3A_238, %scan3A_239 : i32
    %scan3A_241 = arith.constant 1 : i32
    scf.for %scan3A_507 = %scan3A_238 to %scan3A_240 step %scan3A_241  : i32 {
      %mul3A_508 = arith.constant 256 : i32
      %mul3A_509 = arith.muli %mul3A_508, %scan3A_507 : i32
      "tpu.region"() ({
        %run_scoped3A = tpu.sem_alloc : memref<!tpu.dma_semaphore, #tpu.memory_space<semaphore_mem>>
        %dma_start3A_510 = tpu.memref_slice %arg6[%mul3A_509] : memref<4096xi32, #tpu.memory_space<vmem>> -> memref<256xi32, #tpu.memory_space<vmem>>
        %dma_start3A_511 = arith.constant 0 : i32
        %dma_start3A_512 = tpu.memref_slice %arg15[%scan3A_507, %dma_start3A_511] : memref<16x4096xi32, #tpu.memory_space<vmem_shared>> -> memref<1x256xi32, #tpu.memory_space<vmem_shared>>
        %dma_start3A_513 = tpu.memref_squeeze %dma_start3A_512 : memref<1x256xi32, #tpu.memory_space<vmem_shared>> -> memref<256xi32, #tpu.memory_space<vmem_shared>>
        %dma_start3A_514 = tpu.memref_slice %arg6[%mul3A_509] : memref<4096xi32, #tpu.memory_space<vmem>> -> memref<256xi32, #tpu.memory_space<vmem>>
        %dma_start3A_515 = arith.constant 0 : i32
        %dma_start3A_516 = tpu.memref_slice %arg15[%scan3A_507, %dma_start3A_515] : memref<16x4096xi32, #tpu.memory_space<vmem_shared>> -> memref<1x256xi32, #tpu.memory_space<vmem_shared>>
        %dma_start3A_517 = tpu.memref_squeeze %dma_start3A_516 : memref<1x256xi32, #tpu.memory_space<vmem_shared>> -> memref<256xi32, #tpu.memory_space<vmem_shared>>
        tpu.enqueue_dma source(%dma_start3A_517 : memref<256xi32, #tpu.memory_space<vmem_shared>>) target(%dma_start3A_514 : memref<256xi32, #tpu.memory_space<vmem>>) target_semaphore(%run_scoped3A : memref<!tpu.dma_semaphore, #tpu.memory_space<semaphore_mem>>)
        %dma_wait3A_518 = tpu.memref_slice %arg6[%mul3A_509] : memref<4096xi32, #tpu.memory_space<vmem>> -> memref<256xi32, #tpu.memory_space<vmem>>
        %dma_wait3A_519 = arith.constant 0 : i32
        %dma_wait3A_520 = tpu.memref_slice %arg15[%scan3A_507, %dma_wait3A_519] : memref<16x4096xi32, #tpu.memory_space<vmem_shared>> -> memref<1x256xi32, #tpu.memory_space<vmem_shared>>
        %dma_wait3A_521 = tpu.memref_squeeze %dma_wait3A_520 : memref<1x256xi32, #tpu.memory_space<vmem_shared>> -> memref<256xi32, #tpu.memory_space<vmem_shared>>
        %dma_wait3A_522 = tpu.memref_slice %arg6[%mul3A_509] : memref<4096xi32, #tpu.memory_space<vmem>> -> memref<256xi32, #tpu.memory_space<vmem>>
        %dma_wait3A_523 = arith.constant 0 : i32
        %dma_wait3A_524 = tpu.memref_slice %arg15[%scan3A_507, %dma_wait3A_523] : memref<16x4096xi32, #tpu.memory_space<vmem_shared>> -> memref<1x256xi32, #tpu.memory_space<vmem_shared>>
        %dma_wait3A_525 = tpu.memref_squeeze %dma_wait3A_524 : memref<1x256xi32, #tpu.memory_space<vmem_shared>> -> memref<256xi32, #tpu.memory_space<vmem_shared>>
        tpu.wait_dma2 semaphore(%run_scoped3A : memref<!tpu.dma_semaphore, #tpu.memory_space<semaphore_mem>>) src(%dma_wait3A_525 : memref<256xi32, #tpu.memory_space<vmem_shared>>) dst(%dma_wait3A_522 : memref<256xi32, #tpu.memory_space<vmem>>)
        tpu.yield
      }) : () -> ()
    }
    %scan3A_242 = arith.constant 16 : i32
    %scan3A_243 = arith.constant 0 : i32
    %scan3A_244 = arith.constant 0 : i32
    %scan3A_245 = arith.constant 16 : i32
    %scan3A_246 = arith.addi %scan3A_244, %scan3A_245 : i32
    %scan3A_247 = arith.constant 1 : i32
    scf.for %scan3A_507 = %scan3A_244 to %scan3A_246 step %scan3A_247  : i32 {
      %scan3A_508 = arith.constant 0 : i32
      %scan3A_509 = arith.constant 16 : i32
      %scan3A_510 = arith.addi %scan3A_508, %scan3A_509 : i32
      %scan3A_511 = arith.constant 1 : i32
      %scan3A_512 = scf.for %scan3A_517 = %scan3A_508 to %scan3A_510 step %scan3A_511 iter_args(%scan3A_518 = %broadcast_in_dim3A_3) -> (vector<16xi32>)  : i32 {
        %mul3A_519 = arith.constant 256 : i32
        %mul3A_520 = arith.muli %mul3A_519, %scan3A_517 : i32
        %mul3A_521 = arith.constant 16 : i32
        %mul3A_522 = arith.muli %mul3A_521, %scan3A_507 : i32
        %add3A_523 = arith.addi %mul3A_520, %mul3A_522 : i32
        %get3A_524 = arith.index_cast %add3A_523 : i32 to index
        %get3A_525 = tpu.vector_load %arg6[%get3A_524] {strides = array<i32>} : memref<4096xi32, #tpu.memory_space<vmem>>, vector<16xi32>,
        %add3A_526 = arith.addi %scan3A_518, %get3A_525 : vector<16xi32>
        scf.yield %add3A_526 : vector<16xi32>
      }
      %scan3A_513 = arith.constant 16 : i32
      %mul3A_514 = arith.constant 16 : i32
      %mul3A_515 = arith.muli %mul3A_514, %scan3A_507 : i32
      %swap3A = arith.index_cast %mul3A_515 : i32 to index
      %swap3A_516 = tpu.vector_load %arg8[%swap3A] {strides = array<i32>} : memref<256xi32, #tpu.memory_space<vmem>>, vector<16xi32>,
      tpu.vector_store %arg8[%swap3A], %scan3A_512 {strides = array<i32>} : memref<256xi32, #tpu.memory_space<vmem>>, vector<16xi32>,
    }
    %scan3A_248 = arith.constant 16 : i32
    %sub3A_249 = arith.constant 16384 : i32
    %sub3A_250 = arith.subi %sub3A_249, %add3A_225 : i32
    %while3A_251 = arith.constant 0 : i32
    %while3A_252 = arith.constant 0 : i32
    %while3A_253 = arith.constant -1 : i32
    %while3A_254 = arith.constant 0 : i32
    %while3A_255:4 = scf.while (%while3A_507 = %while3A_251, %while3A_508 = %while3A_252, %while3A_509 = %while3A_253, %while3A_510 = %while3A_254) : (i32, i32, i32, i32) -> (i32, i32, i32, i32) {
      %lt3A_511 = arith.constant 16 : i32
      %lt3A_512 = arith.cmpi slt, %while3A_507, %lt3A_511 : i32
      %lt3A_513 = arith.constant 0 : i32
      %lt3A_514 = arith.cmpi slt, %while3A_509, %lt3A_513 : i32
      %and3A_515 = arith.andi %lt3A_512, %lt3A_514 : i1
      scf.condition(%and3A_515) %while3A_507, %while3A_508, %while3A_509, %while3A_510 : i32, i32, i32, i32
    } do {
    ^bb0(%while3A_507: i32, %while3A_508: i32, %while3A_509: i32, %while3A_510: i32):
      %sub3A_511 = arith.constant 15 : i32
      %sub3A_512 = arith.subi %sub3A_511, %while3A_507 : i32
      %mul3A_513 = arith.constant 16 : i32
      %mul3A_514 = arith.muli %mul3A_513, %sub3A_512 : i32
      %add3A_515 = arith.constant 0 : i32
      %add3A_516 = arith.addi %add3A_515, %mul3A_514 : i32
      %get3A_517 = arith.index_cast %add3A_516 : i32 to index
      %get3A_518 = tpu.vector_load %arg8[%get3A_517] {strides = array<i32>} : memref<256xi32, #tpu.memory_space<vmem>>, vector<16xi32>,
      %reduce_sum3A_519 = arith.constant true
      %reduce_sum3A_520 = vector.broadcast %reduce_sum3A_519 : i1 to vector<16xi1>
      %reduce_sum3A_521 = tpu.scan <sum>, %get3A_518 masked %reduce_sum3A_520 : vector<16xi32>, vector<16xi1> -> vector<16xi32>
      %reduce_sum3A_522 = vector.extract %reduce_sum3A_521[15] : i32 from vector<16xi32>
      %add3A_523 = arith.addi %while3A_508, %reduce_sum3A_522 : i32
      %ge3A_524 = arith.cmpi sge, %add3A_523, %sub3A_250 : i32
      %select_n3A_525 = arith.select %ge3A_524, %sub3A_512, %while3A_509 : i32
      %select_n3A_526 = arith.select %ge3A_524, %while3A_508, %while3A_510 : i32
      %add3A_527 = arith.constant 1 : i32
      %add3A_528 = arith.addi %while3A_507, %add3A_527 : i32
      scf.yield %add3A_528, %add3A_523, %select_n3A_525, %select_n3A_526 : i32, i32, i32, i32
    }
    %mul3A_256 = arith.constant 16 : i32
    %mul3A_257 = arith.muli %mul3A_256, %while3A_255#2 : i32
    %add3A_258 = arith.constant 0 : i32
    %add3A_259 = arith.addi %add3A_258, %mul3A_257 : i32
    %get3A_260 = arith.index_cast %add3A_259 : i32 to index
    %get3A_261 = tpu.vector_load %arg8[%get3A_260] {strides = array<i32>} : memref<256xi32, #tpu.memory_space<vmem>>, vector<16xi32>,
    %broadcast_in_dim3A_262 = arith.constant true
    %broadcast_in_dim3A_263 = vector.broadcast %broadcast_in_dim3A_262 : i1 to vector<16xi1>
    %masked_cumsum3A_264 = tpu.scan <sum>, %get3A_261 masked %broadcast_in_dim3A_263 : vector<16xi32>, vector<16xi1> -> vector<16xi32>
    %slice3A_265 = vector.extract_strided_slice %masked_cumsum3A_264 {offsets = [15], sizes = [1], strides = [1]} : vector<16xi32> to vector<1xi32>
    %squeeze3A_266 = vector.extract %slice3A_265[0] : i32 from vector<1xi32>
    %add3A_267 = arith.addi %while3A_255#3, %squeeze3A_266 : i32
    %sub3A_268 = vector.broadcast %add3A_267 : i32 to vector<16xi32>
    %sub3A_269 = arith.subi %sub3A_268, %masked_cumsum3A_264 : vector<16xi32>
    %add3A_270 = arith.addi %sub3A_269, %get3A_261 : vector<16xi32>
    %ge3A_271 = vector.broadcast %sub3A_250 : i32 to vector<16xi32>
    %ge3A_272 = arith.cmpi sge, %add3A_270, %ge3A_271 : vector<16xi32>
    %convert_element_type3A_273 = arith.extui %ge3A_272 : vector<16xi1> to vector<16xi32>
    %reduce_sum3A_274 = arith.constant true
    %reduce_sum3A_275 = vector.broadcast %reduce_sum3A_274 : i1 to vector<16xi1>
    %reduce_sum3A_276 = tpu.scan <sum>, %convert_element_type3A_273 masked %reduce_sum3A_275 : vector<16xi32>, vector<16xi1> -> vector<16xi32>
    %reduce_sum3A_277 = vector.extract %reduce_sum3A_276[15] : i32 from vector<16xi32>
    %sub3A_278 = arith.constant 1 : i32
    %sub3A_279 = arith.subi %reduce_sum3A_277, %sub3A_278 : i32
    %iota3A_280 = tpu.iota {dimensions = array<i32: 0>} : vector<16xi32>
    %eq3A_281 = vector.broadcast %sub3A_279 : i32 to vector<16xi32>
    %eq3A_282 = arith.cmpi eq, %iota3A_280, %eq3A_281 : vector<16xi32>
    %jit3A_283 = arith.constant 0 : i32
    %broadcast_in_dim3A_284 = vector.broadcast %jit3A_283 : i32 to vector<16xi32>
    %select_n3A_285 = arith.select %eq3A_282, %masked_cumsum3A_264, %broadcast_in_dim3A_284 : vector<16xi1>, vector<16xi32>
    %reduce_sum3A_286 = arith.constant true
    %reduce_sum3A_287 = vector.broadcast %reduce_sum3A_286 : i1 to vector<16xi1>
    %reduce_sum3A_288 = tpu.scan <sum>, %select_n3A_285 masked %reduce_sum3A_287 : vector<16xi32>, vector<16xi1> -> vector<16xi32>
    %reduce_sum3A_289 = vector.extract %reduce_sum3A_288[15] : i32 from vector<16xi32>
    %mul3A_290 = arith.constant 16 : i32
    %mul3A_291 = arith.muli %mul3A_290, %while3A_255#2 : i32
    %add3A_292 = arith.addi %mul3A_291, %sub3A_279 : i32
    %add3A_293 = arith.addi %while3A_255#3, %squeeze3A_266 : i32
    %sub3A_294 = arith.subi %add3A_293, %reduce_sum3A_289 : i32
    %add3A_295 = arith.addi %add3A_225, %sub3A_294 : i32
    %mul3A_296 = arith.constant 256 : i32
    %mul3A_297 = arith.muli %add3A_228, %mul3A_296 : i32
    %add3A_298 = arith.addi %mul3A_297, %add3A_292 : i32
    %sub3A_299 = arith.constant 16384 : i32
    %sub3A_300 = arith.subi %sub3A_299, %add3A_295 : i32
    %mul3A_301 = arith.constant 256 : i32
    %mul3A_302 = vector.broadcast %mul3A_301 : i32 to vector<16xi32>
    %mul3A_303 = arith.muli %mul3A_302, %iota3A : vector<16xi32>
    %add3A_304 = vector.broadcast %add3A_292 : i32 to vector<16xi32>
    %add3A_305 = arith.addi %mul3A_303, %add3A_304 : vector<16xi32>
    %gather3A = tpu.vector_load_idx %arg6[%add3A_305] : memref<4096xi32, #tpu.memory_space<vmem>>[vector<16xi32>], vector<16xi32>,
    %lt3A = vector.broadcast %arg1 : i32 to vector<16xi32>
    %lt3A_306 = arith.cmpi slt, %iota3A, %lt3A : vector<16xi32>
    %jit3A_307 = arith.constant 0 : i32
    %broadcast_in_dim3A_308 = vector.broadcast %jit3A_307 : i32 to vector<16xi32>
    %select_n3A_309 = arith.select %lt3A_306, %gather3A, %broadcast_in_dim3A_308 : vector<16xi1>, vector<16xi32>
    %reduce_sum3A_310 = arith.constant true
    %reduce_sum3A_311 = vector.broadcast %reduce_sum3A_310 : i1 to vector<16xi1>
    %reduce_sum3A_312 = tpu.scan <sum>, %select_n3A_309 masked %reduce_sum3A_311 : vector<16xi32>, vector<16xi1> -> vector<16xi32>
    %reduce_sum3A_313 = vector.extract %reduce_sum3A_312[15] : i32 from vector<16xi32>
    %eq3A_314 = vector.broadcast %arg1 : i32 to vector<16xi32>
    %eq3A_315 = arith.cmpi eq, %iota3A, %eq3A_314 : vector<16xi32>
    %jit3A_316 = arith.constant 0 : i32
    %broadcast_in_dim3A_317 = vector.broadcast %jit3A_316 : i32 to vector<16xi32>
    %select_n3A_318 = arith.select %eq3A_315, %gather3A, %broadcast_in_dim3A_317 : vector<16xi1>, vector<16xi32>
    %reduce_sum3A_319 = arith.constant true
    %reduce_sum3A_320 = vector.broadcast %reduce_sum3A_319 : i1 to vector<16xi1>
    %reduce_sum3A_321 = tpu.scan <sum>, %select_n3A_318 masked %reduce_sum3A_320 : vector<16xi32>, vector<16xi1> -> vector<16xi32>
    %reduce_sum3A_322 = vector.extract %reduce_sum3A_321[15] : i32 from vector<16xi32>
    %sub3A_323 = arith.subi %sub3A_300, %reduce_sum3A_313 : i32
    %jit3A_324 = arith.constant 0 : i32
    %max3A = arith.maxsi %jit3A_324, %sub3A_323 : i32
    %min3A_325 = arith.minsi %reduce_sum3A_322, %max3A : i32
    %while3A_326 = arith.constant 0 : i32
    %while3A_327 = arith.constant 0 : i32
    %while3A_328 = arith.constant 0 : i32
    %while3A_329 = arith.subi %select_n3A_168, %while3A_326 : i32
    %while3A_330 = arith.addi %while3A_326, %while3A_329 : i32
    %while3A_331 = arith.constant 1 : i32
    %while3A_332 = arith.divsi %while3A_329, %while3A_331 : i32
    %while3A_333 = arith.muli %while3A_332, %while3A_331 : i32
    %while3A_334 = arith.addi %while3A_326, %while3A_333 : i32
    %while3A_335 = arith.constant 1 : i32
    %while3A_336:2 = scf.for %while3A_507 = %while3A_326 to %while3A_334 step %while3A_335 iter_args(%while3A_508 = %while3A_327, %while3A_509 = %while3A_328) -> (i32, i32)  : i32 {
      %mul3A_510 = arith.constant 16 : i32
      %mul3A_511 = arith.muli %mul3A_510, %while3A_507 : i32
      %get3A_512 = arith.index_cast %mul3A_511 : i32 to index
      %get3A_513 = tpu.vector_load %arg9[%get3A_512] {strides = array<i32>} : memref<16384xi32, #tpu.memory_space<vmem>>, vector<16xi32>,
      %mul3A_514 = arith.constant 16 : i32
      %mul3A_515 = arith.muli %mul3A_514, %while3A_507 : i32
      %get3A_516 = arith.index_cast %mul3A_515 : i32 to index
      %get3A_517 = tpu.vector_load %arg10[%get3A_516] {strides = array<i32>} : memref<16400xi32, #tpu.memory_space<vmem>>, vector<16xi32>,
      %mul3A_518 = arith.constant 16 : i32
      %mul3A_519 = arith.muli %mul3A_518, %while3A_507 : i32
      %add3A_520 = vector.broadcast %mul3A_519 : i32 to vector<16xi32>
      %add3A_521 = arith.addi %add3A_520, %iota3A : vector<16xi32>
      %lt3A_522 = vector.broadcast %parallel_loop3A_145 : i32 to vector<16xi32>
      %lt3A_523 = arith.cmpi slt, %add3A_521, %lt3A_522 : vector<16xi32>
      %eq3A_524 = vector.broadcast %add3A_298 : i32 to vector<16xi32>
      %eq3A_525 = arith.cmpi eq, %get3A_513, %eq3A_524 : vector<16xi32>
      %and3A_526 = arith.andi %lt3A_523, %eq3A_525 : vector<16xi1>
      %convert_element_type3A_527 = arith.extui %and3A_526 : vector<16xi1> to vector<16xi32>
      %broadcast_in_dim3A_528 = arith.constant true
      %broadcast_in_dim3A_529 = vector.broadcast %broadcast_in_dim3A_528 : i1 to vector<16xi1>
      %masked_cumsum3A_530 = tpu.scan <sum>, %convert_element_type3A_527 masked %broadcast_in_dim3A_529 : vector<16xi32>, vector<16xi1> -> vector<16xi32>
      %add3A_531 = vector.broadcast %while3A_508 : i32 to vector<16xi32>
      %add3A_532 = arith.addi %add3A_531, %masked_cumsum3A_530 : vector<16xi32>
      %le3A = vector.broadcast %min3A_325 : i32 to vector<16xi32>
      %le3A_533 = arith.cmpi sle, %add3A_532, %le3A : vector<16xi32>
      %and3A_534 = arith.andi %and3A_526, %le3A_533 : vector<16xi1>
      %swap3A = arith.index_cast %while3A_509 : i32 to index
      %swap3A_535 = tpu.vector_load %arg10[%swap3A] masked %and3A_534 {strides = array<i32>} : memref<16400xi32, #tpu.memory_space<vmem>>, vector<16xi32>, vector<16xi1>
      tpu.vector_store %arg10[%swap3A], %get3A_517 masked %and3A_534 {strides = array<i32>} : memref<16400xi32, #tpu.memory_space<vmem>>, vector<16xi32>, vector<16xi1>
      %reduce_sum3A_536 = arith.constant true
      %reduce_sum3A_537 = vector.broadcast %reduce_sum3A_536 : i1 to vector<16xi1>
      %reduce_sum3A_538 = tpu.scan <sum>, %convert_element_type3A_527 masked %reduce_sum3A_537 : vector<16xi32>, vector<16xi1> -> vector<16xi32>
      %reduce_sum3A_539 = vector.extract %reduce_sum3A_538[15] : i32 from vector<16xi32>
      %add3A_540 = arith.addi %while3A_508, %reduce_sum3A_539 : i32
      %convert_element_type3A_541 = arith.extui %and3A_534 : vector<16xi1> to vector<16xi32>
      %reduce_sum3A_542 = arith.constant true
      %reduce_sum3A_543 = vector.broadcast %reduce_sum3A_542 : i1 to vector<16xi1>
      %reduce_sum3A_544 = tpu.scan <sum>, %convert_element_type3A_541 masked %reduce_sum3A_543 : vector<16xi32>, vector<16xi1> -> vector<16xi32>
      %reduce_sum3A_545 = vector.extract %reduce_sum3A_544[15] : i32 from vector<16xi32>
      %add3A_546 = arith.addi %while3A_509, %reduce_sum3A_545 : i32
      scf.yield %add3A_540, %add3A_546 : i32, i32
    }
    %while3A_337 = arith.constant 1 : i32
    %while3A_338:2 = scf.for %while3A_507 = %while3A_334 to %while3A_330 step %while3A_337 iter_args(%while3A_508 = %while3A_336#0, %while3A_509 = %while3A_336#1) -> (i32, i32)  : i32 {
      %mul3A_510 = arith.constant 16 : i32
      %mul3A_511 = arith.muli %mul3A_510, %while3A_507 : i32
      %get3A_512 = arith.index_cast %mul3A_511 : i32 to index
      %get3A_513 = tpu.vector_load %arg9[%get3A_512] {strides = array<i32>} : memref<16384xi32, #tpu.memory_space<vmem>>, vector<16xi32>,
      %mul3A_514 = arith.constant 16 : i32
      %mul3A_515 = arith.muli %mul3A_514, %while3A_507 : i32
      %get3A_516 = arith.index_cast %mul3A_515 : i32 to index
      %get3A_517 = tpu.vector_load %arg10[%get3A_516] {strides = array<i32>} : memref<16400xi32, #tpu.memory_space<vmem>>, vector<16xi32>,
      %mul3A_518 = arith.constant 16 : i32
      %mul3A_519 = arith.muli %mul3A_518, %while3A_507 : i32
      %add3A_520 = vector.broadcast %mul3A_519 : i32 to vector<16xi32>
      %add3A_521 = arith.addi %add3A_520, %iota3A : vector<16xi32>
      %lt3A_522 = vector.broadcast %parallel_loop3A_145 : i32 to vector<16xi32>
      %lt3A_523 = arith.cmpi slt, %add3A_521, %lt3A_522 : vector<16xi32>
      %eq3A_524 = vector.broadcast %add3A_298 : i32 to vector<16xi32>
      %eq3A_525 = arith.cmpi eq, %get3A_513, %eq3A_524 : vector<16xi32>
      %and3A_526 = arith.andi %lt3A_523, %eq3A_525 : vector<16xi1>
      %convert_element_type3A_527 = arith.extui %and3A_526 : vector<16xi1> to vector<16xi32>
      %broadcast_in_dim3A_528 = arith.constant true
      %broadcast_in_dim3A_529 = vector.broadcast %broadcast_in_dim3A_528 : i1 to vector<16xi1>
      %masked_cumsum3A_530 = tpu.scan <sum>, %convert_element_type3A_527 masked %broadcast_in_dim3A_529 : vector<16xi32>, vector<16xi1> -> vector<16xi32>
      %add3A_531 = vector.broadcast %while3A_508 : i32 to vector<16xi32>
      %add3A_532 = arith.addi %add3A_531, %masked_cumsum3A_530 : vector<16xi32>
      %le3A = vector.broadcast %min3A_325 : i32 to vector<16xi32>
      %le3A_533 = arith.cmpi sle, %add3A_532, %le3A : vector<16xi32>
      %and3A_534 = arith.andi %and3A_526, %le3A_533 : vector<16xi1>
      %swap3A = arith.index_cast %while3A_509 : i32 to index
      %swap3A_535 = tpu.vector_load %arg10[%swap3A] masked %and3A_534 {strides = array<i32>} : memref<16400xi32, #tpu.memory_space<vmem>>, vector<16xi32>, vector<16xi1>
      tpu.vector_store %arg10[%swap3A], %get3A_517 masked %and3A_534 {strides = array<i32>} : memref<16400xi32, #tpu.memory_space<vmem>>, vector<16xi32>, vector<16xi1>
      %reduce_sum3A_536 = arith.constant true
      %reduce_sum3A_537 = vector.broadcast %reduce_sum3A_536 : i1 to vector<16xi1>
      %reduce_sum3A_538 = tpu.scan <sum>, %convert_element_type3A_527 masked %reduce_sum3A_537 : vector<16xi32>, vector<16xi1> -> vector<16xi32>
      %reduce_sum3A_539 = vector.extract %reduce_sum3A_538[15] : i32 from vector<16xi32>
      %add3A_540 = arith.addi %while3A_508, %reduce_sum3A_539 : i32
      %convert_element_type3A_541 = arith.extui %and3A_534 : vector<16xi1> to vector<16xi32>
      %reduce_sum3A_542 = arith.constant true
      %reduce_sum3A_543 = vector.broadcast %reduce_sum3A_542 : i1 to vector<16xi1>
      %reduce_sum3A_544 = tpu.scan <sum>, %convert_element_type3A_541 masked %reduce_sum3A_543 : vector<16xi32>, vector<16xi1> -> vector<16xi32>
      %reduce_sum3A_545 = vector.extract %reduce_sum3A_544[15] : i32 from vector<16xi32>
      %add3A_546 = arith.addi %while3A_509, %reduce_sum3A_545 : i32
      scf.yield %add3A_540, %add3A_546 : i32, i32
    }
    %convert_element_type3A_339 = arith.extui %gt3A_146 : i1 to i32
    %cond3A_340 = arith.constant 0 : i32
    %cond3A_341 = arith.cmpi ne, %convert_element_type3A_339, %cond3A_340 : i32
    scf.if %cond3A_341 {
      %while3A_507 = arith.constant 0 : i32
      %while3A_508 = arith.constant 0 : i32
      %while3A_509 = arith.constant 0 : i32
      %while3A_510:3 = scf.while (%while3A_513 = %while3A_507, %while3A_514 = %while3A_508, %while3A_515 = %while3A_509) : (i32, i32, i32) -> (i32, i32, i32) {
        %lt3A_516 = arith.constant 4096 : i32
        %lt3A_517 = arith.cmpi slt, %while3A_513, %lt3A_516 : i32
        %lt3A_518 = arith.cmpi slt, %while3A_515, %min3A_325 : i32
        %and3A_519 = arith.andi %lt3A_517, %lt3A_518 : i1
        scf.condition(%and3A_519) %while3A_513, %while3A_514, %while3A_515 : i32, i32, i32
      } do {
      ^bb0(%while3A_513: i32, %while3A_514: i32, %while3A_515: i32):
        %mul3A_516 = arith.constant 16 : i32
        %mul3A_517 = arith.muli %mul3A_516, %while3A_513 : i32
        %get3A_518 = arith.index_cast %mul3A_517 : i32 to index
        %get3A_519 = tpu.vector_load %arg4[%get3A_518] {strides = array<i32>} : memref<65536xi32, #tpu.memory_space<vmem>>, vector<16xi32>,
        %eq3A_520 = vector.broadcast %add3A_298 : i32 to vector<16xi32>
        %eq3A_521 = arith.cmpi eq, %get3A_519, %eq3A_520 : vector<16xi32>
        %convert_element_type3A_522 = arith.extui %eq3A_521 : vector<16xi1> to vector<16xi32>
        %broadcast_in_dim3A_523 = arith.constant true
        %broadcast_in_dim3A_524 = vector.broadcast %broadcast_in_dim3A_523 : i1 to vector<16xi1>
        %masked_cumsum3A_525 = tpu.scan <sum>, %convert_element_type3A_522 masked %broadcast_in_dim3A_524 : vector<16xi32>, vector<16xi1> -> vector<16xi32>
        %add3A_526 = vector.broadcast %while3A_514 : i32 to vector<16xi32>
        %add3A_527 = arith.addi %add3A_526, %masked_cumsum3A_525 : vector<16xi32>
        %le3A = vector.broadcast %min3A_325 : i32 to vector<16xi32>
        %le3A_528 = arith.cmpi sle, %add3A_527, %le3A : vector<16xi32>
        %and3A_529 = arith.andi %eq3A_521, %le3A_528 : vector<16xi1>
        %mul3A_530 = arith.constant 16 : i32
        %mul3A_531 = arith.muli %mul3A_530, %while3A_513 : i32
        %add3A_532 = vector.broadcast %mul3A_531 : i32 to vector<16xi32>
        %add3A_533 = arith.addi %add3A_532, %iota3A : vector<16xi32>
        %swap3A_534 = arith.index_cast %while3A_515 : i32 to index
        %swap3A_535 = tpu.vector_load %arg10[%swap3A_534] masked %and3A_529 {strides = array<i32>} : memref<16400xi32, #tpu.memory_space<vmem>>, vector<16xi32>, vector<16xi1>
        tpu.vector_store %arg10[%swap3A_534], %add3A_533 masked %and3A_529 {strides = array<i32>} : memref<16400xi32, #tpu.memory_space<vmem>>, vector<16xi32>, vector<16xi1>
        %convert_element_type3A_536 = arith.extui %and3A_529 : vector<16xi1> to vector<16xi32>
        %reduce_sum3A_537 = arith.constant true
        %reduce_sum3A_538 = vector.broadcast %reduce_sum3A_537 : i1 to vector<16xi1>
        %reduce_sum3A_539 = tpu.scan <sum>, %convert_element_type3A_536 masked %reduce_sum3A_538 : vector<16xi32>, vector<16xi1> -> vector<16xi32>
        %reduce_sum3A_540 = vector.extract %reduce_sum3A_539[15] : i32 from vector<16xi32>
        %add3A_541 = arith.addi %while3A_515, %reduce_sum3A_540 : i32
        %reduce_sum3A_542 = arith.constant true
        %reduce_sum3A_543 = vector.broadcast %reduce_sum3A_542 : i1 to vector<16xi1>
        %reduce_sum3A_544 = tpu.scan <sum>, %convert_element_type3A_522 masked %reduce_sum3A_543 : vector<16xi32>, vector<16xi1> -> vector<16xi32>
        %reduce_sum3A_545 = vector.extract %reduce_sum3A_544[15] : i32 from vector<16xi32>
        %add3A_546 = arith.addi %while3A_514, %reduce_sum3A_545 : i32
        %add3A_547 = arith.constant 1 : i32
        %add3A_548 = arith.addi %while3A_513, %add3A_547 : i32
        scf.yield %add3A_548, %add3A_546, %add3A_541 : i32, i32, i32
      }
      %swap3A = arith.constant 0 : i32
      %swap3A_511 = arith.index_cast %swap3A : i32 to index
      %swap3A_512 = memref.load %arg12[%swap3A_511] : memref<8xi32, #tpu.memory_space<smem>>
      memref.store %while3A_510#2, %arg12[%swap3A_511] : memref<8xi32, #tpu.memory_space<smem>>
    } else {
    }
    %get3A_342 = arith.constant 0 : i32
    %get3A_343 = arith.index_cast %get3A_342 : i32 to index
    %get3A_344 = memref.load %arg12[%get3A_343] : memref<8xi32, #tpu.memory_space<smem>>
    %select_n3A_345 = arith.select %gt3A_146, %get3A_344, %while3A_338#1 : i32
    %shift_right_arithmetic3A = arith.constant 31 : i32
    %shift_right_arithmetic3A_346 = arith.shrsi %add3A_298, %shift_right_arithmetic3A : i32
    %shift_right_logical3A = arith.constant 1 : i32
    %shift_right_logical3A_347 = arith.shrui %shift_right_arithmetic3A_346, %shift_right_logical3A : i32
    %xor3A = arith.xori %add3A_298, %shift_right_logical3A_347 : i32
    %broadcast_in_dim3A_348 = vector.broadcast %xor3A : i32 to vector<16xi32>
    %add3A_349 = arith.constant 15 : i32
    %add3A_350 = arith.addi %select_n3A_345, %add3A_349 : i32
    %jit3A_351 = arith.constant 16 : i32
    %div3A_352 = arith.divsi %add3A_350, %jit3A_351 : i32
    %sign3A_353 = arith.constant 0 : i32
    %sign3A_354 = arith.cmpi sgt, %add3A_350, %sign3A_353 : i32
    %sign3A_355 = arith.extui %sign3A_354 : i1 to i32
    %sign3A_356 = arith.constant 0 : i32
    %sign3A_357 = arith.cmpi slt, %add3A_350, %sign3A_356 : i32
    %sign3A_358 = arith.extui %sign3A_357 : i1 to i32
    %sign3A_359 = arith.subi %sign3A_355, %sign3A_358 : i32
    %sign3A_360 = arith.constant 0 : i32
    %sign3A_361 = arith.cmpi sgt, %jit3A_351, %sign3A_360 : i32
    %sign3A_362 = arith.extui %sign3A_361 : i1 to i32
    %sign3A_363 = arith.constant 0 : i32
    %sign3A_364 = arith.cmpi slt, %jit3A_351, %sign3A_363 : i32
    %sign3A_365 = arith.extui %sign3A_364 : i1 to i32
    %sign3A_366 = arith.subi %sign3A_362, %sign3A_365 : i32
    %ne3A_367 = arith.cmpi ne, %sign3A_359, %sign3A_366 : i32
    %rem3A_368 = arith.remsi %add3A_350, %jit3A_351 : i32
    %ne3A_369 = arith.constant 0 : i32
    %ne3A_370 = arith.cmpi ne, %rem3A_368, %ne3A_369 : i32
    %and3A_371 = arith.andi %ne3A_367, %ne3A_370 : i1
    %sub3A_372 = arith.constant 1 : i32
    %sub3A_373 = arith.subi %div3A_352, %sub3A_372 : i32
    %select_n3A_374 = arith.select %and3A_371, %sub3A_373, %div3A_352 : i32
    %parallel_loop3A_375 = arith.constant 0 : i32
    %parallel_loop3A_376 = arith.constant 1024 : i32
    %parallel_loop3A_377 = arith.constant 1 : i32
    scf.for %parallel_loop3A_507 = %parallel_loop3A_375 to %parallel_loop3A_376 step %parallel_loop3A_377  : i32 {
      %parallel_loop3A_508 = arith.constant 16 : i32
      %parallel_loop3A_509 = arith.muli %parallel_loop3A_508, %parallel_loop3A_507 : i32
      %parallel_loop3A_510 = arith.index_cast %parallel_loop3A_509 : i32 to index
      %parallel_loop3A_511 = tpu.vector_load %arg4[%parallel_loop3A_510] {strides = array<i32>} : memref<65536xi32, #tpu.memory_space<vmem>>, vector<16xi32>,
      %parallel_loop3A_512 = vector.broadcast %add3A_298 : i32 to vector<16xi32>
      %parallel_loop3A_513 = arith.cmpi sgt, %parallel_loop3A_511, %parallel_loop3A_512 : vector<16xi32>
      %parallel_loop3A_514 = arith.constant 31 : i32
      %parallel_loop3A_515 = vector.broadcast %parallel_loop3A_514 : i32 to vector<16xi32>
      %parallel_loop3A_516 = arith.shrsi %parallel_loop3A_511, %parallel_loop3A_515 : vector<16xi32>
      %parallel_loop3A_517 = arith.constant 1 : i32
      %parallel_loop3A_518 = vector.broadcast %parallel_loop3A_517 : i32 to vector<16xi32>
      %parallel_loop3A_519 = arith.shrui %parallel_loop3A_516, %parallel_loop3A_518 : vector<16xi32>
      %parallel_loop3A_520 = arith.xori %parallel_loop3A_511, %parallel_loop3A_519 : vector<16xi32>
      %parallel_loop3A_521 = arith.constant 0 : i32
      %parallel_loop3A_522 = vector.broadcast %parallel_loop3A_521 : i32 to vector<16xi32>
      %parallel_loop3A_523 = arith.select %parallel_loop3A_513, %parallel_loop3A_520, %parallel_loop3A_522 : vector<16xi1>, vector<16xi32>
      %parallel_loop3A_524 = arith.constant 16 : i32
      %parallel_loop3A_525 = arith.muli %parallel_loop3A_524, %parallel_loop3A_507 : i32
      %parallel_loop3A_526 = arith.index_cast %parallel_loop3A_525 : i32 to index
      %parallel_loop3A_527 = tpu.vector_load %arg4[%parallel_loop3A_526] {strides = array<i32>} : memref<65536xi32, #tpu.memory_space<vmem>>, vector<16xi32>,
      tpu.vector_store %arg4[%parallel_loop3A_526], %parallel_loop3A_523 {strides = array<i32>} : memref<65536xi32, #tpu.memory_space<vmem>>, vector<16xi32>,
    } {sc.loop_unroll_factor = 4 : i64, sc.parallel_access}
    %while3A_378 = arith.constant 0 : i32
    %while3A_379 = arith.constant 0 : i32
    %while3A_380 = arith.subi %select_n3A_374, %while3A_379 : i32
    %while3A_381 = arith.addi %while3A_379, %while3A_380 : i32
    %while3A_382 = arith.constant 1 : i32
    %while3A_383 = arith.divsi %while3A_380, %while3A_382 : i32
    %while3A_384 = arith.muli %while3A_383, %while3A_382 : i32
    %while3A_385 = arith.addi %while3A_379, %while3A_384 : i32
    %while3A_386 = arith.constant 1 : i32
    scf.for %while3A_507 = %while3A_379 to %while3A_385 step %while3A_386  : i32 {
      %mul3A_508 = arith.constant 16 : i32
      %mul3A_509 = arith.muli %mul3A_508, %while3A_507 : i32
      %get3A_510 = arith.index_cast %mul3A_509 : i32 to index
      %get3A_511 = tpu.vector_load %arg10[%get3A_510] {strides = array<i32>} : memref<16400xi32, #tpu.memory_space<vmem>>, vector<16xi32>,
      %mul3A_512 = arith.constant 16 : i32
      %mul3A_513 = arith.muli %mul3A_512, %while3A_507 : i32
      %add3A_514 = vector.broadcast %mul3A_513 : i32 to vector<16xi32>
      %add3A_515 = arith.addi %add3A_514, %iota3A : vector<16xi32>
      %lt3A_516 = vector.broadcast %select_n3A_345 : i32 to vector<16xi32>
      %lt3A_517 = arith.cmpi slt, %add3A_515, %lt3A_516 : vector<16xi32>
      %ge3A_518 = arith.constant 0 : i32
      %ge3A_519 = vector.broadcast %ge3A_518 : i32 to vector<16xi32>
      %ge3A_520 = arith.cmpi sge, %get3A_511, %ge3A_519 : vector<16xi32>
      %lt3A_521 = arith.constant 16384 : i32
      %lt3A_522 = vector.broadcast %lt3A_521 : i32 to vector<16xi32>
      %lt3A_523 = arith.cmpi slt, %get3A_511, %lt3A_522 : vector<16xi32>
      %and3A_524 = arith.andi %ge3A_520, %lt3A_523 : vector<16xi1>
      %and3A_525 = arith.andi %lt3A_517, %and3A_524 : vector<16xi1>
      tpu.vector_store_idx %arg4[%get3A_511], %broadcast_in_dim3A_348 masked %and3A_525 : memref<65536xi32, #tpu.memory_space<vmem>>[vector<16xi32>], vector<16xi32>, vector<16xi1>
    }
    %while3A_387 = arith.constant 1 : i32
    scf.for %while3A_507 = %while3A_385 to %while3A_381 step %while3A_387  : i32 {
      %mul3A_508 = arith.constant 16 : i32
      %mul3A_509 = arith.muli %mul3A_508, %while3A_507 : i32
      %get3A_510 = arith.index_cast %mul3A_509 : i32 to index
      %get3A_511 = tpu.vector_load %arg10[%get3A_510] {strides = array<i32>} : memref<16400xi32, #tpu.memory_space<vmem>>, vector<16xi32>,
      %mul3A_512 = arith.constant 16 : i32
      %mul3A_513 = arith.muli %mul3A_512, %while3A_507 : i32
      %add3A_514 = vector.broadcast %mul3A_513 : i32 to vector<16xi32>
      %add3A_515 = arith.addi %add3A_514, %iota3A : vector<16xi32>
      %lt3A_516 = vector.broadcast %select_n3A_345 : i32 to vector<16xi32>
      %lt3A_517 = arith.cmpi slt, %add3A_515, %lt3A_516 : vector<16xi32>
      %ge3A_518 = arith.constant 0 : i32
      %ge3A_519 = vector.broadcast %ge3A_518 : i32 to vector<16xi32>
      %ge3A_520 = arith.cmpi sge, %get3A_511, %ge3A_519 : vector<16xi32>
      %lt3A_521 = arith.constant 16384 : i32
      %lt3A_522 = vector.broadcast %lt3A_521 : i32 to vector<16xi32>
      %lt3A_523 = arith.cmpi slt, %get3A_511, %lt3A_522 : vector<16xi32>
      %and3A_524 = arith.andi %ge3A_520, %lt3A_523 : vector<16xi1>
      %and3A_525 = arith.andi %lt3A_517, %and3A_524 : vector<16xi1>
      tpu.vector_store_idx %arg4[%get3A_511], %broadcast_in_dim3A_348 masked %and3A_525 : memref<65536xi32, #tpu.memory_space<vmem>>[vector<16xi32>], vector<16xi32>, vector<16xi1>
    }
    %add3A_388 = arith.constant 0 : i32
    %add3A_389 = arith.addi %mul3A_0, %add3A_388 : i32
    %dma_start3A_390 = arith.constant 0 : i32
    %dma_start3A_391 = arith.constant 0 : i32
    %dma_start3A_392 = tpu.memref_slice %arg4[%dma_start3A_391] : memref<65536xi32, #tpu.memory_space<vmem>> -> memref<16384xi32, #tpu.memory_space<vmem>>
    %dma_start3A_393 = tpu.memref_slice %arg3[%add3A_389] : memref<1048576xi32, #tpu.memory_space<hbm>> -> memref<16384xi32, #tpu.memory_space<hbm>>
    %dma_start3A_394 = tpu.memref_slice %arg14[%dma_start3A_390] : memref<4x!tpu.dma_semaphore, #tpu.memory_space<semaphore_mem>> -> memref<1x!tpu.dma_semaphore, #tpu.memory_space<semaphore_mem>>
    %dma_start3A_395 = tpu.memref_squeeze %dma_start3A_394 : memref<1x!tpu.dma_semaphore, #tpu.memory_space<semaphore_mem>> -> memref<!tpu.dma_semaphore, #tpu.memory_space<semaphore_mem>>
    %dma_start3A_396 = tpu.memref_slice %arg3[%add3A_389] : memref<1048576xi32, #tpu.memory_space<hbm>> -> memref<16384xi32, #tpu.memory_space<hbm>>
    %dma_start3A_397 = arith.constant 0 : i32
    %dma_start3A_398 = tpu.memref_slice %arg4[%dma_start3A_397] : memref<65536xi32, #tpu.memory_space<vmem>> -> memref<16384xi32, #tpu.memory_space<vmem>>
    tpu.enqueue_dma source(%dma_start3A_398 : memref<16384xi32, #tpu.memory_space<vmem>>) target(%dma_start3A_396 : memref<16384xi32, #tpu.memory_space<hbm>>) target_semaphore(%dma_start3A_395 : memref<!tpu.dma_semaphore, #tpu.memory_space<semaphore_mem>>)
    %parallel_loop3A_399 = arith.constant 1024 : i32
    %parallel_loop3A_400 = arith.constant 2048 : i32
    %parallel_loop3A_401 = arith.constant 1 : i32
    scf.for %parallel_loop3A_507 = %parallel_loop3A_399 to %parallel_loop3A_400 step %parallel_loop3A_401  : i32 {
      %parallel_loop3A_508 = arith.constant 16 : i32
      %parallel_loop3A_509 = arith.muli %parallel_loop3A_508, %parallel_loop3A_507 : i32
      %parallel_loop3A_510 = arith.index_cast %parallel_loop3A_509 : i32 to index
      %parallel_loop3A_511 = tpu.vector_load %arg4[%parallel_loop3A_510] {strides = array<i32>} : memref<65536xi32, #tpu.memory_space<vmem>>, vector<16xi32>,
      %parallel_loop3A_512 = vector.broadcast %add3A_298 : i32 to vector<16xi32>
      %parallel_loop3A_513 = arith.cmpi sgt, %parallel_loop3A_511, %parallel_loop3A_512 : vector<16xi32>
      %parallel_loop3A_514 = arith.constant 31 : i32
      %parallel_loop3A_515 = vector.broadcast %parallel_loop3A_514 : i32 to vector<16xi32>
      %parallel_loop3A_516 = arith.shrsi %parallel_loop3A_511, %parallel_loop3A_515 : vector<16xi32>
      %parallel_loop3A_517 = arith.constant 1 : i32
      %parallel_loop3A_518 = vector.broadcast %parallel_loop3A_517 : i32 to vector<16xi32>
      %parallel_loop3A_519 = arith.shrui %parallel_loop3A_516, %parallel_loop3A_518 : vector<16xi32>
      %parallel_loop3A_520 = arith.xori %parallel_loop3A_511, %parallel_loop3A_519 : vector<16xi32>
      %parallel_loop3A_521 = arith.constant 0 : i32
      %parallel_loop3A_522 = vector.broadcast %parallel_loop3A_521 : i32 to vector<16xi32>
      %parallel_loop3A_523 = arith.select %parallel_loop3A_513, %parallel_loop3A_520, %parallel_loop3A_522 : vector<16xi1>, vector<16xi32>
      %parallel_loop3A_524 = arith.constant 16 : i32
      %parallel_loop3A_525 = arith.muli %parallel_loop3A_524, %parallel_loop3A_507 : i32
      %parallel_loop3A_526 = arith.index_cast %parallel_loop3A_525 : i32 to index
      %parallel_loop3A_527 = tpu.vector_load %arg4[%parallel_loop3A_526] {strides = array<i32>} : memref<65536xi32, #tpu.memory_space<vmem>>, vector<16xi32>,
      tpu.vector_store %arg4[%parallel_loop3A_526], %parallel_loop3A_523 {strides = array<i32>} : memref<65536xi32, #tpu.memory_space<vmem>>, vector<16xi32>,
    } {sc.loop_unroll_factor = 4 : i64, sc.parallel_access}
    %while3A_402 = arith.constant 0 : i32
    %while3A_403 = arith.constant 0 : i32
    %while3A_404 = arith.subi %select_n3A_374, %while3A_403 : i32
    %while3A_405 = arith.addi %while3A_403, %while3A_404 : i32
    %while3A_406 = arith.constant 1 : i32
    %while3A_407 = arith.divsi %while3A_404, %while3A_406 : i32
    %while3A_408 = arith.muli %while3A_407, %while3A_406 : i32
    %while3A_409 = arith.addi %while3A_403, %while3A_408 : i32
    %while3A_410 = arith.constant 1 : i32
    scf.for %while3A_507 = %while3A_403 to %while3A_409 step %while3A_410  : i32 {
      %mul3A_508 = arith.constant 16 : i32
      %mul3A_509 = arith.muli %mul3A_508, %while3A_507 : i32
      %get3A_510 = arith.index_cast %mul3A_509 : i32 to index
      %get3A_511 = tpu.vector_load %arg10[%get3A_510] {strides = array<i32>} : memref<16400xi32, #tpu.memory_space<vmem>>, vector<16xi32>,
      %mul3A_512 = arith.constant 16 : i32
      %mul3A_513 = arith.muli %mul3A_512, %while3A_507 : i32
      %add3A_514 = vector.broadcast %mul3A_513 : i32 to vector<16xi32>
      %add3A_515 = arith.addi %add3A_514, %iota3A : vector<16xi32>
      %lt3A_516 = vector.broadcast %select_n3A_345 : i32 to vector<16xi32>
      %lt3A_517 = arith.cmpi slt, %add3A_515, %lt3A_516 : vector<16xi32>
      %ge3A_518 = arith.constant 16384 : i32
      %ge3A_519 = vector.broadcast %ge3A_518 : i32 to vector<16xi32>
      %ge3A_520 = arith.cmpi sge, %get3A_511, %ge3A_519 : vector<16xi32>
      %lt3A_521 = arith.constant 32768 : i32
      %lt3A_522 = vector.broadcast %lt3A_521 : i32 to vector<16xi32>
      %lt3A_523 = arith.cmpi slt, %get3A_511, %lt3A_522 : vector<16xi32>
      %and3A_524 = arith.andi %ge3A_520, %lt3A_523 : vector<16xi1>
      %and3A_525 = arith.andi %lt3A_517, %and3A_524 : vector<16xi1>
      tpu.vector_store_idx %arg4[%get3A_511], %broadcast_in_dim3A_348 masked %and3A_525 : memref<65536xi32, #tpu.memory_space<vmem>>[vector<16xi32>], vector<16xi32>, vector<16xi1>
    }
    %while3A_411 = arith.constant 1 : i32
    scf.for %while3A_507 = %while3A_409 to %while3A_405 step %while3A_411  : i32 {
      %mul3A_508 = arith.constant 16 : i32
      %mul3A_509 = arith.muli %mul3A_508, %while3A_507 : i32
      %get3A_510 = arith.index_cast %mul3A_509 : i32 to index
      %get3A_511 = tpu.vector_load %arg10[%get3A_510] {strides = array<i32>} : memref<16400xi32, #tpu.memory_space<vmem>>, vector<16xi32>,
      %mul3A_512 = arith.constant 16 : i32
      %mul3A_513 = arith.muli %mul3A_512, %while3A_507 : i32
      %add3A_514 = vector.broadcast %mul3A_513 : i32 to vector<16xi32>
      %add3A_515 = arith.addi %add3A_514, %iota3A : vector<16xi32>
      %lt3A_516 = vector.broadcast %select_n3A_345 : i32 to vector<16xi32>
      %lt3A_517 = arith.cmpi slt, %add3A_515, %lt3A_516 : vector<16xi32>
      %ge3A_518 = arith.constant 16384 : i32
      %ge3A_519 = vector.broadcast %ge3A_518 : i32 to vector<16xi32>
      %ge3A_520 = arith.cmpi sge, %get3A_511, %ge3A_519 : vector<16xi32>
      %lt3A_521 = arith.constant 32768 : i32
      %lt3A_522 = vector.broadcast %lt3A_521 : i32 to vector<16xi32>
      %lt3A_523 = arith.cmpi slt, %get3A_511, %lt3A_522 : vector<16xi32>
      %and3A_524 = arith.andi %ge3A_520, %lt3A_523 : vector<16xi1>
      %and3A_525 = arith.andi %lt3A_517, %and3A_524 : vector<16xi1>
      tpu.vector_store_idx %arg4[%get3A_511], %broadcast_in_dim3A_348 masked %and3A_525 : memref<65536xi32, #tpu.memory_space<vmem>>[vector<16xi32>], vector<16xi32>, vector<16xi1>
    }
    %add3A_412 = arith.constant 16384 : i32
    %add3A_413 = arith.addi %mul3A_0, %add3A_412 : i32
    %dma_start3A_414 = arith.constant 1 : i32
    %dma_start3A_415 = arith.constant 16384 : i32
    %dma_start3A_416 = tpu.memref_slice %arg4[%dma_start3A_415] : memref<65536xi32, #tpu.memory_space<vmem>> -> memref<16384xi32, #tpu.memory_space<vmem>>
    %dma_start3A_417 = tpu.memref_slice %arg3[%add3A_413] : memref<1048576xi32, #tpu.memory_space<hbm>> -> memref<16384xi32, #tpu.memory_space<hbm>>
    %dma_start3A_418 = tpu.memref_slice %arg14[%dma_start3A_414] : memref<4x!tpu.dma_semaphore, #tpu.memory_space<semaphore_mem>> -> memref<1x!tpu.dma_semaphore, #tpu.memory_space<semaphore_mem>>
    %dma_start3A_419 = tpu.memref_squeeze %dma_start3A_418 : memref<1x!tpu.dma_semaphore, #tpu.memory_space<semaphore_mem>> -> memref<!tpu.dma_semaphore, #tpu.memory_space<semaphore_mem>>
    %dma_start3A_420 = tpu.memref_slice %arg3[%add3A_413] : memref<1048576xi32, #tpu.memory_space<hbm>> -> memref<16384xi32, #tpu.memory_space<hbm>>
    %dma_start3A_421 = arith.constant 16384 : i32
    %dma_start3A_422 = tpu.memref_slice %arg4[%dma_start3A_421] : memref<65536xi32, #tpu.memory_space<vmem>> -> memref<16384xi32, #tpu.memory_space<vmem>>
    tpu.enqueue_dma source(%dma_start3A_422 : memref<16384xi32, #tpu.memory_space<vmem>>) target(%dma_start3A_420 : memref<16384xi32, #tpu.memory_space<hbm>>) target_semaphore(%dma_start3A_419 : memref<!tpu.dma_semaphore, #tpu.memory_space<semaphore_mem>>)
    %parallel_loop3A_423 = arith.constant 2048 : i32
    %parallel_loop3A_424 = arith.constant 3072 : i32
    %parallel_loop3A_425 = arith.constant 1 : i32
    scf.for %parallel_loop3A_507 = %parallel_loop3A_423 to %parallel_loop3A_424 step %parallel_loop3A_425  : i32 {
      %parallel_loop3A_508 = arith.constant 16 : i32
      %parallel_loop3A_509 = arith.muli %parallel_loop3A_508, %parallel_loop3A_507 : i32
      %parallel_loop3A_510 = arith.index_cast %parallel_loop3A_509 : i32 to index
      %parallel_loop3A_511 = tpu.vector_load %arg4[%parallel_loop3A_510] {strides = array<i32>} : memref<65536xi32, #tpu.memory_space<vmem>>, vector<16xi32>,
      %parallel_loop3A_512 = vector.broadcast %add3A_298 : i32 to vector<16xi32>
      %parallel_loop3A_513 = arith.cmpi sgt, %parallel_loop3A_511, %parallel_loop3A_512 : vector<16xi32>
      %parallel_loop3A_514 = arith.constant 31 : i32
      %parallel_loop3A_515 = vector.broadcast %parallel_loop3A_514 : i32 to vector<16xi32>
      %parallel_loop3A_516 = arith.shrsi %parallel_loop3A_511, %parallel_loop3A_515 : vector<16xi32>
      %parallel_loop3A_517 = arith.constant 1 : i32
      %parallel_loop3A_518 = vector.broadcast %parallel_loop3A_517 : i32 to vector<16xi32>
      %parallel_loop3A_519 = arith.shrui %parallel_loop3A_516, %parallel_loop3A_518 : vector<16xi32>
      %parallel_loop3A_520 = arith.xori %parallel_loop3A_511, %parallel_loop3A_519 : vector<16xi32>
      %parallel_loop3A_521 = arith.constant 0 : i32
      %parallel_loop3A_522 = vector.broadcast %parallel_loop3A_521 : i32 to vector<16xi32>
      %parallel_loop3A_523 = arith.select %parallel_loop3A_513, %parallel_loop3A_520, %parallel_loop3A_522 : vector<16xi1>, vector<16xi32>
      %parallel_loop3A_524 = arith.constant 16 : i32
      %parallel_loop3A_525 = arith.muli %parallel_loop3A_524, %parallel_loop3A_507 : i32
      %parallel_loop3A_526 = arith.index_cast %parallel_loop3A_525 : i32 to index
      %parallel_loop3A_527 = tpu.vector_load %arg4[%parallel_loop3A_526] {strides = array<i32>} : memref<65536xi32, #tpu.memory_space<vmem>>, vector<16xi32>,
      tpu.vector_store %arg4[%parallel_loop3A_526], %parallel_loop3A_523 {strides = array<i32>} : memref<65536xi32, #tpu.memory_space<vmem>>, vector<16xi32>,
    } {sc.loop_unroll_factor = 4 : i64, sc.parallel_access}
    %while3A_426 = arith.constant 0 : i32
    %while3A_427 = arith.constant 0 : i32
    %while3A_428 = arith.subi %select_n3A_374, %while3A_427 : i32
    %while3A_429 = arith.addi %while3A_427, %while3A_428 : i32
    %while3A_430 = arith.constant 1 : i32
    %while3A_431 = arith.divsi %while3A_428, %while3A_430 : i32
    %while3A_432 = arith.muli %while3A_431, %while3A_430 : i32
    %while3A_433 = arith.addi %while3A_427, %while3A_432 : i32
    %while3A_434 = arith.constant 1 : i32
    scf.for %while3A_507 = %while3A_427 to %while3A_433 step %while3A_434  : i32 {
      %mul3A_508 = arith.constant 16 : i32
      %mul3A_509 = arith.muli %mul3A_508, %while3A_507 : i32
      %get3A_510 = arith.index_cast %mul3A_509 : i32 to index
      %get3A_511 = tpu.vector_load %arg10[%get3A_510] {strides = array<i32>} : memref<16400xi32, #tpu.memory_space<vmem>>, vector<16xi32>,
      %mul3A_512 = arith.constant 16 : i32
      %mul3A_513 = arith.muli %mul3A_512, %while3A_507 : i32
      %add3A_514 = vector.broadcast %mul3A_513 : i32 to vector<16xi32>
      %add3A_515 = arith.addi %add3A_514, %iota3A : vector<16xi32>
      %lt3A_516 = vector.broadcast %select_n3A_345 : i32 to vector<16xi32>
      %lt3A_517 = arith.cmpi slt, %add3A_515, %lt3A_516 : vector<16xi32>
      %ge3A_518 = arith.constant 32768 : i32
      %ge3A_519 = vector.broadcast %ge3A_518 : i32 to vector<16xi32>
      %ge3A_520 = arith.cmpi sge, %get3A_511, %ge3A_519 : vector<16xi32>
      %lt3A_521 = arith.constant 49152 : i32
      %lt3A_522 = vector.broadcast %lt3A_521 : i32 to vector<16xi32>
      %lt3A_523 = arith.cmpi slt, %get3A_511, %lt3A_522 : vector<16xi32>
      %and3A_524 = arith.andi %ge3A_520, %lt3A_523 : vector<16xi1>
      %and3A_525 = arith.andi %lt3A_517, %and3A_524 : vector<16xi1>
      tpu.vector_store_idx %arg4[%get3A_511], %broadcast_in_dim3A_348 masked %and3A_525 : memref<65536xi32, #tpu.memory_space<vmem>>[vector<16xi32>], vector<16xi32>, vector<16xi1>
    }
    %while3A_435 = arith.constant 1 : i32
    scf.for %while3A_507 = %while3A_433 to %while3A_429 step %while3A_435  : i32 {
      %mul3A_508 = arith.constant 16 : i32
      %mul3A_509 = arith.muli %mul3A_508, %while3A_507 : i32
      %get3A_510 = arith.index_cast %mul3A_509 : i32 to index
      %get3A_511 = tpu.vector_load %arg10[%get3A_510] {strides = array<i32>} : memref<16400xi32, #tpu.memory_space<vmem>>, vector<16xi32>,
      %mul3A_512 = arith.constant 16 : i32
      %mul3A_513 = arith.muli %mul3A_512, %while3A_507 : i32
      %add3A_514 = vector.broadcast %mul3A_513 : i32 to vector<16xi32>
      %add3A_515 = arith.addi %add3A_514, %iota3A : vector<16xi32>
      %lt3A_516 = vector.broadcast %select_n3A_345 : i32 to vector<16xi32>
      %lt3A_517 = arith.cmpi slt, %add3A_515, %lt3A_516 : vector<16xi32>
      %ge3A_518 = arith.constant 32768 : i32
      %ge3A_519 = vector.broadcast %ge3A_518 : i32 to vector<16xi32>
      %ge3A_520 = arith.cmpi sge, %get3A_511, %ge3A_519 : vector<16xi32>
      %lt3A_521 = arith.constant 49152 : i32
      %lt3A_522 = vector.broadcast %lt3A_521 : i32 to vector<16xi32>
      %lt3A_523 = arith.cmpi slt, %get3A_511, %lt3A_522 : vector<16xi32>
      %and3A_524 = arith.andi %ge3A_520, %lt3A_523 : vector<16xi1>
      %and3A_525 = arith.andi %lt3A_517, %and3A_524 : vector<16xi1>
      tpu.vector_store_idx %arg4[%get3A_511], %broadcast_in_dim3A_348 masked %and3A_525 : memref<65536xi32, #tpu.memory_space<vmem>>[vector<16xi32>], vector<16xi32>, vector<16xi1>
    }
    %add3A_436 = arith.constant 32768 : i32
    %add3A_437 = arith.addi %mul3A_0, %add3A_436 : i32
    %dma_start3A_438 = arith.constant 2 : i32
    %dma_start3A_439 = arith.constant 32768 : i32
    %dma_start3A_440 = tpu.memref_slice %arg4[%dma_start3A_439] : memref<65536xi32, #tpu.memory_space<vmem>> -> memref<16384xi32, #tpu.memory_space<vmem>>
    %dma_start3A_441 = tpu.memref_slice %arg3[%add3A_437] : memref<1048576xi32, #tpu.memory_space<hbm>> -> memref<16384xi32, #tpu.memory_space<hbm>>
    %dma_start3A_442 = tpu.memref_slice %arg14[%dma_start3A_438] : memref<4x!tpu.dma_semaphore, #tpu.memory_space<semaphore_mem>> -> memref<1x!tpu.dma_semaphore, #tpu.memory_space<semaphore_mem>>
    %dma_start3A_443 = tpu.memref_squeeze %dma_start3A_442 : memref<1x!tpu.dma_semaphore, #tpu.memory_space<semaphore_mem>> -> memref<!tpu.dma_semaphore, #tpu.memory_space<semaphore_mem>>
    %dma_start3A_444 = tpu.memref_slice %arg3[%add3A_437] : memref<1048576xi32, #tpu.memory_space<hbm>> -> memref<16384xi32, #tpu.memory_space<hbm>>
    %dma_start3A_445 = arith.constant 32768 : i32
    %dma_start3A_446 = tpu.memref_slice %arg4[%dma_start3A_445] : memref<65536xi32, #tpu.memory_space<vmem>> -> memref<16384xi32, #tpu.memory_space<vmem>>
    tpu.enqueue_dma source(%dma_start3A_446 : memref<16384xi32, #tpu.memory_space<vmem>>) target(%dma_start3A_444 : memref<16384xi32, #tpu.memory_space<hbm>>) target_semaphore(%dma_start3A_443 : memref<!tpu.dma_semaphore, #tpu.memory_space<semaphore_mem>>)
    %parallel_loop3A_447 = arith.constant 3072 : i32
    %parallel_loop3A_448 = arith.constant 4096 : i32
    %parallel_loop3A_449 = arith.constant 1 : i32
    scf.for %parallel_loop3A_507 = %parallel_loop3A_447 to %parallel_loop3A_448 step %parallel_loop3A_449  : i32 {
      %parallel_loop3A_508 = arith.constant 16 : i32
      %parallel_loop3A_509 = arith.muli %parallel_loop3A_508, %parallel_loop3A_507 : i32
      %parallel_loop3A_510 = arith.index_cast %parallel_loop3A_509 : i32 to index
      %parallel_loop3A_511 = tpu.vector_load %arg4[%parallel_loop3A_510] {strides = array<i32>} : memref<65536xi32, #tpu.memory_space<vmem>>, vector<16xi32>,
      %parallel_loop3A_512 = vector.broadcast %add3A_298 : i32 to vector<16xi32>
      %parallel_loop3A_513 = arith.cmpi sgt, %parallel_loop3A_511, %parallel_loop3A_512 : vector<16xi32>
      %parallel_loop3A_514 = arith.constant 31 : i32
      %parallel_loop3A_515 = vector.broadcast %parallel_loop3A_514 : i32 to vector<16xi32>
      %parallel_loop3A_516 = arith.shrsi %parallel_loop3A_511, %parallel_loop3A_515 : vector<16xi32>
      %parallel_loop3A_517 = arith.constant 1 : i32
      %parallel_loop3A_518 = vector.broadcast %parallel_loop3A_517 : i32 to vector<16xi32>
      %parallel_loop3A_519 = arith.shrui %parallel_loop3A_516, %parallel_loop3A_518 : vector<16xi32>
      %parallel_loop3A_520 = arith.xori %parallel_loop3A_511, %parallel_loop3A_519 : vector<16xi32>
      %parallel_loop3A_521 = arith.constant 0 : i32
      %parallel_loop3A_522 = vector.broadcast %parallel_loop3A_521 : i32 to vector<16xi32>
      %parallel_loop3A_523 = arith.select %parallel_loop3A_513, %parallel_loop3A_520, %parallel_loop3A_522 : vector<16xi1>, vector<16xi32>
      %parallel_loop3A_524 = arith.constant 16 : i32
      %parallel_loop3A_525 = arith.muli %parallel_loop3A_524, %parallel_loop3A_507 : i32
      %parallel_loop3A_526 = arith.index_cast %parallel_loop3A_525 : i32 to index
      %parallel_loop3A_527 = tpu.vector_load %arg4[%parallel_loop3A_526] {strides = array<i32>} : memref<65536xi32, #tpu.memory_space<vmem>>, vector<16xi32>,
      tpu.vector_store %arg4[%parallel_loop3A_526], %parallel_loop3A_523 {strides = array<i32>} : memref<65536xi32, #tpu.memory_space<vmem>>, vector<16xi32>,
    } {sc.loop_unroll_factor = 4 : i64, sc.parallel_access}
    %while3A_450 = arith.constant 0 : i32
    %while3A_451 = arith.constant 0 : i32
    %while3A_452 = arith.subi %select_n3A_374, %while3A_451 : i32
    %while3A_453 = arith.addi %while3A_451, %while3A_452 : i32
    %while3A_454 = arith.constant 1 : i32
    %while3A_455 = arith.divsi %while3A_452, %while3A_454 : i32
    %while3A_456 = arith.muli %while3A_455, %while3A_454 : i32
    %while3A_457 = arith.addi %while3A_451, %while3A_456 : i32
    %while3A_458 = arith.constant 1 : i32
    scf.for %while3A_507 = %while3A_451 to %while3A_457 step %while3A_458  : i32 {
      %mul3A_508 = arith.constant 16 : i32
      %mul3A_509 = arith.muli %mul3A_508, %while3A_507 : i32
      %get3A_510 = arith.index_cast %mul3A_509 : i32 to index
      %get3A_511 = tpu.vector_load %arg10[%get3A_510] {strides = array<i32>} : memref<16400xi32, #tpu.memory_space<vmem>>, vector<16xi32>,
      %mul3A_512 = arith.constant 16 : i32
      %mul3A_513 = arith.muli %mul3A_512, %while3A_507 : i32
      %add3A_514 = vector.broadcast %mul3A_513 : i32 to vector<16xi32>
      %add3A_515 = arith.addi %add3A_514, %iota3A : vector<16xi32>
      %lt3A_516 = vector.broadcast %select_n3A_345 : i32 to vector<16xi32>
      %lt3A_517 = arith.cmpi slt, %add3A_515, %lt3A_516 : vector<16xi32>
      %ge3A_518 = arith.constant 49152 : i32
      %ge3A_519 = vector.broadcast %ge3A_518 : i32 to vector<16xi32>
      %ge3A_520 = arith.cmpi sge, %get3A_511, %ge3A_519 : vector<16xi32>
      %lt3A_521 = arith.constant 65536 : i32
      %lt3A_522 = vector.broadcast %lt3A_521 : i32 to vector<16xi32>
      %lt3A_523 = arith.cmpi slt, %get3A_511, %lt3A_522 : vector<16xi32>
      %and3A_524 = arith.andi %ge3A_520, %lt3A_523 : vector<16xi1>
      %and3A_525 = arith.andi %lt3A_517, %and3A_524 : vector<16xi1>
      tpu.vector_store_idx %arg4[%get3A_511], %broadcast_in_dim3A_348 masked %and3A_525 : memref<65536xi32, #tpu.memory_space<vmem>>[vector<16xi32>], vector<16xi32>, vector<16xi1>
    }
    %while3A_459 = arith.constant 1 : i32
    scf.for %while3A_507 = %while3A_457 to %while3A_453 step %while3A_459  : i32 {
      %mul3A_508 = arith.constant 16 : i32
      %mul3A_509 = arith.muli %mul3A_508, %while3A_507 : i32
      %get3A_510 = arith.index_cast %mul3A_509 : i32 to index
      %get3A_511 = tpu.vector_load %arg10[%get3A_510] {strides = array<i32>} : memref<16400xi32, #tpu.memory_space<vmem>>, vector<16xi32>,
      %mul3A_512 = arith.constant 16 : i32
      %mul3A_513 = arith.muli %mul3A_512, %while3A_507 : i32
      %add3A_514 = vector.broadcast %mul3A_513 : i32 to vector<16xi32>
      %add3A_515 = arith.addi %add3A_514, %iota3A : vector<16xi32>
      %lt3A_516 = vector.broadcast %select_n3A_345 : i32 to vector<16xi32>
      %lt3A_517 = arith.cmpi slt, %add3A_515, %lt3A_516 : vector<16xi32>
      %ge3A_518 = arith.constant 49152 : i32
      %ge3A_519 = vector.broadcast %ge3A_518 : i32 to vector<16xi32>
      %ge3A_520 = arith.cmpi sge, %get3A_511, %ge3A_519 : vector<16xi32>
      %lt3A_521 = arith.constant 65536 : i32
      %lt3A_522 = vector.broadcast %lt3A_521 : i32 to vector<16xi32>
      %lt3A_523 = arith.cmpi slt, %get3A_511, %lt3A_522 : vector<16xi32>
      %and3A_524 = arith.andi %ge3A_520, %lt3A_523 : vector<16xi1>
      %and3A_525 = arith.andi %lt3A_517, %and3A_524 : vector<16xi1>
      tpu.vector_store_idx %arg4[%get3A_511], %broadcast_in_dim3A_348 masked %and3A_525 : memref<65536xi32, #tpu.memory_space<vmem>>[vector<16xi32>], vector<16xi32>, vector<16xi1>
    }
    %add3A_460 = arith.constant 49152 : i32
    %add3A_461 = arith.addi %mul3A_0, %add3A_460 : i32
    %dma_start3A_462 = arith.constant 3 : i32
    %dma_start3A_463 = arith.constant 49152 : i32
    %dma_start3A_464 = tpu.memref_slice %arg4[%dma_start3A_463] : memref<65536xi32, #tpu.memory_space<vmem>> -> memref<16384xi32, #tpu.memory_space<vmem>>
    %dma_start3A_465 = tpu.memref_slice %arg3[%add3A_461] : memref<1048576xi32, #tpu.memory_space<hbm>> -> memref<16384xi32, #tpu.memory_space<hbm>>
    %dma_start3A_466 = tpu.memref_slice %arg14[%dma_start3A_462] : memref<4x!tpu.dma_semaphore, #tpu.memory_space<semaphore_mem>> -> memref<1x!tpu.dma_semaphore, #tpu.memory_space<semaphore_mem>>
    %dma_start3A_467 = tpu.memref_squeeze %dma_start3A_466 : memref<1x!tpu.dma_semaphore, #tpu.memory_space<semaphore_mem>> -> memref<!tpu.dma_semaphore, #tpu.memory_space<semaphore_mem>>
    %dma_start3A_468 = tpu.memref_slice %arg3[%add3A_461] : memref<1048576xi32, #tpu.memory_space<hbm>> -> memref<16384xi32, #tpu.memory_space<hbm>>
    %dma_start3A_469 = arith.constant 49152 : i32
    %dma_start3A_470 = tpu.memref_slice %arg4[%dma_start3A_469] : memref<65536xi32, #tpu.memory_space<vmem>> -> memref<16384xi32, #tpu.memory_space<vmem>>
    tpu.enqueue_dma source(%dma_start3A_470 : memref<16384xi32, #tpu.memory_space<vmem>>) target(%dma_start3A_468 : memref<16384xi32, #tpu.memory_space<hbm>>) target_semaphore(%dma_start3A_467 : memref<!tpu.dma_semaphore, #tpu.memory_space<semaphore_mem>>)
    %dma_wait3A_471 = arith.constant 0 : i32
    %dma_wait3A_472 = arith.constant 0 : i32
    %dma_wait3A_473 = tpu.memref_slice %arg4[%dma_wait3A_472] : memref<65536xi32, #tpu.memory_space<vmem>> -> memref<16384xi32, #tpu.memory_space<vmem>>
    %dma_wait3A_474 = tpu.memref_slice %arg3[%add3A_389] : memref<1048576xi32, #tpu.memory_space<hbm>> -> memref<16384xi32, #tpu.memory_space<hbm>>
    %dma_wait3A_475 = tpu.memref_slice %arg14[%dma_wait3A_471] : memref<4x!tpu.dma_semaphore, #tpu.memory_space<semaphore_mem>> -> memref<1x!tpu.dma_semaphore, #tpu.memory_space<semaphore_mem>>
    %dma_wait3A_476 = tpu.memref_squeeze %dma_wait3A_475 : memref<1x!tpu.dma_semaphore, #tpu.memory_space<semaphore_mem>> -> memref<!tpu.dma_semaphore, #tpu.memory_space<semaphore_mem>>
    %dma_wait3A_477 = tpu.memref_slice %arg3[%add3A_389] : memref<1048576xi32, #tpu.memory_space<hbm>> -> memref<16384xi32, #tpu.memory_space<hbm>>
    %dma_wait3A_478 = arith.constant 0 : i32
    %dma_wait3A_479 = tpu.memref_slice %arg4[%dma_wait3A_478] : memref<65536xi32, #tpu.memory_space<vmem>> -> memref<16384xi32, #tpu.memory_space<vmem>>
    tpu.wait_dma2 semaphore(%dma_wait3A_476 : memref<!tpu.dma_semaphore, #tpu.memory_space<semaphore_mem>>) src(%dma_wait3A_479 : memref<16384xi32, #tpu.memory_space<vmem>>) dst(%dma_wait3A_477 : memref<16384xi32, #tpu.memory_space<hbm>>)
    %dma_wait3A_480 = arith.constant 1 : i32
    %dma_wait3A_481 = arith.constant 16384 : i32
    %dma_wait3A_482 = tpu.memref_slice %arg4[%dma_wait3A_481] : memref<65536xi32, #tpu.memory_space<vmem>> -> memref<16384xi32, #tpu.memory_space<vmem>>
    %dma_wait3A_483 = tpu.memref_slice %arg3[%add3A_413] : memref<1048576xi32, #tpu.memory_space<hbm>> -> memref<16384xi32, #tpu.memory_space<hbm>>
    %dma_wait3A_484 = tpu.memref_slice %arg14[%dma_wait3A_480] : memref<4x!tpu.dma_semaphore, #tpu.memory_space<semaphore_mem>> -> memref<1x!tpu.dma_semaphore, #tpu.memory_space<semaphore_mem>>
    %dma_wait3A_485 = tpu.memref_squeeze %dma_wait3A_484 : memref<1x!tpu.dma_semaphore, #tpu.memory_space<semaphore_mem>> -> memref<!tpu.dma_semaphore, #tpu.memory_space<semaphore_mem>>
    %dma_wait3A_486 = tpu.memref_slice %arg3[%add3A_413] : memref<1048576xi32, #tpu.memory_space<hbm>> -> memref<16384xi32, #tpu.memory_space<hbm>>
    %dma_wait3A_487 = arith.constant 16384 : i32
    %dma_wait3A_488 = tpu.memref_slice %arg4[%dma_wait3A_487] : memref<65536xi32, #tpu.memory_space<vmem>> -> memref<16384xi32, #tpu.memory_space<vmem>>
    tpu.wait_dma2 semaphore(%dma_wait3A_485 : memref<!tpu.dma_semaphore, #tpu.memory_space<semaphore_mem>>) src(%dma_wait3A_488 : memref<16384xi32, #tpu.memory_space<vmem>>) dst(%dma_wait3A_486 : memref<16384xi32, #tpu.memory_space<hbm>>)
    %dma_wait3A_489 = arith.constant 2 : i32
    %dma_wait3A_490 = arith.constant 32768 : i32
    %dma_wait3A_491 = tpu.memref_slice %arg4[%dma_wait3A_490] : memref<65536xi32, #tpu.memory_space<vmem>> -> memref<16384xi32, #tpu.memory_space<vmem>>
    %dma_wait3A_492 = tpu.memref_slice %arg3[%add3A_437] : memref<1048576xi32, #tpu.memory_space<hbm>> -> memref<16384xi32, #tpu.memory_space<hbm>>
    %dma_wait3A_493 = tpu.memref_slice %arg14[%dma_wait3A_489] : memref<4x!tpu.dma_semaphore, #tpu.memory_space<semaphore_mem>> -> memref<1x!tpu.dma_semaphore, #tpu.memory_space<semaphore_mem>>
    %dma_wait3A_494 = tpu.memref_squeeze %dma_wait3A_493 : memref<1x!tpu.dma_semaphore, #tpu.memory_space<semaphore_mem>> -> memref<!tpu.dma_semaphore, #tpu.memory_space<semaphore_mem>>
    %dma_wait3A_495 = tpu.memref_slice %arg3[%add3A_437] : memref<1048576xi32, #tpu.memory_space<hbm>> -> memref<16384xi32, #tpu.memory_space<hbm>>
    %dma_wait3A_496 = arith.constant 32768 : i32
    %dma_wait3A_497 = tpu.memref_slice %arg4[%dma_wait3A_496] : memref<65536xi32, #tpu.memory_space<vmem>> -> memref<16384xi32, #tpu.memory_space<vmem>>
    tpu.wait_dma2 semaphore(%dma_wait3A_494 : memref<!tpu.dma_semaphore, #tpu.memory_space<semaphore_mem>>) src(%dma_wait3A_497 : memref<16384xi32, #tpu.memory_space<vmem>>) dst(%dma_wait3A_495 : memref<16384xi32, #tpu.memory_space<hbm>>)
    %dma_wait3A_498 = arith.constant 3 : i32
    %dma_wait3A_499 = arith.constant 49152 : i32
    %dma_wait3A_500 = tpu.memref_slice %arg4[%dma_wait3A_499] : memref<65536xi32, #tpu.memory_space<vmem>> -> memref<16384xi32, #tpu.memory_space<vmem>>
    %dma_wait3A_501 = tpu.memref_slice %arg3[%add3A_461] : memref<1048576xi32, #tpu.memory_space<hbm>> -> memref<16384xi32, #tpu.memory_space<hbm>>
    %dma_wait3A_502 = tpu.memref_slice %arg14[%dma_wait3A_498] : memref<4x!tpu.dma_semaphore, #tpu.memory_space<semaphore_mem>> -> memref<1x!tpu.dma_semaphore, #tpu.memory_space<semaphore_mem>>
    %dma_wait3A_503 = tpu.memref_squeeze %dma_wait3A_502 : memref<1x!tpu.dma_semaphore, #tpu.memory_space<semaphore_mem>> -> memref<!tpu.dma_semaphore, #tpu.memory_space<semaphore_mem>>
    %dma_wait3A_504 = tpu.memref_slice %arg3[%add3A_461] : memref<1048576xi32, #tpu.memory_space<hbm>> -> memref<16384xi32, #tpu.memory_space<hbm>>
    %dma_wait3A_505 = arith.constant 49152 : i32
    %dma_wait3A_506 = tpu.memref_slice %arg4[%dma_wait3A_505] : memref<65536xi32, #tpu.memory_space<vmem>> -> memref<16384xi32, #tpu.memory_space<vmem>>
    tpu.wait_dma2 semaphore(%dma_wait3A_503 : memref<!tpu.dma_semaphore, #tpu.memory_space<semaphore_mem>>) src(%dma_wait3A_506 : memref<16384xi32, #tpu.memory_space<vmem>>) dst(%dma_wait3A_504 : memref<16384xi32, #tpu.memory_space<hbm>>)
    return
  }
}

</mosaic_0001>

<sc_bundles>
// kernel: kernel.3.cloned.1.call-start
scs
__scs_entry_jumppad:
0x0: {  	(pc) =	sbr.rel $0x88, $3  }
0x1: {  	(tag) =	ssettag $0x0;
	lr =	simm.s32 $0x1  }
0x2: {  	[smem:$0x3FA0] =	sst lr;
	_ =	strace $0xD0000000  }
0x3: {  	_ = 	snop  }
0x4: {  	_ = 	snop  }
0x5: {  	_ = 	snop  }
0x6: {  	_ = 	snop  }
0x7: {  	_ = 	snop  }
__scs_overlays_trampoline_lowered:
0x8: {  	[smem:$0x3FAF] =	sst s0  }
0x9: {  	[smem:$0x3FB0] =	sst s1  }
0xa: {  	[smem:$0x3FB1] =	sst s2  }
0xb: {  	[smem:$0x3FB2] =	sst s3  }
0xc: {  	[smem:$0x3FB3] =	sst s4  }
0xd: {  	[smem:$0x3FB4] =	sst s5  }
0xe: {  	[smem:$0x3FB5] =	sst s6  }
0xf: {  	[smem:$0x3FB6] =	sst s7  }
0x10: {  	[smem:$0x3FB7] =	sst s8  }
0x11: {  	[smem:$0x3FB8] =	sst s9;
	s0 =	simm.s32 @!p0 $0x0  }
0x12: {  	s1 =	sld [smem:$0x3F9E];
	s0 =	simm.s32 @p0 $0x1  }
0x13: {  	[smem:$0x3FB9] =	sst s0;
	s0 =	simm.s32 @!p1 $0x0  }
0x14: {  	s2 =	sld [smem:$0x3F9D];
	s0 =	simm.s32 @p1 $0x1  }
0x15: {  	[smem:$0x3FBA] =	sst s0;
	s0 =	simm.s32 @!p2 $0x0  }
0x16: {  	s3 =	sld [smem:$0x3FDB];
	s0 =	simm.s32 @p2 $0x1  }
0x17: {  	s4 =	simm.s32 $0x1BF5;
	[smem:$0x3FBC] =	sst s0  }
0x18: {  	s0 =	sld [smem:$0x3F9F];
	_ =	swait.ge [sflag:s4], $0x0  }
0x19: {  	s7 =	sld [smem:$0x3FA0]  }
0x1a: {  	s8 =	sadd.s32 $0xFFFFE003, lr  }
0x1b: {  	s9 =	sadd.s32 $0xFFFFFEF7, lr;
	s5 =	simm.s32 $0xFFFFFFFF;
	p2 =	slt.u32 s8, $0xFFFFF086  }
0x1c: {  	p1 =	slt.u32 s9, $0xF7A;
	s5 =	simm.s32 @!p2 $0x0  }
0x1d: {  	s5 =	simm.s32 @p1 $0x1;
	p0 =	seq.s32 s7, s2  }
0x1e: {  	s7 =	smul.u32 @!p0 $0xF7A, s2;
	p2 =	seq.s32 @!p0 s5, $0x0  }
0x1f: {  	s9 =	smul.u32 $0xF7A, s1;
	s8 =	simm.s32 @!p0 $0x1BF5;
	p2 =	por !p2, p0  }
0x20: {  	[sflag:s8] =	ssyncset.s32 @!p0 $0xFFFFF086;
	s6 =	sadd.s32 @!p0 s3, s7;
	s7 =	simm.s32 @!p0 $0x108  }
0x21: {  	s3 =	sadd.s32 s3, s9;
	s6 =	sadd.s32 @!p0 $0x88, s6;
	s7 =	simm.s32 @p2 $0x1082  }
0x22: {  	[simem:s7], [sflag:s8] =	dma.local @!p0 [hbm:s6], $0xF7A  }
0x23: {  	s9 =	sor.u32 $0xD0000000, s2;
	s6 =	simm.s32 $0x108;
	_ =	swait.ge @!p0 [sflag:s8], $0x0  }
0x24: {  	s3 =	sadd.s32 $0x88, s3;
	s6 =	simm.s32 @!p1 $0x1082;
	[sflag:s4] =	ssyncset.s32 $0xFFFFF086  }
0x25: {  	[simem:s6], [sflag:s4] =	dma.local [hbm:s3], $0xF7A  }
0x26: {  	[smem:$0x3FA0] =	sst s1;
	(tag) =	ssettag s2;
	_ =	strace s9  }
0x27: {  	s1 =	sld [smem:$0x3FB0]  }
0x28: {  	s2 =	sld [smem:$0x3FB1]  }
0x29: {  	s4 =	sld [smem:$0x3FB3]  }
0x2a: {  	p0 =	seq.s32 s5, $0x0;
	s5 =	sld [smem:$0x3FB4]  }
0x2b: {  	s6 =	sld [smem:$0x3FB5]  }
0x2c: {  	s7 =	sld [smem:$0x3FB6]  }
0x2d: {  	s3 =	simm.s32 $0x108;
	s8 =	sld [smem:$0x3FB7]  }
0x2e: {  	s3 =	simm.s32 @!p0 $0x1082;
	s9 =	sld [smem:$0x3FB8]  }
0x2f: {  	lr =	sadd.s32 s0, s3;
	s0 =	sld [smem:$0x3FAF]  }
0x30: {  	s3 =	sld [smem:$0x3FB2]  }
0x31: {  	[smem:$0x3FBB] =	sst s10  }
0x32: {  	s10 =	sld [smem:$0x3FB9];
	_ =	sdelay $0x3  }
0x33: {  	p0 =	seq.s32 s10, $0x1;
	s10 =	sld [smem:$0x3FBB];
	_ =	sdelay $0x3  }
0x34: {  	[smem:$0x3FBB] =	sst s10  }
0x35: {  	s10 =	sld [smem:$0x3FBA];
	_ =	sdelay $0x3  }
0x36: {  	p1 =	seq.s32 s10, $0x1;
	s10 =	sld [smem:$0x3FBB];
	_ =	sdelay $0x3  }
0x37: {  	[smem:$0x3FBB] =	sst s10  }
0x38: {  	s10 =	sld [smem:$0x3FBC]  }
0x39: {  	_ = 	snop;
	(pc) =	sbr.ind lr, $3  }
0x3a: {  	_ = 	snop  }
0x3b: {  	_ = 	snop  }
0x3c: {  	p2 =	seq.s32 s10, $0x1;
	s10 =	sld [smem:$0x3FBB]  }
0x3d: {  	_ =	shalt  }
0x3e: {  	_ =	shalt  }
0x3f: {  	_ =	shalt  }
0x40: {  	_ =	shalt  }
0x41: {  	_ =	shalt  }
0x42: {  	_ =	shalt  }
0x43: {  	_ =	shalt  }
0x44: {  	_ =	shalt  }
0x45: {  	_ =	shalt  }
0x46: {  	_ =	shalt  }
0x47: {  	_ =	shalt  }
0x48: {  	_ =	shalt  }
0x49: {  	_ =	shalt  }
0x4a: {  	_ =	shalt  }
0x4b: {  	_ =	shalt  }
0x4c: {  	_ =	shalt  }
0x4d: {  	_ =	shalt  }
0x4e: {  	_ =	shalt  }
0x4f: {  	_ =	shalt  }
0x50: {  	_ =	shalt  }
0x51: {  	_ =	shalt  }
0x52: {  	_ =	shalt  }
0x53: {  	_ =	shalt  }
0x54: {  	_ =	shalt  }
0x55: {  	_ =	shalt  }
0x56: {  	_ =	shalt  }
0x57: {  	_ =	shalt  }
0x58: {  	_ =	shalt  }
0x59: {  	_ =	shalt  }
0x5a: {  	_ =	shalt  }
0x5b: {  	_ =	shalt  }
0x5c: {  	_ =	shalt  }
0x5d: {  	_ =	shalt  }
0x5e: {  	_ =	shalt  }
0x5f: {  	_ =	shalt  }
0x60: {  	_ =	shalt  }
0x61: {  	_ =	shalt  }
0x62: {  	_ =	shalt  }
0x63: {  	_ =	shalt  }
0x64: {  	_ =	shalt  }
0x65: {  	_ =	shalt  }
0x66: {  	_ =	shalt  }
0x67: {  	_ =	shalt  }
0x68: {  	_ =	shalt  }
0x69: {  	_ =	shalt  }
0x6a: {  	_ =	shalt  }
0x6b: {  	_ =	shalt  }
0x6c: {  	_ =	shalt  }
0x6d: {  	_ =	shalt  }
0x6e: {  	_ =	shalt  }
0x6f: {  	_ =	shalt  }
0x70: {  	_ =	shalt  }
0x71: {  	_ =	shalt  }
0x72: {  	_ =	shalt  }
0x73: {  	_ =	shalt  }
0x74: {  	_ =	shalt  }
0x75: {  	_ =	shalt  }
0x76: {  	_ =	shalt  }
0x77: {  	_ =	shalt  }
0x78: {  	_ =	shalt  }
0x79: {  	_ =	shalt  }
0x7a: {  	_ =	shalt  }
0x7b: {  	_ =	shalt  }
0x7c: {  	_ =	shalt  }
0x7d: {  	_ =	shalt  }
0x7e: {  	_ =	shalt  }
0x7f: {  	_ =	shalt  }
0x80: {  	_ =	shalt  }
0x81: {  	_ =	shalt  }
0x82: {  	_ =	shalt  }
0x83: {  	_ =	shalt  }
0x84: {  	_ =	shalt  }
0x85: {  	_ =	shalt  }
0x86: {  	_ =	shalt  }
0x87: {  	_ =	shalt  }
.Lfunc_end0:
.L_simem_size_0:
called_computation_lowered:
.L_overlay_start_0:
0x88: {  	s0 =	sld [smem:$0x3FD9]  }
0x89: {  	s1 =	sld [smem:$0x3FFE];
	_ =	sdelay $0x3  }
0x8a: {  	s0 =	sadd.s32 s1, s0  }
0x8b: {  	[smem:$0x3FC7] =	sst s0  }
0x8c: {  	_ = 	snop  }
0x8d: {  	s0 =	sld [smem:$0x3FD0];
	(tm) =	ssettm $0x1  }
0x8e: {  	s16 =	sld [smem:$0x3FFB];
	_ =	sdelay $0x3  }
0x8f: {  	_ =	strace s16  }
0x90: {  	s1 =	sld [smem:$0x3FFC];
	_ =	sdelay $0x3  }
0x91: {  	_ =	strace s1  }
0x92: {  	s1 =	sld [smem:$0x3FFD];
	_ =	sdelay $0x3  }
0x93: {  	_ =	strace s1  }
0x94: {  	_ =	strace $0x8FFFFFFF  }
0x95: {  	s17 =	sld [smem:$0x3FDB];
	_ =	sdelay $0x1  }
0x96: {  	s2 =	simm.s32 $_scs_section_size  }
0x97: {  	s3 =	simm.s32 $_size__tile_overlayer_lowered;
	s4 =	simm.s32 $_tile_overlayer_lowered  }
0x98: {  	s20 =	simm.s32 $0x1BFF;
	s19 =	sshll.u32 s4, $0x1;
	s1 =	sadd.s32 s2, s17  }
0x99: {  	s5 =	simm.s32 $0x0;
	s18 =	sshll.u32 s3, $0x1;
	s3 =	sadd.s32 s19, s1  }
0x9a: {  	[timem:s5], [sflag:s20] =	dma.local [hbm:s3], s18  }
0x9b: {  	_ =	swait.ge [sflag:s20], s18  }
0x9c: {  	s2 =	ssub.s32 $0x0, s18;
	[sflag:s20] =	ssyncset.done $0x0  }
0x9d: {  	[sflag:s20] =	ssyncadd.s32 s2;
	_ =	sdelay $0x1  }
0x9e: {  	s21 =	simm.s32 $0x1B8B  }
0x9f: {  	_ =	swait.ge [sflag:s21], $0x1  }
0xa0: {  	[sflag:s21] =	ssyncset.done $0x0  }
0xa1: {  	s23 =	simm.s32 $0x1B8E;
	s22 =	sld [smem:$0x3FFE];
	[sflag:s21] =	ssyncadd.s32 $0xFFFFFFFF  }
0xa2: {  	s24 =	simm.s32 $execute0_lowered;
	[smem:$0x3FD2] =	sst s23  }
0xa3: {  	s3 =	sshll.u32 s24, $0x1;
	_ =	strace $0x80000046;
	[dreg:$0x1] =	wrdreg $0xFFFFFFFF  }
0xa4: {  	s25 =	simm.s32 $_size_execute0_lowered;
	s1 =	sadd.s32 s1, s3;
	[dreg:$0x0] =	wrdreg $0x0  }
0xa5: {  	s3 =	sshll.u32 s25, $0x1;
	[dreg:$0x2] =	wrdreg s1  }
0xa6: {  	[dreg:$0x3] =	wrdreg s3  }
0xa7: {  	[dreg:$0x4] =	wrdreg $0xC0  }
0xa8: {  	_ =	task [dreg:s5], $0x5FFFF  }
0xa9: {  	[dreg:$0x1] =	wrdreg $0xFFFFFFFF  }
0xaa: {  	[dreg:$0x0] =	wrdreg $0x60  }
0xab: {  	[dreg:$0x2] =	wrdreg s0  }
0xac: {  	[dreg:$0x3] =	wrdreg s22  }
0xad: {  	[dreg:$0x4] =	wrdreg $0x1A2100  }
0xae: {  	[dreg:$0x5] =	wrdreg $0x1B2100  }
0xaf: {  	[dreg:$0x6] =	wrdreg $0x9  }
0xb0: {  	_ =	task.clear_ibuf [dreg:s5], $0x7FFFF;
	_ =	strace $0x90000046  }
0xb1: {  	s26 =	simm.s32 $0x9;
	_ =	strace $0x80000048  }
0xb2: {  	_ =	swait.ge [sflag:s26], $0x1  }
0xb3: {  	[sflag:s26] =	ssyncadd.s32 $0xFFFFFFFF  }
0xb4: {  	_ =	strace $0x90000048  }
0xb5: {  	_ =	sfence  }
0xb6: {  	s28 =	sld [smem:$0x0];
	_ =	sdelay $0x1  }
0xb7: {  	s29 =	srdreg.scid  }
0xb8: {  	s30 =	sshll.u32 s29, $0xD;
	s31 =	sshrl.u32 s29, $0x2  }
0xb9: {  	s2 =	sand.u32 $0x4000, s30;
	s1 =	sand.u32 $0x1, s29;
	s0 =	sadd.s32 s31, s28  }
0xba: {  	s1 =	sor.u32 s2, s1;
	s0 =	sshll.u32 s0, $0x11  }
0xbb: {  	s0 =	sor.u32 s0, s1  }
0xbc: {  	s0 =	sadd.s32 $0x8F2B, s0  }
0xbd: {  	[sflag:s0] =	ssyncadd.remote.s32 $0x1  }
0xbe: {  	_ =	sfence.sel $0xFFFF  }
0xbf: {  	[dreg:$0x0] =	wrdreg $0xFFFFFFFF;
	(pc) =	sbr.abs _section_cstart, $3  }
0xc0: {  	[dreg:$0x1] =	wrdreg $0xFFFFFFFF  }
0xc1: {  	_ =	task.clear_ibuf [dreg:s5], $0x2FFFF;
	_ =	strace $0x9FFFFFFF  }
0xc2: {  	(tm) =	ssettm $0x7FFFFFFF  }
0xc3: {  	_ =	shalt  }
tec
execute0_lowered:
.L_overlay_start_1:
0x0: {  	(tag) =	ssettag $0x1  }
0x1: {  	s7 =	rddreg [dreg:$0x0]  }
0x2: {  	s10 =	rddreg [dreg:$0x1]  }
0x3: {  	s2 =	rddreg [dreg:$0x2]  }
0x4: {  	s8 =	rddreg [dreg:$0x3]  }
0x5: {  	s0 =	rddreg [dreg:$0x4];
	s9 =	simm.s32 $0x0;
	s1 =	stileid.u32  }
0x6: {  	[smem:$0x7FF] =	sst s9;
	s3 =	sshll.u32 s1, $0xD  }
0x7: {  	_ =	strace $0x80000047;
	s4 =	sadd.s32 s7, s3;
	s5 =	sor.u32 $0x800, s3  }
0x8: {  	[tilespmem:s9], [sflag:$0x1] =	stream.linear.gather [hbm4b:s4+s9], $0x4000, $0x38;
	[tilespmem:$0x1B310] =	vst v63  }
0x9: {  	s11 =	simm.s32 $0x4000;
	s6 =	sadd.s32 s7, s5;
	s4 =	sor.u32 $0x1000, s3  }
0xa: {  	[tilespmem:s11], [sflag:$0x2] =	stream.linear.gather [hbm4b:s6+s9], $0x4000, $0x38;
	[tilespmem:$0x1B310] =	vst v63  }
0xb: {  	s12 =	simm.s32 $0x8000;
	s30 =	sadd.s32 s7, s4;
	s6 =	sor.u32 $0x1800, s3  }
0xc: {  	[tilespmem:s12], [sflag:$0x3] =	stream.linear.gather [hbm4b:s30+s9], $0x4000, $0x38;
	[tilespmem:$0x1B310] =	vst v63  }
0xd: {  	s31 =	simm.s32 $0xC000;
	s7 =	sadd.s32 s7, s6  }
0xe: {  	[tilespmem:s31], [sflag:$0x4] =	stream.linear.gather [hbm4b:s7+s9], $0x4000, $0x38;
	[tilespmem:$0x1B310] =	vst v63  }
0xf: {  	v0 =	vimm.s32 $0x0;
	s9 =	simm.s32 $0x10020  }
0x10: {  	[tilespmem:s9+$0xFFFFFFE0] =	vst v0  }
0x11: {  	[tilespmem:s9+$0x10] =	vst v0  }
0x12: {  	s7 =	sadd.s32 $0x400, s10;
	s10 =	simm.s32 $0x0;
	[tilespmem:s9+$0x0] =	vst v0  }
.LBB2_1:
0x13: {  	s10 =	sadd.s32 $0x4, s10  }
0x14: {  	[tilespmem:s9+$0xFFFFFFF0] =	vst v0;
	s9 =	sadd.s32 $0x40, s9;
	p0 =	slt.u32 s10, $0xFC  }
.Ltmp0:
0x15: {  	[tilespmem:s9+$0xFFFFFFE0] =	vst v0;
	(pc) =	sbr.rel @p0 .LBB2_1-.Ltmp0, $3  }
0x16: {  	_ =	sdelay $0x1  }
0x17: {  	[tilespmem:s9+$0x10] =	vst v0  }
0x18: {  	[tilespmem:s9+$0x0] =	vst v0  }
0x19: {  	[tilespmem:s9+$0xFFFFFFF0] =	vst v0;
	s31 =	simm.s32 $0x1  }
0x1a: {  	_ =	swait.ge [sflag:s31], $0x4000  }
0x1b: {  	[sflag:s31] =	ssyncset.done $0x0  }
0x1c: {  	s11 =	simm.s32 $0x20;
	[sflag:s31] =	ssyncadd.s32 $0xFFFFC000  }
0x1d: {  	v0 =	vld [tilespmem:s11+$0xFFFFFFF0]  }
0x1e: {  	v2 =	vld [tilespmem:s11+$0x0]  }
0x1f: {  	v3 =	vld [tilespmem:s11+$0xFFFFFFE0]  }
0x20: {  	s9 =	simm.s32 $0x60;
	v8 =	vld [tilespmem:s11+$0x10]  }
0x21: {  	v6 =	vld [tilespmem:s9+$0xFFFFFFF0];
	_ =	sdelay $0x1  }
0x22: {  	v1 =	vshra.s32 v0, $0x1F  }
0x23: {  	v5 =	vshra.s32 v2, $0x1F;
	v1 =	vshrl.u32 v1, $0x1  }
0x24: {  	v7 =	vshra.s32 v3, $0x1F;
	v9 =	vshra.s32 v8, $0x1F;
	v1 =	vxor.u32 v0, v1  }
0x25: {  	v10 =	vshra.s32 v6, $0x1F;
	v5 =	vshrl.u32 v5, $0x1;
	v4 =	vshra.s32 v1, $0x14  }
0x26: {  	v7 =	vshrl.u32 v7, $0x1;
	v2 =	vxor.u32 v2, v5;
	v4 =	vadd.s32 $0x800, v4  }
0x27: {  	v9 =	vshrl.u32 v9, $0x1;
	v5 =	vld [tilespmem:s9+$0x0];
	v11 =	vxor.u32 v3, v7;
	v7 =	vshra.s32 v2, $0x14  }
0x28: {  	v3 =	vld [tilespmem:s9+$0xFFFFFFE0];
	v9 =	vxor.u32 v8, v9;
	v12 =	vshra.s32 v11, $0x14;
	[tilespmem:s11+$0x0] =	vst v2;
	v7 =	vadd.s32 $0x800, v7  }
0x29: {  	s10 =	simm.s32 $0x10000;
	s12 =	simm.s32 $0x4;
	s13 =	simm.s32 $0xA0;
	v0 =	vimm.s32 $0x1;
	v2 =	vld [tilespmem:s9+$0x10];
	[tilespmem:s11+$0xFFFFFFE0] =	vst v11;
	v11 =	vshra.s32 v9, $0x14;
	v8 =	vadd.s32 $0x800, v12  }
.LBB2_3:
0x2a: {  	v12 =	vld [tilespmem:s13+$0xFFFFFFF0];
	s12 =	sadd.s32 $0x4, s12;
	v10 =	vshrl.u32 v10, $0x1;
	[tilespmem:s11+$0xFFFFFFF0] =	vst v1;
	v11 =	vadd.s32 $0x800, v11  }
0x2b: {  	p0 =	slt.u32 s12, $0x3FC;
	v1 =	vxor.u32 v6, v10;
	[tilespmem:v4+s10+$0x0] =	vst.idx.add.s32.msk $0xffff, v0  }
0x2c: {  	v6 =	vshra.s32 v5, $0x1F;
	v13 =	vld [tilespmem:s13+$0x0];
	v4 =	vshra.s32 v1, $0x14;
	[tilespmem:s11+$0x10] =	vst v9;
	s11 =	smov.u32 s9;
	s9 =	smov.u32 s13  }
.Ltmp1:
0x2d: {  	v14 =	vshrl.u32 v6, $0x1;
	v9 =	vshra.s32 v3, $0x1F;
	v4 =	vadd.s32 $0x800, v4;
	[tilespmem:v7+s10+$0x0] =	vst.idx.add.s32.msk $0xffff, v0;
	(pc) =	sbr.rel @p0 .LBB2_3-.Ltmp1, $4  }
0x2e: {  	v5 =	vxor.u32 v5, v14;
	v7 =	vshrl.u32 v9, $0x1;
	v10 =	vshra.s32 v2, $0x1F;
	[tilespmem:v8+s10+$0x0] =	vst.idx.add.s32.msk $0xffff, v0  }
0x2f: {  	v8 =	vxor.u32 v3, v7;
	v7 =	vshra.s32 v5, $0x14;
	v9 =	vshrl.u32 v10, $0x1;
	[tilespmem:v11+s10+$0x0] =	vst.idx.add.s32.msk $0xffff, v0;
	v6 =	vmovc v12  }
0x30: {  	v3 =	vld [tilespmem:s13+$0xFFFFFFE0];
	v11 =	vshra.s32 v8, $0x14;
	[tilespmem:s11+$0x0] =	vst v5;
	v7 =	vadd.s32 $0x800, v7;
	v9 =	vxor.u32 v2, v9  }
0x31: {  	v10 =	vshra.s32 v6, $0x1F;
	s13 =	sadd.s32 $0x40, s13;
	v2 =	vld [tilespmem:s9+$0x10];
	[tilespmem:s11+$0xFFFFFFE0] =	vst v8;
	v8 =	vadd.s32 $0x800, v11;
	v11 =	vshra.s32 v9, $0x14;
	v5 =	vmovc v13  }
0x32: {  	_ =	sdelay $0x1  }
0x33: {  	v10 =	vshrl.u32 v10, $0x1;
	[tilespmem:s11+$0xFFFFFFF0] =	vst v1  }
0x34: {  	v1 =	vadd.s32 $0x800, v11;
	[tilespmem:s11+$0x10] =	vst v9;
	v6 =	vxor.u32 v6, v10  }
0x35: {  	[tilespmem:v4+s10+$0x0] =	vst.idx.add.s32.msk $0xffff, v0;
	v10 =	vshra.s32 v5, $0x1F;
	v4 =	vshra.s32 v6, $0x14  }
0x36: {  	[tilespmem:v7+s10+$0x0] =	vst.idx.add.s32.msk $0xffff, v0;
	v10 =	vshrl.u32 v10, $0x1;
	v9 =	vshra.s32 v3, $0x1F;
	v4 =	vadd.s32 $0x800, v4  }
0x37: {  	[tilespmem:v8+s10+$0x0] =	vst.idx.add.s32.msk $0xffff, v0;
	v5 =	vxor.u32 v5, v10;
	v7 =	vshrl.u32 v9, $0x1;
	v9 =	vshra.s32 v2, $0x1F  }
0x38: {  	[tilespmem:s9+$0x0] =	vst v5;
	v3 =	vxor.u32 v3, v7;
	v7 =	vshra.s32 v5, $0x14;
	v8 =	vshrl.u32 v9, $0x1  }
0x39: {  	[tilespmem:v1+s10+$0x0] =	vst.idx.add.s32.msk $0xffff, v0;
	v1 =	vshra.s32 v3, $0x14;
	v5 =	vadd.s32 $0x800, v7;
	v2 =	vxor.u32 v2, v8  }
0x3a: {  	[tilespmem:s9+$0xFFFFFFE0] =	vst v3;
	v1 =	vadd.s32 $0x800, v1;
	v3 =	vshra.s32 v2, $0x14  }
0x3b: {  	[tilespmem:s9+$0xFFFFFFF0] =	vst v6;
	v3 =	vadd.s32 $0x800, v3  }
0x3c: {  	[tilespmem:s9+$0x10] =	vst v2  }
0x3d: {  	[tilespmem:v4+s10+$0x0] =	vst.idx.add.s32.msk $0xffff, v0  }
0x3e: {  	[tilespmem:v5+s10+$0x0] =	vst.idx.add.s32.msk $0xffff, v0  }
0x3f: {  	[tilespmem:v1+s10+$0x0] =	vst.idx.add.s32.msk $0xffff, v0  }
0x40: {  	s31 =	simm.s32 $0x2;
	[tilespmem:v3+s10+$0x0] =	vst.idx.add.s32.msk $0xffff, v0  }
0x41: {  	_ =	swait.ge [sflag:s31], $0x4000  }
0x42: {  	[sflag:s31] =	ssyncset.done $0x0  }
0x43: {  	s11 =	simm.s32 $0x4030;
	[sflag:s31] =	ssyncadd.s32 $0xFFFFC000  }
0x44: {  	v0 =	vld [tilespmem:s11+$0xFFFFFFE0]  }
0x45: {  	v1 =	vld [tilespmem:s11+$0xFFFFFFF0]  }
0x46: {  	s9 =	simm.s32 $0x4070;
	v2 =	vld [tilespmem:s11+$0xFFFFFFD0]  }
0x47: {  	v6 =	vld [tilespmem:s9+$0xFFFFFFE0];
	_ =	sdelay $0x1  }
0x48: {  	v8 =	vld [tilespmem:s11+$0x0]  }
0x49: {  	v3 =	vshra.s32 v0, $0x1F  }
0x4a: {  	v4 =	vshra.s32 v1, $0x1F;
	v3 =	vshrl.u32 v3, $0x1  }
0x4b: {  	v5 =	vshra.s32 v2, $0x1F;
	v10 =	vshra.s32 v6, $0x1F;
	v11 =	vxor.u32 v0, v3  }
0x4c: {  	v4 =	vshrl.u32 v4, $0x1;
	v7 =	vshrl.u32 v5, $0x1;
	v3 =	vshra.s32 v11, $0x14  }
0x4d: {  	v4 =	vxor.u32 v1, v4;
	v1 =	vshra.s32 v8, $0x1F;
	v3 =	vadd.s32 $0x800, v3  }
0x4e: {  	v5 =	vld [tilespmem:s9+$0xFFFFFFF0];
	v7 =	vxor.u32 v2, v7;
	v9 =	vshra.s32 v4, $0x14;
	v1 =	vshrl.u32 v1, $0x1  }
0x4f: {  	v2 =	vld [tilespmem:s9+$0xFFFFFFD0];
	[tilespmem:s11+$0xFFFFFFD0] =	vst v7;
	v12 =	vshra.s32 v7, $0x14;
	v7 =	vadd.s32 $0x800, v9;
	v9 =	vxor.u32 v8, v1  }
0x50: {  	s12 =	simm.s32 $0x404;
	s13 =	simm.s32 $0x40B0;
	s10 =	simm.s32 $0x10000;
	v0 =	vimm.s32 $0x1;
	[tilespmem:s11+$0xFFFFFFE0] =	vst v11;
	v1 =	vld [tilespmem:s9+$0x0];
	v8 =	vadd.s32 $0x800, v12;
	v11 =	vshra.s32 v9, $0x14  }
.LBB2_5:
0x51: {  	v12 =	vld [tilespmem:s13+$0xFFFFFFE0];
	s12 =	sadd.s32 $0x4, s12;
	v10 =	vshrl.u32 v10, $0x1;
	[tilespmem:s11+$0x0] =	vst v9;
	v9 =	vadd.s32 $0x800, v11  }
0x52: {  	p0 =	slt.u32 s12, $0x7FC;
	v11 =	vxor.u32 v6, v10;
	[tilespmem:v3+s10+$0x0] =	vst.idx.add.s32.msk $0xffff, v0  }
0x53: {  	v6 =	vshra.s32 v5, $0x1F;
	v13 =	vld [tilespmem:s13+$0xFFFFFFF0];
	v3 =	vshra.s32 v11, $0x14;
	[tilespmem:s11+$0xFFFFFFF0] =	vst v4;
	s11 =	smov.u32 s9;
	s9 =	smov.u32 s13  }
.Ltmp2:
0x54: {  	v10 =	vshrl.u32 v6, $0x1;
	v4 =	vshra.s32 v2, $0x1F;
	v3 =	vadd.s32 $0x800, v3;
	[tilespmem:v7+s10+$0x0] =	vst.idx.add.s32.msk $0xffff, v0;
	(pc) =	sbr.rel @p0 .LBB2_5-.Ltmp2, $4  }
0x55: {  	v7 =	vshrl.u32 v4, $0x1;
	v4 =	vxor.u32 v5, v10;
	v5 =	vshra.s32 v1, $0x1F;
	[tilespmem:v8+s10+$0x0] =	vst.idx.add.s32.msk $0xffff, v0  }
0x56: {  	v7 =	vxor.u32 v2, v7;
	v8 =	vshra.s32 v4, $0x14;
	v14 =	vshrl.u32 v5, $0x1;
	[tilespmem:v9+s10+$0x0] =	vst.idx.add.s32.msk $0xffff, v0;
	v6 =	vmovc v12  }
0x57: {  	v2 =	vld [tilespmem:s13+$0xFFFFFFD0];
	[tilespmem:s11+$0xFFFFFFD0] =	vst v7;
	v12 =	vshra.s32 v7, $0x14;
	v7 =	vadd.s32 $0x800, v8;
	v9 =	vxor.u32 v1, v14  }
0x58: {  	v10 =	vshra.s32 v6, $0x1F;
	s13 =	sadd.s32 $0x40, s13;
	v1 =	vld [tilespmem:s9+$0x0];
	v8 =	vadd.s32 $0x800, v12;
	[tilespmem:s11+$0xFFFFFFE0] =	vst v11;
	v11 =	vshra.s32 v9, $0x14;
	v5 =	vmovc v13  }
0x59: {  	_ =	sdelay $0x2  }
0x5a: {  	v10 =	vshrl.u32 v10, $0x1;
	[tilespmem:s11+$0x0] =	vst v9  }
0x5b: {  	[tilespmem:v3+s10+$0x0] =	vst.idx.add.s32.msk $0xffff, v0;
	v6 =	vxor.u32 v6, v10  }
0x5c: {  	v9 =	vadd.s32 $0x800, v11;
	[tilespmem:s11+$0xFFFFFFF0] =	vst v4;
	v10 =	vshra.s32 v5, $0x1F;
	v3 =	vshra.s32 v6, $0x14  }
0x5d: {  	[tilespmem:v8+s10+$0x0] =	vst.idx.add.s32.msk $0xffff, v0;
	v10 =	vshrl.u32 v10, $0x1;
	v4 =	vshra.s32 v2, $0x1F;
	v3 =	vadd.s32 $0x800, v3  }
0x5e: {  	[tilespmem:v7+s10+$0x0] =	vst.idx.add.s32.msk $0xffff, v0;
	v5 =	vxor.u32 v5, v10;
	v4 =	vshrl.u32 v4, $0x1;
	v7 =	vshra.s32 v1, $0x1F  }
0x5f: {  	[tilespmem:s9+$0xFFFFFFE0] =	vst v6;
	v2 =	vxor.u32 v2, v4;
	v4 =	vshra.s32 v5, $0x14;
	v7 =	vshrl.u32 v7, $0x1  }
0x60: {  	[tilespmem:s9+$0xFFFFFFD0] =	vst v2;
	v2 =	vshra.s32 v2, $0x14;
	v4 =	vadd.s32 $0x800, v4;
	v1 =	vxor.u32 v1, v7  }
0x61: {  	[tilespmem:s9+$0xFFFFFFF0] =	vst v5;
	v2 =	vadd.s32 $0x800, v2;
	v6 =	vshra.s32 v1, $0x14  }
0x62: {  	[tilespmem:s9+$0x0] =	vst v1;
	v1 =	vadd.s32 $0x800, v6  }
0x63: {  	[tilespmem:v9+s10+$0x0] =	vst.idx.add.s32.msk $0xffff, v0  }
0x64: {  	[tilespmem:v3+s10+$0x0] =	vst.idx.add.s32.msk $0xffff, v0  }
0x65: {  	[tilespmem:v4+s10+$0x0] =	vst.idx.add.s32.msk $0xffff, v0  }
0x66: {  	[tilespmem:v2+s10+$0x0] =	vst.idx.add.s32.msk $0xffff, v0  }
0x67: {  	s31 =	simm.s32 $0x3;
	[tilespmem:v1+s10+$0x0] =	vst.idx.add.s32.msk $0xffff, v0  }
0x68: {  	_ =	swait.ge [sflag:s31], $0x4000  }
0x69: {  	[sflag:s31] =	ssyncset.done $0x0  }
0x6a: {  	s11 =	simm.s32 $0x8030;
	[sflag:s31] =	ssyncadd.s32 $0xFFFFC000  }
0x6b: {  	v0 =	vld [tilespmem:s11+$0xFFFFFFE0]  }
0x6c: {  	v1 =	vld [tilespmem:s11+$0xFFFFFFF0]  }
0x6d: {  	s9 =	simm.s32 $0x8070;
	v2 =	vld [tilespmem:s11+$0xFFFFFFD0]  }
0x6e: {  	v6 =	vld [tilespmem:s9+$0xFFFFFFE0];
	_ =	sdelay $0x1  }
0x6f: {  	v8 =	vld [tilespmem:s11+$0x0]  }
0x70: {  	v3 =	vshra.s32 v0, $0x1F  }
0x71: {  	v4 =	vshra.s32 v1, $0x1F;
	v3 =	vshrl.u32 v3, $0x1  }
0x72: {  	v5 =	vshra.s32 v2, $0x1F;
	v10 =	vshra.s32 v6, $0x1F;
	v11 =	vxor.u32 v0, v3  }
0x73: {  	v4 =	vshrl.u32 v4, $0x1;
	v7 =	vshrl.u32 v5, $0x1;
	v3 =	vshra.s32 v11, $0x14  }
0x74: {  	v4 =	vxor.u32 v1, v4;
	v1 =	vshra.s32 v8, $0x1F;
	v3 =	vadd.s32 $0x800, v3  }
0x75: {  	v5 =	vld [tilespmem:s9+$0xFFFFFFF0];
	v7 =	vxor.u32 v2, v7;
	v9 =	vshra.s32 v4, $0x14;
	v1 =	vshrl.u32 v1, $0x1  }
0x76: {  	v2 =	vld [tilespmem:s9+$0xFFFFFFD0];
	[tilespmem:s11+$0xFFFFFFD0] =	vst v7;
	v12 =	vshra.s32 v7, $0x14;
	v7 =	vadd.s32 $0x800, v9;
	v9 =	vxor.u32 v8, v1  }
0x77: {  	s12 =	simm.s32 $0x804;
	s13 =	simm.s32 $0x80B0;
	s10 =	simm.s32 $0x10000;
	v0 =	vimm.s32 $0x1;
	[tilespmem:s11+$0xFFFFFFE0] =	vst v11;
	v1 =	vld [tilespmem:s9+$0x0];
	v8 =	vadd.s32 $0x800, v12;
	v11 =	vshra.s32 v9, $0x14  }
.LBB2_7:
0x78: {  	v12 =	vld [tilespmem:s13+$0xFFFFFFE0];
	s12 =	sadd.s32 $0x4, s12;
	v10 =	vshrl.u32 v10, $0x1;
	[tilespmem:s11+$0x0] =	vst v9;
	v9 =	vadd.s32 $0x800, v11  }
0x79: {  	p0 =	slt.u32 s12, $0xBFC;
	v11 =	vxor.u32 v6, v10;
	[tilespmem:v3+s10+$0x0] =	vst.idx.add.s32.msk $0xffff, v0  }
0x7a: {  	v6 =	vshra.s32 v5, $0x1F;
	v13 =	vld [tilespmem:s13+$0xFFFFFFF0];
	v3 =	vshra.s32 v11, $0x14;
	[tilespmem:s11+$0xFFFFFFF0] =	vst v4;
	s11 =	smov.u32 s9;
	s9 =	smov.u32 s13  }
.Ltmp3:
0x7b: {  	v10 =	vshrl.u32 v6, $0x1;
	v4 =	vshra.s32 v2, $0x1F;
	v3 =	vadd.s32 $0x800, v3;
	[tilespmem:v7+s10+$0x0] =	vst.idx.add.s32.msk $0xffff, v0;
	(pc) =	sbr.rel @p0 .LBB2_7-.Ltmp3, $4  }
0x7c: {  	v7 =	vshrl.u32 v4, $0x1;
	v4 =	vxor.u32 v5, v10;
	v5 =	vshra.s32 v1, $0x1F;
	[tilespmem:v8+s10+$0x0] =	vst.idx.add.s32.msk $0xffff, v0  }
0x7d: {  	v7 =	vxor.u32 v2, v7;
	v8 =	vshra.s32 v4, $0x14;
	v14 =	vshrl.u32 v5, $0x1;
	[tilespmem:v9+s10+$0x0] =	vst.idx.add.s32.msk $0xffff, v0;
	v6 =	vmovc v12  }
0x7e: {  	v2 =	vld [tilespmem:s13+$0xFFFFFFD0];
	[tilespmem:s11+$0xFFFFFFD0] =	vst v7;
	v12 =	vshra.s32 v7, $0x14;
	v7 =	vadd.s32 $0x800, v8;
	v9 =	vxor.u32 v1, v14  }
0x7f: {  	v10 =	vshra.s32 v6, $0x1F;
	s13 =	sadd.s32 $0x40, s13;
	v1 =	vld [tilespmem:s9+$0x0];
	v8 =	vadd.s32 $0x800, v12;
	[tilespmem:s11+$0xFFFFFFE0] =	vst v11;
	v11 =	vshra.s32 v9, $0x14;
	v5 =	vmovc v13  }
0x80: {  	_ =	sdelay $0x2  }
0x81: {  	v10 =	vshrl.u32 v10, $0x1;
	[tilespmem:s11+$0x0] =	vst v9  }
0x82: {  	[tilespmem:v3+s10+$0x0] =	vst.idx.add.s32.msk $0xffff, v0;
	v6 =	vxor.u32 v6, v10  }
0x83: {  	v9 =	vadd.s32 $0x800, v11;
	[tilespmem:s11+$0xFFFFFFF0] =	vst v4;
	v10 =	vshra.s32 v5, $0x1F;
	v3 =	vshra.s32 v6, $0x14  }
0x84: {  	[tilespmem:v8+s10+$0x0] =	vst.idx.add.s32.msk $0xffff, v0;
	v10 =	vshrl.u32 v10, $0x1;
	v4 =	vshra.s32 v2, $0x1F;
	v3 =	vadd.s32 $0x800, v3  }
0x85: {  	[tilespmem:v7+s10+$0x0] =	vst.idx.add.s32.msk $0xffff, v0;
	v5 =	vxor.u32 v5, v10;
	v4 =	vshrl.u32 v4, $0x1;
	v7 =	vshra.s32 v1, $0x1F  }
0x86: {  	[tilespmem:s9+$0xFFFFFFE0] =	vst v6;
	v2 =	vxor.u32 v2, v4;
	v4 =	vshra.s32 v5, $0x14;
	v7 =	vshrl.u32 v7, $0x1  }
0x87: {  	[tilespmem:s9+$0xFFFFFFD0] =	vst v2;
	v2 =	vshra.s32 v2, $0x14;
	v4 =	vadd.s32 $0x800, v4;
	v1 =	vxor.u32 v1, v7  }
0x88: {  	[tilespmem:s9+$0xFFFFFFF0] =	vst v5;
	v2 =	vadd.s32 $0x800, v2;
	v6 =	vshra.s32 v1, $0x14  }
0x89: {  	[tilespmem:s9+$0x0] =	vst v1;
	v1 =	vadd.s32 $0x800, v6  }
0x8a: {  	[tilespmem:v9+s10+$0x0] =	vst.idx.add.s32.msk $0xffff, v0  }
0x8b: {  	[tilespmem:v3+s10+$0x0] =	vst.idx.add.s32.msk $0xffff, v0  }
0x8c: {  	[tilespmem:v4+s10+$0x0] =	vst.idx.add.s32.msk $0xffff, v0  }
0x8d: {  	[tilespmem:v2+s10+$0x0] =	vst.idx.add.s32.msk $0xffff, v0  }
0x8e: {  	s31 =	simm.s32 $0x4;
	[tilespmem:v1+s10+$0x0] =	vst.idx.add.s32.msk $0xffff, v0  }
0x8f: {  	_ =	swait.ge [sflag:s31], $0x4000  }
0x90: {  	[sflag:s31] =	ssyncset.done $0x0  }
0x91: {  	s11 =	simm.s32 $0xC030;
	[sflag:s31] =	ssyncadd.s32 $0xFFFFC000  }
0x92: {  	v0 =	vld [tilespmem:s11+$0xFFFFFFE0]  }
0x93: {  	v1 =	vld [tilespmem:s11+$0xFFFFFFF0]  }
0x94: {  	s9 =	simm.s32 $0xC070;
	v2 =	vld [tilespmem:s11+$0xFFFFFFD0]  }
0x95: {  	v6 =	vld [tilespmem:s9+$0xFFFFFFE0];
	_ =	sdelay $0x1  }
0x96: {  	v8 =	vld [tilespmem:s11+$0x0]  }
0x97: {  	v3 =	vshra.s32 v0, $0x1F  }
0x98: {  	v4 =	vshra.s32 v1, $0x1F;
	v3 =	vshrl.u32 v3, $0x1  }
0x99: {  	v5 =	vshra.s32 v2, $0x1F;
	v10 =	vshra.s32 v6, $0x1F;
	v11 =	vxor.u32 v0, v3  }
0x9a: {  	v4 =	vshrl.u32 v4, $0x1;
	v7 =	vshrl.u32 v5, $0x1;
	v3 =	vshra.s32 v11, $0x14  }
0x9b: {  	v4 =	vxor.u32 v1, v4;
	v1 =	vshra.s32 v8, $0x1F;
	v3 =	vadd.s32 $0x800, v3  }
0x9c: {  	v5 =	vld [tilespmem:s9+$0xFFFFFFF0];
	v7 =	vxor.u32 v2, v7;
	v9 =	vshra.s32 v4, $0x14;
	v1 =	vshrl.u32 v1, $0x1  }
0x9d: {  	v2 =	vld [tilespmem:s9+$0xFFFFFFD0];
	[tilespmem:s11+$0xFFFFFFD0] =	vst v7;
	v12 =	vshra.s32 v7, $0x14;
	v7 =	vadd.s32 $0x800, v9;
	v9 =	vxor.u32 v8, v1  }
0x9e: {  	s12 =	simm.s32 $0xC04;
	s13 =	simm.s32 $0xC0B0;
	s10 =	simm.s32 $0x10000;
	v0 =	vimm.s32 $0x1;
	[tilespmem:s11+$0xFFFFFFE0] =	vst v11;
	v1 =	vld [tilespmem:s9+$0x0];
	v8 =	vadd.s32 $0x800, v12;
	v11 =	vshra.s32 v9, $0x14  }
.LBB2_9:
0x9f: {  	v12 =	vld [tilespmem:s13+$0xFFFFFFE0];
	s12 =	sadd.s32 $0x4, s12;
	v10 =	vshrl.u32 v10, $0x1;
	[tilespmem:s11+$0x0] =	vst v9;
	v9 =	vadd.s32 $0x800, v11  }
0xa0: {  	p0 =	slt.u32 s12, $0xFFC;
	v11 =	vxor.u32 v6, v10;
	[tilespmem:v3+s10+$0x0] =	vst.idx.add.s32.msk $0xffff, v0  }
0xa1: {  	v6 =	vshra.s32 v5, $0x1F;
	v13 =	vld [tilespmem:s13+$0xFFFFFFF0];
	v3 =	vshra.s32 v11, $0x14;
	[tilespmem:s11+$0xFFFFFFF0] =	vst v4;
	s11 =	smov.u32 s9;
	s9 =	smov.u32 s13  }
.Ltmp4:
0xa2: {  	v10 =	vshrl.u32 v6, $0x1;
	v4 =	vshra.s32 v2, $0x1F;
	v3 =	vadd.s32 $0x800, v3;
	[tilespmem:v7+s10+$0x0] =	vst.idx.add.s32.msk $0xffff, v0;
	(pc) =	sbr.rel @p0 .LBB2_9-.Ltmp4, $4  }
0xa3: {  	v7 =	vshrl.u32 v4, $0x1;
	v4 =	vxor.u32 v5, v10;
	v5 =	vshra.s32 v1, $0x1F;
	[tilespmem:v8+s10+$0x0] =	vst.idx.add.s32.msk $0xffff, v0  }
0xa4: {  	v7 =	vxor.u32 v2, v7;
	v8 =	vshra.s32 v4, $0x14;
	v14 =	vshrl.u32 v5, $0x1;
	[tilespmem:v9+s10+$0x0] =	vst.idx.add.s32.msk $0xffff, v0;
	v6 =	vmovc v12  }
0xa5: {  	v2 =	vld [tilespmem:s13+$0xFFFFFFD0];
	[tilespmem:s11+$0xFFFFFFD0] =	vst v7;
	v12 =	vshra.s32 v7, $0x14;
	v7 =	vadd.s32 $0x800, v8;
	v9 =	vxor.u32 v1, v14  }
0xa6: {  	v10 =	vshra.s32 v6, $0x1F;
	s13 =	sadd.s32 $0x40, s13;
	v1 =	vld [tilespmem:s9+$0x0];
	v8 =	vadd.s32 $0x800, v12;
	[tilespmem:s11+$0xFFFFFFE0] =	vst v11;
	v11 =	vshra.s32 v9, $0x14;
	v5 =	vmovc v13  }
0xa7: {  	_ =	sdelay $0x2  }
0xa8: {  	[tilespmem:s11+$0x0] =	vst v9  }
0xa9: {  	v10 =	vshrl.u32 v10, $0x1;
	[tilespmem:v3+s10+$0x0] =	vst.idx.add.s32.msk $0xffff, v0;
	v63 =	vshra.s32 v5, $0x1F  }
0xaa: {  	v62 =	vadd.s32 $0x800, v11;
	[tilespmem:s11+$0xFFFFFFF0] =	vst v4;
	v6 =	vxor.u32 v6, v10;
	v10 =	vshrl.u32 v63, $0x1  }
0xab: {  	[tilespmem:v8+s10+$0x0] =	vst.idx.add.s32.msk $0xffff, v0;
	v3 =	vshra.s32 v6, $0x14;
	v5 =	vxor.u32 v5, v10;
	v4 =	vshra.s32 v2, $0x1F  }
0xac: {  	[tilespmem:v7+s10+$0x0] =	vst.idx.add.s32.msk $0xffff, v0;
	v3 =	vadd.s32 $0x800, v3;
	v4 =	vshrl.u32 v4, $0x1;
	v7 =	vshra.s32 v1, $0x1F  }
0xad: {  	[tilespmem:s9+$0xFFFFFFE0] =	vst v6;
	v2 =	vxor.u32 v2, v4;
	v4 =	vshra.s32 v5, $0x14;
	v7 =	vshrl.u32 v7, $0x1  }
0xae: {  	[tilespmem:s9+$0xFFFFFFD0] =	vst v2;
	v2 =	vshra.s32 v2, $0x14;
	v4 =	vadd.s32 $0x800, v4;
	v1 =	vxor.u32 v1, v7  }
0xaf: {  	[tilespmem:s9+$0xFFFFFFF0] =	vst v5;
	v2 =	vadd.s32 $0x800, v2;
	v6 =	vshra.s32 v1, $0x14  }
0xb0: {  	[tilespmem:s9+$0x0] =	vst v1;
	v1 =	vadd.s32 $0x800, v6  }
0xb1: {  	[tilespmem:v62+s10+$0x0] =	vst.idx.add.s32.msk $0xffff, v0  }
0xb2: {  	[tilespmem:v3+s10+$0x0] =	vst.idx.add.s32.msk $0xffff, v0  }
0xb3: {  	[tilespmem:v4+s10+$0x0] =	vst.idx.add.s32.msk $0xffff, v0  }
0xb4: {  	s30 =	sshll.u32 s1, $0xC;
	[tilespmem:v2+s10+$0x0] =	vst.idx.add.s32.msk $0xffff, v0  }
0xb5: {  	s31 =	simm.s32 $0x10000;
	s12 =	simm.s32 $0x5;
	s9 =	sadd.s32 s30, s2;
	[tilespmem:v1+s10+$0x0] =	vst.idx.add.s32.msk $0xffff, v0  }
0xb6: {  	[spmem:s9] =	stream.linear.scatter [tilespmem:s31], [sflag:$0x5], $0x1000, $0x38;
	[tilespmem:$0x1B310] =	vst v63  }
0xb7: {  	_ =	swait.ge [sflag:s12], $0x1000  }
0xb8: {  	[sflag:s12] =	ssyncset.done $0x0  }
0xb9: {  	s11 =	sshll.u32 s1, $0x8;
	[sflag:s12] =	ssyncadd.s32 $0xFFFFF000  }
0xba: {  	s13 =	simm.s32 $0x12000;
	s10 =	sadd.s32 s11, s2;
	[bflag:$0x0] =	sbarrier.arrive $0xFFFF  }
0xbb: {  	[tilespmem:s13], [sflag:$0x5] =	stream.linear.gather [spmem:s10], $0x100, $0x38;
	[tilespmem:$0x1B310] =	vst v63  }
0xbc: {  	_ =	swait.ge [sflag:s12], $0x100  }
0xbd: {  	[sflag:s12] =	ssyncset.done $0x0  }
0xbe: {  	[sflag:s12] =	ssyncadd.s32 $0xFFFFFF00  }
0xbf: {  	v0 =	vld [tilespmem:$0x12000]  }
0xc0: {  	v1 =	vld [tilespmem:$0x12010]  }
0xc1: {  	v2 =	vld [tilespmem:$0x12020]  }
0xc2: {  	v3 =	vld [tilespmem:$0x12030]  }
0xc3: {  	v4 =	vld [tilespmem:$0x12040]  }
0xc4: {  	[tilespmem:$0x11000] =	vst v0;
	v0 =	vld [tilespmem:$0x12050]  }
0xc5: {  	[tilespmem:$0x11010] =	vst v1;
	v1 =	vld [tilespmem:$0x12060]  }
0xc6: {  	[tilespmem:$0x11020] =	vst v2;
	v2 =	vld [tilespmem:$0x12070]  }
0xc7: {  	[tilespmem:$0x11030] =	vst v3;
	v3 =	vld [tilespmem:$0x12080]  }
0xc8: {  	[tilespmem:$0x11040] =	vst v4;
	v4 =	vld [tilespmem:$0x12090]  }
0xc9: {  	[tilespmem:$0x11050] =	vst v0;
	v0 =	vld [tilespmem:$0x120A0]  }
0xca: {  	[tilespmem:$0x11060] =	vst v1;
	v1 =	vld [tilespmem:$0x120B0]  }
0xcb: {  	[tilespmem:$0x11070] =	vst v2;
	v2 =	vld [tilespmem:$0x120C0]  }
0xcc: {  	[tilespmem:$0x11080] =	vst v3;
	v3 =	vld [tilespmem:$0x120D0]  }
0xcd: {  	[tilespmem:$0x11090] =	vst v4;
	v4 =	vld [tilespmem:$0x120E0]  }
0xce: {  	[tilespmem:$0x110A0] =	vst v0;
	v0 =	vld [tilespmem:$0x120F0]  }
0xcf: {  	[tilespmem:$0x110B0] =	vst v1  }
0xd0: {  	[tilespmem:$0x110C0] =	vst v2  }
0xd1: {  	[tilespmem:$0x110D0] =	vst v3  }
0xd2: {  	[tilespmem:$0x110E0] =	vst v4  }
0xd3: {  	s14 =	sadd.s32 $0x1000, s10;
	[tilespmem:$0x110F0] =	vst v0  }
0xd4: {  	[tilespmem:s13], [sflag:$0x5] =	stream.linear.gather [spmem:s14], $0x100, $0x38;
	[tilespmem:$0x1B310] =	vst v63  }
0xd5: {  	_ =	swait.ge [sflag:s12], $0x100  }
0xd6: {  	[sflag:s12] =	ssyncset.done $0x0  }
0xd7: {  	[sflag:s12] =	ssyncadd.s32 $0xFFFFFF00  }
0xd8: {  	v1 =	vld [tilespmem:$0x110F0]  }
0xd9: {  	v2 =	vld [tilespmem:$0x110B0]  }
0xda: {  	v3 =	vld [tilespmem:$0x110E0]  }
0xdb: {  	v0 =	vld [tilespmem:$0x11010]  }
0xdc: {  	s14 =	simm.s32 $0x8000;
	v4 =	vld [tilespmem:$0x110A0]  }
.LBB2_11:
0xdd: {  	p0 =	sne.s32 s14, $0x3C000;
	v5 =	vld [tilespmem:$0x11090];
	s15 =	smov.u32 s14;
	s14 =	sadd.s32 $0x4000, s14  }
0xde: {  	v6 =	vld [tilespmem:$0x11080]  }
0xdf: {  	v7 =	vld [tilespmem:$0x11070]  }
0xe0: {  	v8 =	vld [tilespmem:$0x11060]  }
0xe1: {  	v9 =	vld [tilespmem:$0x11050]  }
0xe2: {  	v10 =	vld [tilespmem:$0x120A0]  }
0xe3: {  	v11 =	vld [tilespmem:$0x11020]  }
0xe4: {  	v12 =	vld [tilespmem:$0x12090]  }
0xe5: {  	v13 =	vld [tilespmem:$0x12080]  }
0xe6: {  	v14 =	vld [tilespmem:$0x12070]  }
0xe7: {  	v15 =	vld [tilespmem:$0x12000];
	v4 =	vadd.s32 v10, v4  }
0xe8: {  	v10 =	vld [tilespmem:$0x11030];
	[tilespmem:$0x110A0] =	vst v4  }
0xe9: {  	v4 =	vadd.s32 v12, v5;
	v5 =	vld [tilespmem:$0x110C0]  }
0xea: {  	v6 =	vadd.s32 v13, v6;
	[tilespmem:$0x11090] =	vst v4;
	v4 =	vld [tilespmem:$0x110D0]  }
0xeb: {  	v12 =	vld [tilespmem:$0x12060];
	v7 =	vadd.s32 v14, v7;
	[tilespmem:$0x11080] =	vst v6  }
0xec: {  	v6 =	vld [tilespmem:$0x11040];
	[tilespmem:$0x11070] =	vst v7  }
0xed: {  	v7 =	vld [tilespmem:$0x12050]  }
0xee: {  	v13 =	vld [tilespmem:$0x12040]  }
0xef: {  	v14 =	vld [tilespmem:$0x120E0]  }
0xf0: {  	v8 =	vadd.s32 v12, v8;
	v12 =	vld [tilespmem:$0x120B0]  }
0xf1: {  	[tilespmem:$0x11060] =	vst v8;
	v8 =	vld [tilespmem:$0x120F0]  }
0xf2: {  	v16 =	vld [tilespmem:$0x12030];
	v7 =	vadd.s32 v7, v9  }
0xf3: {  	v9 =	vld [tilespmem:$0x12010];
	v6 =	vadd.s32 v13, v6;
	[tilespmem:$0x11050] =	vst v7  }
0xf4: {  	[tilespmem:$0x11040] =	vst v6;
	v6 =	vld [tilespmem:$0x120D0];
	v3 =	vadd.s32 v14, v3  }
0xf5: {  	v7 =	vld [tilespmem:$0x12020];
	v2 =	vadd.s32 v12, v2;
	[tilespmem:$0x110E0] =	vst v3  }
0xf6: {  	[tilespmem:$0x110B0] =	vst v2;
	v2 =	vld [tilespmem:$0x120C0];
	v1 =	vadd.s32 v8, v1  }
0xf7: {  	v3 =	vld [tilespmem:$0x11000];
	v8 =	vadd.s32 v16, v10;
	[tilespmem:$0x110F0] =	vst v1  }
0xf8: {  	v0 =	vadd.s32 v9, v0;
	[tilespmem:$0x11030] =	vst v8  }
0xf9: {  	[tilespmem:$0x11010] =	vst v0;
	v0 =	vadd.s32 v6, v4  }
0xfa: {  	v1 =	vadd.s32 v7, v11;
	[tilespmem:$0x110D0] =	vst v0  }
0xfb: {  	s15 =	sshra.s32 s15, $0x2;
	[tilespmem:$0x11020] =	vst v1;
	v0 =	vadd.s32 v2, v5  }
0xfc: {  	s15 =	sadd.s32 s15, s10;
	v1 =	vadd.s32 v15, v3;
	[tilespmem:$0x110C0] =	vst v0  }
0xfd: {  	[tilespmem:$0x11000] =	vst v1  }
0xfe: {  	[tilespmem:s13], [sflag:$0x5] =	stream.linear.gather [spmem:s15], $0x100, $0x38;
	[tilespmem:$0x1B310] =	vst v63  }
0xff: {  	_ =	swait.ge [sflag:s12], $0x100  }
0x100: {  	[sflag:s12] =	ssyncset.done $0x0  }
0x101: {  	[sflag:s12] =	ssyncadd.s32 $0xFFFFFF00  }
.Ltmp5:
0x102: {  	v1 =	vld [tilespmem:$0x110F0];
	(pc) =	sbr.rel @p0 .LBB2_11-.Ltmp5, $4  }
0x103: {  	v2 =	vld [tilespmem:$0x110B0]  }
0x104: {  	v3 =	vld [tilespmem:$0x110E0]  }
0x105: {  	v0 =	vld [tilespmem:$0x11010]  }
0x106: {  	v4 =	vld [tilespmem:$0x110A0]  }
0x107: {  	v5 =	vld [tilespmem:$0x11090]  }
0x108: {  	v6 =	vld [tilespmem:$0x11080]  }
0x109: {  	v7 =	vld [tilespmem:$0x11070]  }
0x10a: {  	v8 =	vld [tilespmem:$0x11060]  }
0x10b: {  	v9 =	vld [tilespmem:$0x11050]  }
0x10c: {  	v10 =	vld [tilespmem:$0x120A0]  }
0x10d: {  	v11 =	vld [tilespmem:$0x11020]  }
0x10e: {  	v12 =	vld [tilespmem:$0x12090]  }
0x10f: {  	v13 =	vld [tilespmem:$0x12080]  }
0x110: {  	v14 =	vld [tilespmem:$0x12070]  }
0x111: {  	v15 =	vld [tilespmem:$0x12000]  }
0x112: {  	v16 =	vld [tilespmem:$0x11030]  }
0x113: {  	v17 =	vld [tilespmem:$0x110C0]  }
0x114: {  	v18 =	vld [tilespmem:$0x110D0]  }
0x115: {  	v19 =	vld [tilespmem:$0x12060]  }
0x116: {  	v20 =	vld [tilespmem:$0x11040]  }
0x117: {  	v46 =	vld [tilespmem:$0x12050];
	v4 =	vadd.s32 v10, v4  }
0x118: {  	v48 =	vld [tilespmem:$0x12040];
	v47 =	vadd.s32 v12, v5;
	[tilespmem:$0x110A0] =	vst v4  }
0x119: {  	v49 =	vld [tilespmem:$0x120E0];
	v6 =	vadd.s32 v13, v6;
	[tilespmem:$0x11090] =	vst v47  }
0x11a: {  	v50 =	vld [tilespmem:$0x120B0];
	v7 =	vadd.s32 v14, v7;
	[tilespmem:$0x11080] =	vst v6  }
0x11b: {  	v52 =	vld [tilespmem:$0x120F0];
	v51 =	vadd.s32 v19, v8;
	[tilespmem:$0x11070] =	vst v7  }
0x11c: {  	v53 =	vld [tilespmem:$0x12030];
	v9 =	vadd.s32 v46, v9;
	[tilespmem:$0x11060] =	vst v51  }
0x11d: {  	v54 =	vld [tilespmem:$0x12010];
	v5 =	vadd.s32 v48, v20;
	[tilespmem:$0x11050] =	vst v9  }
0x11e: {  	v55 =	vld [tilespmem:$0x120D0];
	v3 =	vadd.s32 v49, v3;
	[tilespmem:$0x11040] =	vst v5  }
0x11f: {  	v56 =	vld [tilespmem:$0x12020];
	v2 =	vadd.s32 v50, v2;
	[tilespmem:$0x110E0] =	vst v3  }
0x120: {  	v57 =	vld [tilespmem:$0x120C0];
	v1 =	vadd.s32 v52, v1;
	[tilespmem:$0x110B0] =	vst v2  }
0x121: {  	v58 =	vld [tilespmem:$0x11000];
	v59 =	vadd.s32 v53, v16;
	[tilespmem:$0x110F0] =	vst v1  }
0x122: {  	v0 =	vadd.s32 v54, v0;
	[tilespmem:$0x11030] =	vst v59  }
0x123: {  	v60 =	vadd.s32 v55, v18;
	[tilespmem:$0x11010] =	vst v0  }
0x124: {  	v61 =	vadd.s32 v56, v11;
	[tilespmem:$0x110D0] =	vst v60  }
0x125: {  	v62 =	vadd.s32 v57, v17;
	[tilespmem:$0x11020] =	vst v61  }
0x126: {  	v63 =	vadd.s32 v15, v58;
	[tilespmem:$0x110C0] =	vst v62  }
0x127: {  	s12 =	sadd.s32 s11, s8;
	s31 =	simm.s32 $0x11000;
	s13 =	simm.s32 $0x5;
	[tilespmem:$0x11000] =	vst v63  }
0x128: {  	[spmem:s12] =	stream.linear.scatter [tilespmem:s31], [sflag:$0x5], $0x100, $0x38;
	[tilespmem:$0x1B310] =	vst v63  }
0x129: {  	_ =	swait.ge [sflag:s13], $0x100  }
0x12a: {  	[sflag:s13] =	ssyncset.done $0x0  }
0x12b: {  	[sflag:s13] =	ssyncadd.s32 $0xFFFFFF00  }
0x12c: {  	[bflag:$0x0] =	sbarrier.arrive $0xFFFF  }
0x12d: {  	[tilespmem:s31], [sflag:$0x5] =	stream.linear.gather [spmem:s8], $0x1000, $0x38;
	[tilespmem:$0x1B310] =	vst v63  }
0x12e: {  	s16 =	simm.s32 $0x0;
	s14 =	simm.s32 $0x11FF0;
	_ =	swait.ge [sflag:s13], $0x1000  }
0x12f: {  	s15 =	simm.s32 $0xFF;
	s11 =	simm.s32 $0x0;
	[sflag:s13] =	ssyncset.done $0x0  }
0x130: {  	s17 =	simm.s32 $0x0;
	[sflag:s13] =	ssyncadd.s32 $0xFFFFF000;
	s13 =	simm.s32 $0xFFFFFFFF  }
.LBB2_13:
0x131: {  	v0 =	vld [tilespmem:s14+$0x0];
	_ =	sdelay $0x4  }
0x132: {  	(xrf0) =	vadd.scan.msk.s32 $0xffff, v0;
	_ =	sdelay $0x5  }
0x133: {  	v0, _, _ =	vpop (xrf0)  }
0x134: {  	(v2sf) =	vpush v0, $0xF;
	_ =	sdelay $0xe  }
0x135: {  	s18 =	spop (v2sf)  }
0x136: {  	s18 =	sadd.s32 s16, s18  }
0x137: {  	p0 =	sgt.s32 s18, $0x3FFF  }
0x138: {  	p1 =	sgt.u32 s17, $0xFE;
	s13 =	smov.u32 @p0 s15  }
0x139: {  	p2 =	slt.s32 @!p1 s13, $0x0  }
0x13a: {  	s11 =	smov.u32 @p0 s16;
	p0 =	por p1, !p2  }
.Ltmp6:
0x13b: {  	_ = 	snop;
	(pc) =	sbr.rel @!p0 .LBB2_13-.Ltmp6, $3  }
0x13c: {  	_ =	sdelay $0x1  }
0x13d: {  	s17 =	sadd.s32 $0x1, s17  }
0x13e: {  	s14 =	sadd.s32 $0xFFFFFFF0, s14;
	s15 =	sadd.s32 $0xFFFFFFFF, s15;
	s16 =	smov.u32 s18  }
0x13f: {  	s15 =	sshll.u32 s13, $0x4;
	s14 =	simm.s32 $0x10020;
	v1 =	vimm.s32 $0x0  }
0x140: {  	v2 =	vld [tilespmem:s15+$0x11000];
	[tilespmem:s14+$0xFFFFFFE0] =	vst v1  }
0x141: {  	[tilespmem:s14+$0x10] =	vst v1  }
0x142: {  	s13 =	simm.s32 $0x0;
	[tilespmem:s14+$0x0] =	vst v1  }
.LBB2_15:
0x143: {  	s13 =	sadd.s32 $0x4, s13  }
0x144: {  	[tilespmem:s14+$0xFFFFFFF0] =	vst v1;
	s14 =	sadd.s32 $0x40, s14;
	p0 =	slt.u32 s13, $0xFC  }
.Ltmp7:
0x145: {  	[tilespmem:s14+$0xFFFFFFE0] =	vst v1;
	(pc) =	sbr.rel @p0 .LBB2_15-.Ltmp7, $3  }
0x146: {  	_ =	sdelay $0x1  }
0x147: {  	[tilespmem:s14+$0x10] =	vst v1  }
0x148: {  	[tilespmem:s14+$0x0] =	vst v1  }
0x149: {  	(xrf0) =	vadd.scan.msk.s32 $0xffff, v2;
	_ =	sdelay $0x5  }
0x14a: {  	v0, _, _ =	vpop (xrf0)  }
0x14b: {  	(v2sf) =	vpush v0, $0xF;
	_ =	sdelay $0xe  }
0x14c: {  	s13 =	spop (v2sf)  }
0x14d: {  	v2 =	vsub.s32 v2, v0;
	s13 =	sadd.s32 s11, s13  }
0x14e: {  	v2 =	vadd.s32 s13, v2  }
0x14f: {  	v7 =	vimm.s32 $0x0;
	vm0 =	vgt.s32 v2, $0x3FFF  }
0x150: {  	v2 =	vsel vm0, $0x1, v7  }
0x151: {  	(xrf0) =	vadd.scan.msk.s32 $0xffff, v2;
	_ =	sdelay $0x5  }
0x152: {  	v2, _, _ =	vpop (xrf0)  }
0x153: {  	(v2sf) =	vpush v2, $0xF;
	_ =	sdelay $0xc  }
0x154: {  	[tilespmem:s14+$0xFFFFFFF0] =	vst v1;
	s16 =	simm.s32 $0x20  }
0x155: {  	v10 =	vld [tilespmem:s16+$0xFFFFFFE0]  }
0x156: {  	v20 =	vld [tilespmem:s16+$0xFFFFFFF0];
	s26 =	spop (v2sf)  }
0x157: {  	s14 =	sadd.s32 $0xFFFFFFFF, s26  }
0x158: {  	v21 =	vld [tilespmem:s16+$0x0];
	s11 =	sadd.s32 s14, s15  }
0x159: {  	v9 =	vld [tilespmem:s16+$0x10];
	s11 =	sadd.s32 $0xFFFFF800, s11  }
0x15a: {  	v1 =	vshra.s32 v10, $0x14;
	v11 =	vmov s11  }
0x15b: {  	vm2 =	veq.s32 v1, v11;
	v1 =	vshra.s32 v20, $0x14  }
0x15c: {  	v2 =	vsel vm2, $0x1, v7;
	vm1 =	veq.s32 v1, v11  }
0x15d: {  	v1 =	vshra.s32 v21, $0x14;
	(xrf0) =	vadd.scan.msk.s32 $0xffff, v2;
	v3 =	vsel vm1, $0x1, v7  }
0x15e: {  	v2 =	vshra.s32 v9, $0x14;
	vm3 =	veq.s32 v1, v11;
	(xrf0) =	vadd.scan.msk.s32 $0xffff, v3  }
0x15f: {  	v1 =	vsel vm3, $0x1, v7;
	vm5 =	veq.s32 v2, v11  }
0x160: {  	(xrf0) =	vadd.scan.msk.s32 $0xffff, v1;
	v1 =	vsel vm5, $0x1, v7  }
0x161: {  	s28 =	simm.s32 $0x60;
	(xrf0) =	vadd.scan.msk.s32 $0xffff, v1  }
0x162: {  	v4 =	vld [tilespmem:s28+$0x10]  }
0x163: {  	v8 =	vld [tilespmem:s28+$0xFFFFFFF0];
	v1, _, _ =	vpop (xrf0)  }
0x164: {  	(v2sf) =	vpush v1, $0xF;
	v1, _, _ =	vpop (xrf0)  }
0x165: {  	v6 =	vld [tilespmem:s28+$0x0];
	(v2sf) =	vpush v1, $0xF  }
0x166: {  	v5 =	vld [tilespmem:s28+$0xFFFFFFE0];
	v13 =	vshrl.u32 v9, $0x8;
	v14 =	vshrl.u32 v10, $0x8;
	v16 =	vshrl.u32 v20, $0x8;
	v1, _, _ =	vpop (xrf0)  }
0x167: {  	v15 =	vshra.s32 v4, $0x14;
	v17 =	vshrl.u32 v21, $0x8;
	(v2sf) =	vpush v1, $0xF;
	v1, _, _ =	vpop (xrf0)  }
0x168: {  	v12 =	vshrl.u32 v4, $0x8;
	v18 =	vshra.s32 v8, $0x14;
	(v2sf) =	vpush v1, $0xF  }
0x169: {  	v17 =	vand.u32 $0xFFF, v17;
	v23 =	vand.u32 $0xFFF, v16;
	vm0 =	vmxor vm0, vm0  }
0x16a: {  	p0 =	por $0x1, $0x1;
	v16 =	vshrl.u32 v6, $0x8;
	vm9 =	vmmov vm0;
	vm14 =	vmmov vm0  }
0x16b: {  	vm9 =	vmneg @p0 vm9;
	vm6 =	veq.s32 v18, v11;
	v2 =	vshra.s32 v5, $0x14  }
0x16c: {  	v18 =	vshra.s32 v6, $0x14;
	vm13 =	veq.s32 v15, v11;
	vm7 =	veq.s32 v2, v11  }
0x16d: {  	s23 =	simm.s32 $0xA0;
	v22 =	vsel vm6, $0x1, v7;
	vm4 =	vmmov vm3;
	v19 =	vsel vm7, $0x1, v7  }
0x16e: {  	vm10 =	veq.s32 v18, v11;
	vm3 =	vmmov vm5;
	v2 =	vld [tilespmem:s23+$0x10];
	vm5 =	vmmov vm2;
	(xrf0) =	vadd.scan.msk.s32 $0xffff, v19  }
0x16f: {  	v15 =	vshrl.u32 v5, $0x8;
	v19 =	vand.u32 $0xFFF, v14;
	v14 =	vsel vm10, $0x1, v7;
	(xrf0) =	vadd.scan.msk.s32 $0xffff, v22  }
0x170: {  	vm8 =	vmmov vm1;
	v22 =	vand.u32 $0xFFF, v13;
	v13 =	vsel vm13, $0x1, v7;
	(xrf0) =	vadd.scan.msk.s32 $0xffff, v14  }
0x171: {  	p1 =	por $0x1, $0x1;
	s19 =	simm.s32 $0x8;
	vm6 =	vmmov vm6;
	vm1 =	vmmov vm13;
	v3 =	vimm.s32 $0x1;
	(xrf0) =	vadd.scan.msk.s32 $0xffff, v13  }
0x172: {  	s24 =	simm.s32 $0x20;
	s17 =	simm.s32 $0x30;
	s15 =	simm.s32 $0x10000;
	vm12 =	vmmov vm4;
	vm2 =	vmmov vm10;
	vm11 =	vmmov vm3  }
0x173: {  	s29 =	simm.s32 $0x10;
	s16 =	simm.s32 $0x0;
	vm7 =	vmmov vm7;
	v18 =	vshra.s32 v2, $0x14;
	[tilespmem:v17+s15+$0x0] =	vst.idx.add.s32.msk vm4, v3;
	vm4 =	vmmov vm10;
	s18 =	spop (v2sf)  }
0x174: {  	s26 =	simm.s32 $0x0;
	v1 =	vlaneseq.u32;
	v14 =	vshrl.u32 v8, $0x8;
	v13 =	vshrl.u32 v2, $0x8;
	[tilespmem:v19+s15+$0x0] =	vst.idx.add.s32.msk vm5, v3;
	v19, _, _ =	vpop (xrf0);
	s21 =	sadd.s32 $0x0, s18;
	s20 =	spop (v2sf)  }
0x175: {  	s26 =	simm.s32 @!p1 $0x3FF0;
	[tilespmem:v22+s15+$0x0] =	vst.idx.add.s32.msk vm3, v3;
	vm3 =	vmmov vm13;
	vm13 =	vmmov vm0;
	(v2sf) =	vpush v19, $0xF;
	v19, _, _ =	vpop (xrf0);
	p2 =	slt.s32 s21, $0x3FF1;
	s20 =	sadd.s32 s21, s20  }
0x176: {  	[tilespmem:v23+s15+$0x0] =	vst.idx.add.s32.msk vm8, v3;
	v22 =	vor.u32 s29, v1;
	v17, _, _ =	vpop (xrf0);
	s30 =	spop (v2sf);
	p0 =	slt.s32 s21, $0x3FF0;
	(v2sf) =	vpush v19, $0xF;
	vm13 =	vmneg @p2 vm13;
	p2 =	slt.s32 s20, $0x3FF1  }
0x177: {  	v23, _, _ =	vpop (xrf0);
	s22 =	sadd.s32 s20, s30;
	s31 =	spop (v2sf);
	(v2sf) =	vpush v17, $0xF;
	v17 =	vld [tilespmem:s23+$0xFFFFFFE0];
	s21 =	simm.s32 @!p0 $0x3FF0;
	vm10 =	vmand vm8, vm13;
	vm14 =	vmneg @p2 vm14  }
0x178: {  	v19 =	vld [tilespmem:s23+$0xFFFFFFF0];
	p0 =	slt.s32 s20, $0x3FF0;
	p3 =	slt.s32 s22, $0x3FF1;
	vm13 =	vmmov vm0;
	s18 =	sadd.s32 s22, s31;
	(v2sf) =	vpush v23, $0xF;
	vm8 =	vmand vm12, vm14  }
0x179: {  	p2 =	slt.s32 s22, $0x3FF0;
	s20 =	simm.s32 @!p0 $0x3FF0;
	vm13 =	vmneg @p3 vm13;
	p3 =	slt.s32 s18, $0x3FF1;
	vm12 =	vmand vm9, vm5;
	[tilespmem:s21+$0x12200] =	vst.msk vm10, v20;
	vm5 =	vmmov vm0;
	v20 =	vld [tilespmem:s23+$0x0]  }
0x17a: {  	s22 =	simm.s32 @!p2 $0x3FF0;
	s23 =	simm.s32 $0xE0;
	p0 =	slt.s32 s18, $0x3FF0;
	vm11 =	vmand vm11, vm13;
	vm5 =	vmneg @p3 vm5;
	[tilespmem:s20+$0x12200] =	vst.msk vm8, v21;
	v21 =	vor.u32 s24, v1  }
.LBB2_17:
0x17b: {  	v23 =	vld [tilespmem:s23+$0x10];
	s19 =	sadd.s32 $0x4, s19;
	v24 =	vand.u32 $0xFFF, v12;
	[tilespmem:s26+$0x12200] =	vst.msk vm12, v10;
	v28 =	vor.u32 s16, v1;
	v26 =	vor.u32 s17, v1;
	s16 =	sadd.s32 $0x40, s16;
	v12 =	vmovc v13;
	v10 =	vmovc v5;
	s24 =	smov.u32 s18  }
0x17c: {  	v27 =	vand.u32 $0xFFF, v15;
	p1 =	slt.u32 s19, $0xFFC;
	v13 =	vshra.s32 v17, $0x14;
	v15 =	vshrl.u32 v17, $0x8;
	s25 =	sadd.s32 $0x20, s16;
	s17 =	sadd.s32 $0x30, s16;
	[tilespmem:s21+$0x16200] =	vst.msk vm10, v22;
	v5 =	vmovc v17  }
0x17d: {  	vm9 =	veq.s32 v13, v11;
	v13 =	vshra.s32 v19, $0x14;
	v17 =	vshrl.u32 v19, $0x8;
	[tilespmem:s26+$0x16200] =	vst.msk vm12, v28;
	v25 =	vmovc v19  }
0x17e: {  	v19 =	vsel vm9, $0x1, v7;
	vm12 =	veq.s32 v13, v11;
	v13 =	vshra.s32 v20, $0x14;
	[tilespmem:s22+$0x12200] =	vst.msk vm11, v9;
	v9 =	vmovc v4;
	v4 =	vmovc v2  }
0x17f: {  	v22 =	vsel vm12, $0x1, v7;
	vm10 =	veq.s32 v13, v11;
	(xrf0) =	vadd.scan.msk.s32 $0xffff, v19;
	[tilespmem:s22+$0x16200] =	vst.msk vm11, v26;
	v26 =	vmovc v20  }
0x180: {  	v13 =	vshra.s32 v23, $0x14;
	v19 =	vsel vm10, $0x1, v7;
	(xrf0) =	vadd.scan.msk.s32 $0xffff, v22;
	[tilespmem:s20+$0x16200] =	vst.msk vm8, v21;
	v2 =	vmovc v23  }
0x181: {  	vm13 =	veq.s32 v18, v11;
	(xrf0) =	vadd.scan.msk.s32 $0xffff, v19;
	v19 =	vand.u32 $0xFFF, v16;
	v16 =	vshrl.u32 v26, $0x8;
	v18 =	vmovc v13  }
0x182: {  	v20 =	vsel vm13, $0x1, v7;
	v21 =	vand.u32 $0xFFF, v14;
	v14 =	vmovc v17;
	v13 =	vshrl.u32 v2, $0x8  }
0x183: {  	vm11 =	vmmov vm1;
	vm8 =	vmmov vm2;
	vm2 =	vmmov vm10;
	(xrf0) =	vadd.scan.msk.s32 $0xffff, v20  }
0x184: {  	vm1 =	vmmov vm13;
	[tilespmem:v27+s15+$0x0] =	vst.idx.add.s32.msk vm7, v3;
	s20 =	spop (v2sf)  }
0x185: {  	v17, _, _ =	vpop (xrf0);
	s21 =	sadd.s32 s18, s20;
	s18 =	sadd.s32 $0x10, s16;
	[tilespmem:v24+s15+$0x0] =	vst.idx.add.s32.msk vm3, v3;
	s20 =	spop (v2sf);
	vm3 =	vmmov vm13  }
0x186: {  	p2 =	slt.s32 s21, $0x3FF1;
	v22 =	vor.u32 s18, v1;
	s20 =	sadd.s32 s21, s20;
	[tilespmem:v19+s15+$0x0] =	vst.idx.add.s32.msk vm4, v3;
	s18 =	spop (v2sf);
	vm4 =	vmmov vm10;
	vm10 =	vmmov vm0  }
0x187: {  	vm13 =	vmmov vm0;
	(v2sf) =	vpush v17, $0xF;
	v17, _, _ =	vpop (xrf0);
	p3 =	slt.s32 s21, $0x3FF0;
	vm10 =	vmneg @p2 vm10;
	s22 =	sadd.s32 s20, s18  }
.Ltmp8:
0x188: {  	(v2sf) =	vpush v17, $0xF;
	v19, _, _ =	vpop (xrf0);
	[tilespmem:v21+s15+$0x0] =	vst.idx.add.s32.msk vm6, v3;
	p2 =	slt.s32 s20, $0x3FF1;
	vm10 =	vmand vm6, vm10;
	vm6 =	vmmov vm0;
	p4 =	slt.s32 s22, $0x3FF1;
	(pc) =	sbr.rel @p1 .LBB2_17-.Ltmp8, $4  }
0x189: {  	s26 =	smov.u32 s24;
	v17 =	vld [tilespmem:s23+$0xFFFFFFE0];
	(v2sf) =	vpush v19, $0xF;
	s18 =	spop (v2sf);
	vm6 =	vmneg @p2 vm6;
	p2 =	slt.s32 s22, $0x3FF0;
	vm13 =	vmneg @p4 vm13  }
0x18a: {  	s21 =	simm.s32 @!p3 $0x3FF0;
	p3 =	slt.s32 s20, $0x3FF0;
	s18 =	sadd.s32 s22, s18;
	v19 =	vld [tilespmem:s23+$0xFFFFFFF0];
	v21, _, _ =	vpop (xrf0);
	vm8 =	vmand vm8, vm6;
	vm6 =	vmmov vm12;
	vm12 =	vmand vm5, vm7  }
0x18b: {  	s20 =	simm.s32 @!p3 $0x3FF0;
	p4 =	slt.s32 s18, $0x3FF1;
	s22 =	simm.s32 @!p2 $0x3FF0;
	vm11 =	vmand vm11, vm13;
	vm5 =	vmmov vm0;
	v20 =	vld [tilespmem:s23+$0x0];
	(v2sf) =	vpush v21, $0xF;
	[tilespmem:s21+$0x12200] =	vst.msk vm10, v8;
	v8 =	vmovc v25  }
0x18c: {  	s26 =	simm.s32 @!p0 $0x3FF0;
	p0 =	slt.s32 s18, $0x3FF0;
	vm7 =	vmmov vm9;
	s23 =	sadd.s32 $0x40, s23;
	vm5 =	vmneg @p4 vm5;
	v21 =	vor.u32 s25, v1;
	[tilespmem:s20+$0x12200] =	vst.msk vm8, v6;
	v6 =	vmovc v26  }
0x18d: {  	_ = 	snop  }
0x18e: {  	v23 =	vshra.s32 v17, $0x14  }
0x18f: {  	vm14 =	veq.s32 v23, v11  }
0x190: {  	v50 =	vshra.s32 v19, $0x14;
	v24 =	vsel vm14, $0x1, v7  }
0x191: {  	vm9 =	veq.s32 v50, v11;
	(xrf0) =	vadd.scan.msk.s32 $0xffff, v24  }
0x192: {  	v52 =	vsel vm9, $0x1, v7  }
0x193: {  	v51 =	vshra.s32 v20, $0x14;
	(xrf0) =	vadd.scan.msk.s32 $0xffff, v52  }
0x194: {  	vm13 =	veq.s32 v51, v11  }
0x195: {  	[tilespmem:s21+$0x16200] =	vst.msk vm10, v22;
	vm10 =	veq.s32 v18, v11;
	v23 =	vsel vm13, $0x1, v7  }
0x196: {  	v7 =	vsel vm10, $0x1, v7;
	(xrf0) =	vadd.scan.msk.s32 $0xffff, v23  }
0x197: {  	[tilespmem:s26+$0x12200] =	vst.msk vm12, v10;
	v54 =	vand.u32 $0xFFF, v15;
	v55, _, _ =	vpop (xrf0)  }
0x198: {  	v56 =	vand.u32 $0xFFF, v12;
	[tilespmem:s22+$0x12200] =	vst.msk vm11, v9;
	(v2sf) =	vpush v55, $0xF  }
0x199: {  	v53 =	vor.u32 s16, v1;
	v58 =	vand.u32 $0xFFF, v16;
	[tilespmem:s20+$0x16200] =	vst.msk vm8, v21;
	(xrf0) =	vadd.scan.msk.s32 $0xffff, v7;
	v7, _, _ =	vpop (xrf0)  }
0x19a: {  	v57 =	vor.u32 s17, v1;
	[tilespmem:s26+$0x16200] =	vst.msk vm12, v53;
	(v2sf) =	vpush v7, $0xF  }
0x19b: {  	[tilespmem:s22+$0x16200] =	vst.msk vm11, v57;
	s25 =	spop (v2sf)  }
0x19c: {  	vm2 =	vmmov vm2;
	s28 =	sadd.s32 $0x40, s16;
	vm15 =	vmmov vm1;
	[tilespmem:v54+s15+$0x0] =	vst.idx.add.s32.msk vm7, v3;
	s19 =	spop (v2sf);
	s20 =	sadd.s32 s18, s25;
	v59, _, _ =	vpop (xrf0)  }
0x19d: {  	vm5 =	vmand vm5, vm7;
	[tilespmem:v56+s15+$0x0] =	vst.idx.add.s32.msk vm3, v3;
	vm3 =	vmmov vm0;
	p1 =	slt.s32 s20, $0x3FF1;
	s19 =	sadd.s32 s20, s19;
	s26 =	spop (v2sf);
	(v2sf) =	vpush v59, $0xF  }
0x19e: {  	[tilespmem:v58+s15+$0x0] =	vst.idx.add.s32.msk vm4, v3;
	vm4 =	vmmov vm0;
	s18 =	simm.s32 @!p0 $0x3FF0;
	v7 =	vand.u32 $0xFFF, v14;
	vm3 =	vmneg @p1 vm3;
	p1 =	slt.s32 s19, $0x3FF1;
	s21 =	sadd.s32 s19, s26  }
0x19f: {  	s16 =	sadd.s32 $0x10, s28;
	vm7 =	vmmov vm0;
	[tilespmem:s18+$0x12200] =	vst.msk vm5, v5;
	v5 =	vor.u32 s28, v1;
	vm4 =	vmneg @p1 vm4;
	p1 =	slt.s32 s19, $0x3FF0;
	p0 =	slt.s32 s21, $0x3FF1  }
0x1a0: {  	[tilespmem:s18+$0x16200] =	vst.msk vm5, v5;
	vm12 =	vmand vm6, vm3;
	s29 =	spop (v2sf);
	vm3 =	vmand vm2, vm4;
	s19 =	simm.s32 @!p1 $0x3FF0;
	p1 =	slt.s32 s21, $0x3FF0;
	vm7 =	vmneg @p0 vm7;
	v60, _, _ =	vpop (xrf0)  }
0x1a1: {  	[tilespmem:s19+$0x12200] =	vst.msk vm3, v6;
	v6 =	vor.u32 s16, v1;
	s16 =	sadd.s32 s21, s29;
	s21 =	simm.s32 @!p1 $0x3FF0;
	vm4 =	vmand vm15, vm7;
	(v2sf) =	vpush v60, $0xF  }
0x1a2: {  	s30 =	sadd.s32 $0x30, s28;
	v62 =	vshrl.u32 v20, $0x8;
	[tilespmem:s21+$0x12200] =	vst.msk vm4, v4  }
0x1a3: {  	v61 =	vshrl.u32 v19, $0x8;
	p2 =	slt.s32 s20, $0x3FF0;
	v5 =	vor.u32 s30, v1;
	v4 =	vand.u32 $0xFFF, v62;
	[tilespmem:v7+s15+$0x0] =	vst.idx.add.s32.msk vm6, v3  }
0x1a4: {  	s20 =	simm.s32 @!p2 $0x3FF0;
	v7 =	vshrl.u32 v17, $0x8;
	[tilespmem:s21+$0x16200] =	vst.msk vm4, v5;
	v5 =	vand.u32 $0xFFF, v61  }
0x1a5: {  	s31 =	sadd.s32 $0x20, s28;
	[tilespmem:s20+$0x12200] =	vst.msk vm12, v8;
	v7 =	vand.u32 $0xFFF, v7  }
0x1a6: {  	v63 =	vor.u32 s31, v1;
	[tilespmem:s20+$0x16200] =	vst.msk vm12, v6;
	v6 =	vand.u32 $0xFFF, v13  }
0x1a7: {  	[tilespmem:s19+$0x16200] =	vst.msk vm3, v63;
	s22 =	spop (v2sf)  }
0x1a8: {  	[tilespmem:v4+s15+$0x0] =	vst.idx.add.s32.msk vm13, v3;
	s18 =	sadd.s32 s16, s22  }
0x1a9: {  	s17 =	sadd.s32 $0x40, s28;
	vm11 =	vmmov vm14;
	vm15 =	vmmov vm9;
	vm3 =	vmmov vm0;
	[tilespmem:v5+s15+$0x0] =	vst.idx.add.s32.msk vm9, v3;
	s23 =	spop (v2sf);
	p1 =	slt.s32 s18, $0x3FF1  }
0x1aa: {  	vm7 =	vmmov vm0;
	p0 =	slt.s32 s16, $0x3FF1;
	vm4 =	vmmov vm0;
	[tilespmem:v7+s15+$0x0] =	vst.idx.add.s32.msk vm14, v3;
	s19 =	sadd.s32 s18, s23;
	p2 =	slt.s32 s18, $0x3FF0;
	vm3 =	vmneg @p1 vm3  }
0x1ab: {  	vm7 =	vmneg @p0 vm7;
	vm12 =	vmmov vm13;
	[tilespmem:v6+s15+$0x0] =	vst.idx.add.s32.msk vm10, v3;
	p1 =	slt.s32 s19, $0x3FF1;
	s18 =	simm.s32 @!p2 $0x3FF0;
	p2 =	slt.s32 s16, $0x3FF0;
	vm3 =	vmand vm15, vm3  }
0x1ac: {  	vm2 =	vmand vm7, vm11;
	vm6 =	vmmov vm12;
	s24 =	spop (v2sf);
	vm4 =	vmneg @p1 vm4;
	p1 =	slt.s32 s19, $0x3FF0;
	s16 =	simm.s32 @!p2 $0x3FF0;
	[tilespmem:s18+$0x12200] =	vst.msk vm3, v19  }
0x1ad: {  	s25 =	sadd.s32 $0x10, s17;
	s20 =	sadd.s32 s19, s24;
	vm4 =	vmand vm6, vm4;
	s19 =	simm.s32 @!p1 $0x3FF0;
	[tilespmem:s16+$0x12200] =	vst.msk vm2, v17  }
0x1ae: {  	vm1 =	vmmov vm10;
	v3 =	vor.u32 s25, v1;
	[tilespmem:s19+$0x12200] =	vst.msk vm4, v20  }
0x1af: {  	vm1 =	vmmov vm1;
	s28 =	sadd.s32 $0x30, s17;
	s29 =	sadd.s32 $0x20, s17;
	v4 =	vor.u32 s17, v1;
	p0 =	slt.s32 s20, $0x3FF1;
	[tilespmem:s18+$0x16200] =	vst.msk vm3, v3  }
0x1b0: {  	p1 =	slt.s32 s20, $0x3FF0;
	vm0 =	vmneg @p0 vm0;
	s26 =	spop (v2sf);
	[tilespmem:s16+$0x16200] =	vst.msk vm2, v4;
	v3 =	vor.u32 s28, v1;
	v1 =	vor.u32 s29, v1  }
0x1b1: {  	vm0 =	vmand vm1, vm0;
	s15 =	sadd.s32 s20, s26;
	s20 =	simm.s32 @!p1 $0x3FF0;
	[tilespmem:s19+$0x16200] =	vst.msk vm4, v1  }
0x1b2: {  	[tilespmem:s20+$0x12200] =	vst.msk vm0, v2  }
0x1b3: {  	s30 =	simm.s32 $0x10000;
	s16 =	simm.s32 $0x5;
	[tilespmem:s20+$0x16200] =	vst.msk vm0, v3  }
0x1b4: {  	[spmem:s9] =	stream.linear.scatter [tilespmem:s30], [sflag:$0x5], $0x1000, $0x38;
	[tilespmem:$0x1B310] =	vst v63  }
0x1b5: {  	_ =	swait.ge [sflag:s16], $0x1000  }
0x1b6: {  	[sflag:s16] =	ssyncset.done $0x0  }
0x1b7: {  	[sflag:s16] =	ssyncadd.s32 $0xFFFFF000  }
0x1b8: {  	s17 =	simm.s32 $0x12000;
	[bflag:$0x0] =	sbarrier.arrive $0xFFFF  }
0x1b9: {  	[tilespmem:s17], [sflag:$0x5] =	stream.linear.gather [spmem:s10], $0x100, $0x38;
	[tilespmem:$0x1B310] =	vst v63  }
0x1ba: {  	_ =	swait.ge [sflag:s16], $0x100  }
0x1bb: {  	[sflag:s16] =	ssyncset.done $0x0  }
0x1bc: {  	[sflag:s16] =	ssyncadd.s32 $0xFFFFFF00  }
0x1bd: {  	v1 =	vld [tilespmem:$0x12000]  }
0x1be: {  	v2 =	vld [tilespmem:$0x12010]  }
0x1bf: {  	v3 =	vld [tilespmem:$0x12020]  }
0x1c0: {  	v4 =	vld [tilespmem:$0x12030]  }
0x1c1: {  	v5 =	vld [tilespmem:$0x12040]  }
0x1c2: {  	[tilespmem:$0x11000] =	vst v1;
	v1 =	vld [tilespmem:$0x12050]  }
0x1c3: {  	[tilespmem:$0x11010] =	vst v2;
	v2 =	vld [tilespmem:$0x12060]  }
0x1c4: {  	[tilespmem:$0x11020] =	vst v3;
	v3 =	vld [tilespmem:$0x12070]  }
0x1c5: {  	[tilespmem:$0x11030] =	vst v4;
	v4 =	vld [tilespmem:$0x12080]  }
0x1c6: {  	[tilespmem:$0x11040] =	vst v5;
	v5 =	vld [tilespmem:$0x12090]  }
0x1c7: {  	[tilespmem:$0x11050] =	vst v1;
	v1 =	vld [tilespmem:$0x120A0]  }
0x1c8: {  	[tilespmem:$0x11060] =	vst v2;
	v2 =	vld [tilespmem:$0x120B0]  }
0x1c9: {  	[tilespmem:$0x11070] =	vst v3;
	v3 =	vld [tilespmem:$0x120C0]  }
0x1ca: {  	[tilespmem:$0x11080] =	vst v4;
	v4 =	vld [tilespmem:$0x120D0]  }
0x1cb: {  	[tilespmem:$0x11090] =	vst v5;
	v5 =	vld [tilespmem:$0x120E0]  }
0x1cc: {  	[tilespmem:$0x110A0] =	vst v1;
	v1 =	vld [tilespmem:$0x120F0]  }
0x1cd: {  	[tilespmem:$0x110B0] =	vst v2  }
0x1ce: {  	[tilespmem:$0x110C0] =	vst v3  }
0x1cf: {  	[tilespmem:$0x110D0] =	vst v4  }
0x1d0: {  	[tilespmem:$0x110E0] =	vst v5  }
0x1d1: {  	s31 =	sadd.s32 $0x1000, s10;
	[tilespmem:$0x110F0] =	vst v1  }
0x1d2: {  	[tilespmem:s17], [sflag:$0x5] =	stream.linear.gather [spmem:s31], $0x100, $0x38;
	[tilespmem:$0x1B310] =	vst v63  }
0x1d3: {  	_ =	swait.ge [sflag:s16], $0x100  }
0x1d4: {  	[sflag:s16] =	ssyncset.done $0x0  }
0x1d5: {  	[sflag:s16] =	ssyncadd.s32 $0xFFFFFF00  }
0x1d6: {  	v2 =	vld [tilespmem:$0x110F0]  }
0x1d7: {  	v3 =	vld [tilespmem:$0x110B0]  }
0x1d8: {  	v4 =	vld [tilespmem:$0x110E0]  }
0x1d9: {  	v1 =	vld [tilespmem:$0x11010]  }
0x1da: {  	s18 =	simm.s32 $0x8000;
	v5 =	vld [tilespmem:$0x110A0]  }
.LBB2_19:
0x1db: {  	p0 =	sne.s32 s18, $0x3C000;
	v6 =	vld [tilespmem:$0x11090];
	s19 =	smov.u32 s18;
	s18 =	sadd.s32 $0x4000, s18  }
0x1dc: {  	v7 =	vld [tilespmem:$0x11080]  }
0x1dd: {  	v8 =	vld [tilespmem:$0x11070]  }
0x1de: {  	v9 =	vld [tilespmem:$0x11060]  }
0x1df: {  	v10 =	vld [tilespmem:$0x11050]  }
0x1e0: {  	v11 =	vld [tilespmem:$0x120A0]  }
0x1e1: {  	v12 =	vld [tilespmem:$0x11020]  }
0x1e2: {  	v13 =	vld [tilespmem:$0x12090]  }
0x1e3: {  	v14 =	vld [tilespmem:$0x12080]  }
0x1e4: {  	v15 =	vld [tilespmem:$0x12070]  }
0x1e5: {  	v16 =	vld [tilespmem:$0x12000];
	v5 =	vadd.s32 v11, v5  }
0x1e6: {  	v11 =	vld [tilespmem:$0x11030];
	[tilespmem:$0x110A0] =	vst v5  }
0x1e7: {  	v5 =	vadd.s32 v13, v6;
	v6 =	vld [tilespmem:$0x110C0]  }
0x1e8: {  	v7 =	vadd.s32 v14, v7;
	[tilespmem:$0x11090] =	vst v5;
	v5 =	vld [tilespmem:$0x110D0]  }
0x1e9: {  	v13 =	vld [tilespmem:$0x12060];
	v8 =	vadd.s32 v15, v8;
	[tilespmem:$0x11080] =	vst v7  }
0x1ea: {  	v7 =	vld [tilespmem:$0x11040];
	[tilespmem:$0x11070] =	vst v8  }
0x1eb: {  	v8 =	vld [tilespmem:$0x12050]  }
0x1ec: {  	v14 =	vld [tilespmem:$0x12040]  }
0x1ed: {  	v15 =	vld [tilespmem:$0x120E0]  }
0x1ee: {  	v9 =	vadd.s32 v13, v9;
	v13 =	vld [tilespmem:$0x120B0]  }
0x1ef: {  	[tilespmem:$0x11060] =	vst v9;
	v9 =	vld [tilespmem:$0x120F0]  }
0x1f0: {  	v17 =	vld [tilespmem:$0x12030];
	v8 =	vadd.s32 v8, v10  }
0x1f1: {  	v10 =	vld [tilespmem:$0x12010];
	v7 =	vadd.s32 v14, v7;
	[tilespmem:$0x11050] =	vst v8  }
0x1f2: {  	[tilespmem:$0x11040] =	vst v7;
	v7 =	vld [tilespmem:$0x120D0];
	v4 =	vadd.s32 v15, v4  }
0x1f3: {  	v8 =	vld [tilespmem:$0x12020];
	v3 =	vadd.s32 v13, v3;
	[tilespmem:$0x110E0] =	vst v4  }
0x1f4: {  	[tilespmem:$0x110B0] =	vst v3;
	v3 =	vld [tilespmem:$0x120C0];
	v2 =	vadd.s32 v9, v2  }
0x1f5: {  	v4 =	vld [tilespmem:$0x11000];
	v9 =	vadd.s32 v17, v11;
	[tilespmem:$0x110F0] =	vst v2  }
0x1f6: {  	v1 =	vadd.s32 v10, v1;
	[tilespmem:$0x11030] =	vst v9  }
0x1f7: {  	[tilespmem:$0x11010] =	vst v1;
	v1 =	vadd.s32 v7, v5  }
0x1f8: {  	v2 =	vadd.s32 v8, v12;
	[tilespmem:$0x110D0] =	vst v1  }
0x1f9: {  	s19 =	sshra.s32 s19, $0x2;
	[tilespmem:$0x11020] =	vst v2;
	v1 =	vadd.s32 v3, v6  }
0x1fa: {  	s19 =	sadd.s32 s19, s10;
	v2 =	vadd.s32 v16, v4;
	[tilespmem:$0x110C0] =	vst v1  }
0x1fb: {  	[tilespmem:$0x11000] =	vst v2  }
0x1fc: {  	[tilespmem:s17], [sflag:$0x5] =	stream.linear.gather [spmem:s19], $0x100, $0x38;
	[tilespmem:$0x1B310] =	vst v63  }
0x1fd: {  	_ =	swait.ge [sflag:s16], $0x100  }
0x1fe: {  	[sflag:s16] =	ssyncset.done $0x0  }
0x1ff: {  	[sflag:s16] =	ssyncadd.s32 $0xFFFFFF00  }
.Ltmp9:
0x200: {  	v2 =	vld [tilespmem:$0x110F0];
	(pc) =	sbr.rel @p0 .LBB2_19-.Ltmp9, $4  }
0x201: {  	v3 =	vld [tilespmem:$0x110B0]  }
0x202: {  	v4 =	vld [tilespmem:$0x110E0]  }
0x203: {  	v1 =	vld [tilespmem:$0x11010]  }
0x204: {  	v5 =	vld [tilespmem:$0x110A0]  }
0x205: {  	v6 =	vld [tilespmem:$0x11090]  }
0x206: {  	v7 =	vld [tilespmem:$0x11080]  }
0x207: {  	v8 =	vld [tilespmem:$0x11070]  }
0x208: {  	v9 =	vld [tilespmem:$0x11060]  }
0x209: {  	v10 =	vld [tilespmem:$0x11050]  }
0x20a: {  	v11 =	vld [tilespmem:$0x120A0]  }
0x20b: {  	v12 =	vld [tilespmem:$0x11020]  }
0x20c: {  	v13 =	vld [tilespmem:$0x12090]  }
0x20d: {  	v14 =	vld [tilespmem:$0x12080]  }
0x20e: {  	v15 =	vld [tilespmem:$0x12070];
	v16 =	vmov s14;
	v17 =	vlaneseq.u32  }
0x20f: {  	v18 =	vld [tilespmem:$0x12000];
	vm0 =	veq.s32 v16, v17  }
0x210: {  	v43 =	vld [tilespmem:$0x11030];
	v0 =	vnsel vm0, $0x0, v0  }
0x211: {  	v44 =	vld [tilespmem:$0x110C0];
	(xrf0) =	vadd.scan.msk.s32 $0xffff, v0  }
0x212: {  	v45 =	vld [tilespmem:$0x110D0]  }
0x213: {  	v19 =	vld [tilespmem:$0x12060]  }
0x214: {  	v20 =	vld [tilespmem:$0x11040]  }
0x215: {  	v46 =	vld [tilespmem:$0x12050];
	v5 =	vadd.s32 v11, v5  }
0x216: {  	v48 =	vld [tilespmem:$0x12040];
	v47 =	vadd.s32 v13, v6;
	[tilespmem:$0x110A0] =	vst v5  }
0x217: {  	v49 =	vld [tilespmem:$0x120E0];
	v7 =	vadd.s32 v14, v7;
	[tilespmem:$0x11090] =	vst v47;
	v50, _, _ =	vpop (xrf0)  }
0x218: {  	v51 =	vld [tilespmem:$0x120B0];
	v8 =	vadd.s32 v15, v8;
	[tilespmem:$0x11080] =	vst v7;
	(v2sf) =	vpush v50, $0xF  }
0x219: {  	v53 =	vld [tilespmem:$0x120F0];
	v52 =	vadd.s32 v19, v9;
	[tilespmem:$0x11070] =	vst v8  }
0x21a: {  	v54 =	vld [tilespmem:$0x12030];
	v10 =	vadd.s32 v46, v10;
	[tilespmem:$0x11060] =	vst v52  }
0x21b: {  	v55 =	vld [tilespmem:$0x12010];
	v6 =	vadd.s32 v48, v20;
	[tilespmem:$0x11050] =	vst v10  }
0x21c: {  	v56 =	vld [tilespmem:$0x120D0];
	v4 =	vadd.s32 v49, v4;
	[tilespmem:$0x11040] =	vst v6  }
0x21d: {  	v57 =	vld [tilespmem:$0x12020];
	v3 =	vadd.s32 v51, v3;
	[tilespmem:$0x110E0] =	vst v4  }
0x21e: {  	v58 =	vld [tilespmem:$0x120C0];
	v2 =	vadd.s32 v53, v2;
	[tilespmem:$0x110B0] =	vst v3  }
0x21f: {  	v59 =	vld [tilespmem:$0x11000];
	v60 =	vadd.s32 v54, v43;
	[tilespmem:$0x110F0] =	vst v2  }
0x220: {  	v1 =	vadd.s32 v55, v1;
	[tilespmem:$0x11030] =	vst v60  }
0x221: {  	v0 =	vadd.s32 v56, v45;
	[tilespmem:$0x11010] =	vst v1  }
0x222: {  	v61 =	vadd.s32 v57, v12;
	[tilespmem:$0x110D0] =	vst v0  }
0x223: {  	v62 =	vadd.s32 v58, v44;
	[tilespmem:$0x11020] =	vst v61  }
0x224: {  	v63 =	vadd.s32 v18, v59;
	[tilespmem:$0x110C0] =	vst v62  }
0x225: {  	s10 =	simm.s32 $0x11000;
	[tilespmem:$0x11000] =	vst v63  }
0x226: {  	[spmem:s12] =	stream.linear.scatter [tilespmem:s10], [sflag:$0x5], $0x100, $0x38;
	[tilespmem:$0x1B310] =	vst v63  }
0x227: {  	s31 =	simm.s32 $0x5;
	s30 =	spop (v2sf)  }
0x228: {  	_ =	swait.ge [sflag:s31], $0x100  }
0x229: {  	[sflag:s31] =	ssyncset.done $0x0  }
0x22a: {  	[sflag:s31] =	ssyncadd.s32 $0xFFFFFF00  }
0x22b: {  	s14 =	simm.s32 $0x0;
	s16 =	simm.s32 $0xFF;
	[bflag:$0x0] =	sbarrier.arrive $0xFFFF  }
0x22c: {  	[tilespmem:s10], [sflag:$0x5] =	stream.linear.gather [spmem:s8], $0x1000, $0x38;
	[tilespmem:$0x1B310] =	vst v63  }
0x22d: {  	s17 =	simm.s32 $0x0;
	s18 =	simm.s32 $0x0;
	_ =	swait.ge [sflag:s31], $0x1000  }
0x22e: {  	s12 =	ssub.s32 s13, s30;
	s13 =	simm.s32 $0x11FF0;
	[sflag:s31] =	ssyncset.done $0x0  }
0x22f: {  	s10 =	ssub.s32 $0x4000, s12;
	s8 =	simm.s32 $0xFFFFFFFF;
	[sflag:s31] =	ssyncadd.s32 $0xFFFFF000  }
.LBB2_21:
0x230: {  	v0 =	vld [tilespmem:s13+$0x0];
	_ =	sdelay $0x4  }
0x231: {  	(xrf0) =	vadd.scan.msk.s32 $0xffff, v0;
	_ =	sdelay $0x5  }
0x232: {  	v0, _, _ =	vpop (xrf0)  }
0x233: {  	(v2sf) =	vpush v0, $0xF;
	_ =	sdelay $0xe  }
0x234: {  	s19 =	spop (v2sf)  }
0x235: {  	s19 =	sadd.s32 s17, s19  }
0x236: {  	s20 =	smov.u32 s8;
	s8 =	smov.u32 s16;
	p0 =	slt.s32 s19, s10  }
0x237: {  	p1 =	sgt.u32 s18, $0xFE;
	s8 =	smov.u32 @p0 s20  }
0x238: {  	p2 =	slt.s32 @!p1 s8, $0x0  }
0x239: {  	p1 =	por p1, !p2  }
.Ltmp10:
0x23a: {  	_ = 	snop;
	(pc) =	sbr.rel @!p1 .LBB2_21-.Ltmp10, $4  }
0x23b: {  	_ = 	snop  }
0x23c: {  	s16 =	sadd.s32 $0xFFFFFFFF, s16  }
0x23d: {  	s18 =	sadd.s32 $0x1, s18;
	s20 =	smov.u32 s14;
	s14 =	smov.u32 s17  }
0x23e: {  	s13 =	sadd.s32 $0xFFFFFFF0, s13;
	s17 =	smov.u32 s19;
	s14 =	smov.u32 @p0 s20  }
0x23f: {  	s8 =	sshll.u32 s8, $0x4;
	s13 =	simm.s32 $0x10020;
	v1 =	vimm.s32 $0x0  }
0x240: {  	v0 =	vld [tilespmem:s8+$0x11000];
	[tilespmem:s13+$0xFFFFFFE0] =	vst v1  }
0x241: {  	[tilespmem:s13+$0x10] =	vst v1  }
0x242: {  	s16 =	simm.s32 $0x0;
	[tilespmem:s13+$0x0] =	vst v1  }
.LBB2_23:
0x243: {  	s16 =	sadd.s32 $0x4, s16  }
0x244: {  	[tilespmem:s13+$0xFFFFFFF0] =	vst v1;
	s13 =	sadd.s32 $0x40, s13;
	p0 =	slt.u32 s16, $0xFC  }
.Ltmp11:
0x245: {  	[tilespmem:s13+$0xFFFFFFE0] =	vst v1;
	(pc) =	sbr.rel @p0 .LBB2_23-.Ltmp11, $3  }
0x246: {  	_ =	sdelay $0x1  }
0x247: {  	[tilespmem:s13+$0x10] =	vst v1  }
0x248: {  	[tilespmem:s13+$0x0] =	vst v1  }
0x249: {  	(xrf0) =	vadd.scan.msk.s32 $0xffff, v0;
	_ =	sdelay $0x5  }
0x24a: {  	v2, _, _ =	vpop (xrf0)  }
0x24b: {  	(v2sf) =	vpush v2, $0xF;
	_ =	sdelay $0xe  }
0x24c: {  	s16 =	spop (v2sf)  }
0x24d: {  	v0 =	vsub.s32 v0, v2;
	s14 =	sadd.s32 s14, s16  }
0x24e: {  	v0 =	vadd.s32 s14, v0  }
0x24f: {  	vm0 =	vge.s32 v0, s10;
	v0 =	vimm.s32 $0x0  }
0x250: {  	v0 =	vsel vm0, $0x1, v0  }
0x251: {  	(xrf0) =	vadd.scan.msk.s32 $0xffff, v0;
	_ =	sdelay $0x5  }
0x252: {  	v0, _, _ =	vpop (xrf0)  }
0x253: {  	(v2sf) =	vpush v0, $0xF;
	_ =	sdelay $0xe  }
0x254: {  	s28 =	spop (v2sf)  }
0x255: {  	s29 =	sadd.s32 $0xFFFFFFFF, s28  }
0x256: {  	v0 =	vlaneseq.u32;
	v3 =	vmov s29  }
0x257: {  	vm15 =	veq.s32 v3, v0  }
0x258: {  	v2 =	vnsel vm15, $0x0, v2  }
0x259: {  	(xrf0) =	vadd.scan.msk.s32 $0xffff, v2;
	_ =	sdelay $0x5  }
0x25a: {  	p0 =	slt.s32 s15, $0x4000;
	s10 =	smov.u32 s15;
	v2, _, _ =	vpop (xrf0)  }
0x25b: {  	s10 =	simm.s32 @!p0 $0x4000;
	(v2sf) =	vpush v2, $0xF  }
0x25c: {  	s10 =	sadd.s32 $0xF, s10  }
0x25d: {  	s17 =	sand.u32 $0xF, s10  }
0x25e: {  	p1 =	slt.s32 s15, $0xFFFFFFF2;
	s30 =	sshra.s32 s10, $0x1F;
	p6 =	sne.s32 s17, $0x0  }
0x25f: {  	s17 =	sshrl.u32 s30, $0x1C;
	p0 =	por !p1, !p6  }
0x260: {  	s10 =	sadd.s32 s17, s10;
	s17 =	simm.s32 $0x1;
	p0 =	por !p0, !p0  }
0x261: {  	s10 =	sshra.s32 s10, $0x4;
	s17 =	simm.s32 @!p0 $0x0  }
0x262: {  	s10 =	ssub.s32 s10, s17  }
0x263: {  	s17 =	sshrl.u32 s10, $0x1F  }
0x264: {  	s11 =	sshll.u32 s11, $0xC;
	s17 =	sadd.s32 s17, s10  }
0x265: {  	s11 =	sadd.s32 s11, s8;
	s8 =	sand.u32 $0xFFFFFFFE, s17  }
0x266: {  	p0 =	slt.s32 s8, $0x1  }
.Ltmp12:
0x267: {  	_ = 	snop;
	(pc) =	sbr.rel @p0 .LBB2_34-.Ltmp12, $3  }
0x268: {  	_ =	sdelay $0x1  }
0x269: {  	s11 =	sadd.s32 s29, s11;
	s31 =	spop (v2sf)  }
0x26a: {  	[tilespmem:s13+$0xFFFFFFF0] =	vst v1;
	v1 =	vmov s15;
	v2 =	vmov s11;
	s13 =	ssub.s32 s14, s31;
	s14 =	ssub.s32 s10, s8  }
0x26b: {  	p2 =	sgt.s32 s8, $0x2  }
.Ltmp13:
0x26c: {  	_ = 	snop;
	(pc) =	sbr.rel @!p2 .LBB2_26-.Ltmp13, $4  }
0x26d: {  	_ = 	snop  }
0x26e: {  	s18 =	simm.s32 $0x12210  }
0x26f: {  	s17 =	simm.s32 $0x10;
	v8 =	vld [tilespmem:s18+$0xFFFFFFF0]  }
0x270: {  	v3 =	vimm.s32 $0x1;
	s16 =	simm.s32 $0x10000;
	p0 =	por $0x0, $0x0;
	p1 =	por $0x0, $0x0;
	v4 =	vld [tilespmem:s18+$0x0]  }
0x271: {  	_ = 	snop  }
0x272: {  	p2 =	sgt.s32 s8, $0x4  }
.Ltmp14:
0x273: {  	_ = 	snop;
	(pc) =	sbr.rel @!p2 .LBB2_28-.Ltmp14, $4  }
0x274: {  	s18 =	simm.s32 $0x12230;
	s19 =	simm.s32 $0x0  }
0x275: {  	v6 =	vor.u32 s17, v0;
	v7 =	vld [tilespmem:s18+$0xFFFFFFF0];
	v10 =	vor.u32 s19, v0;
	v5 =	vand.u32 $0xFF, v4  }
0x276: {  	vm5 =	vlt.s32 v6, v1;
	v11 =	vshra.s32 v8, $0x8;
	v9 =	vshra.s32 v4, $0x8  }
0x277: {  	p0 =	por $0x1, $0x1;
	vm3 =	vlt.s32 v10, v1;
	v4 =	vld [tilespmem:s18+$0x0];
	vm4 =	veq.s32 v11, v2;
	vm2 =	veq.s32 v9, v2  }
0x278: {  	p2 =	sgt.s32 s8, $0x6  }
.Ltmp15:
0x279: {  	vm1 =	vmand vm5, vm2;
	vm0 =	vmand vm3, vm4;
	(pc) =	sbr.rel @!p2 .LBB2_30-.Ltmp15, $4  }
0x27a: {  	v6 =	vand.u32 $0xFF, v8;
	s18 =	simm.s32 $0x30;
	s20 =	simm.s32 $0x20;
	vm1 =	vmmov vm1  }
0x27b: {  	s19 =	simm.s32 $0x12250;
	v8 =	vor.u32 s18, v0;
	v12 =	vor.u32 s20, v0;
	v13 =	vshra.s32 v7, $0x8  }
0x27c: {  	v9 =	vld [tilespmem:s19+$0xFFFFFFF0];
	vm3 =	vlt.s32 v12, v1;
	vm5 =	vlt.s32 v8, v1;
	v10 =	vshra.s32 v4, $0x8  }
0x27d: {  	p1 =	por $0x1, $0x1;
	s20 =	simm.s32 $0x6;
	vm4 =	veq.s32 v13, v2;
	v11 =	vand.u32 $0xFF, v4;
	v4 =	vld [tilespmem:s19+$0x0];
	vm2 =	veq.s32 v10, v2  }
.LBB2_31:
0x27e: {  	s20 =	sadd.s32 $0x2, s20  }
0x27f: {  	vm2 =	vmand vm5, vm2;
	[tilespmem:v6+s16+$0x0] =	vst.idx.add.s32.msk vm0, v3;
	vm0 =	vmand vm3, vm4;
	p2 =	slt.s32 s20, s8  }
.Ltmp16:
0x280: {  	v6 =	vand.u32 $0xFF, v7;
	[tilespmem:v5+s16+$0x0] =	vst.idx.add.s32.msk vm1, v3;
	v5 =	vmov v11;
	vm1 =	vmmov vm2;
	(pc) =	sbr.rel @p2 .LBB2_31-.Ltmp16, $4  }
0x281: {  	s19 =	sadd.s32 $0x20, s19;
	s18 =	sadd.s32 $0x20, s18;
	v7 =	vmov v9  }
0x282: {  	s21 =	sadd.s32 $0xFFFFFFF0, s18;
	v8 =	vor.u32 s18, v0;
	v9 =	vld [tilespmem:s19+$0xFFFFFFF0];
	v10 =	vshra.s32 v4, $0x8;
	v11 =	vand.u32 $0xFF, v4  }
0x283: {  	v12 =	vor.u32 s21, v0;
	v13 =	vshra.s32 v7, $0x8;
	v4 =	vld [tilespmem:s19+$0x0];
	vm2 =	veq.s32 v10, v2  }
0x284: {  	vm5 =	vlt.s32 v8, v1;
	vm3 =	vlt.s32 v12, v1;
	vm4 =	veq.s32 v13, v2  }
0x285: {  	_ =	sdelay $0x1  }
0x286: {  	v8 =	vmovc v7;
	v10 =	vmov v5;
	v5 =	vmov v11;
	v7 =	vmov v9  }
.LBB2_33:
0x287: {  	s18 =	sadd.s32 @p0 $0x20, s18;
	vm3 =	vmand @p0 vm3, vm4;
	vm2 =	vmand @p0 vm5, vm2;
	v9 =	vshra.s32 v4, $0x8  }
0x288: {  	v8 =	vand.u32 @p0 $0xFF, v8;
	v61 =	vshra.s32 v7, $0x8;
	s17 =	smov.u32 @p0 s18;
	vm14 =	veq.s32 v9, v2  }
0x289: {  	vm2 =	vmmov @p0 vm2;
	vm6 =	veq.s32 v61, v2;
	vm3 =	vmmov @p0 vm3;
	s18 =	sadd.s32 $0xFFFFFFF0, s17  }
0x28a: {  	vm2 =	vmmov @p0 vm2;
	v60 =	vor.u32 s18, v0;
	v0 =	vor.u32 s17, v0  }
0x28b: {  	vm15 =	vlt.s32 v60, v1;
	vm7 =	vlt.s32 v0, v1;
	v0 =	vpsel p0, v8, v0  }
0x28c: {  	vm5 =	vmand vm15, vm6;
	vm4 =	vmand vm7, vm14;
	v5 =	vpsel p0, v5, v0  }
0x28d: {  	v62 =	vand.u32 $0xFF, v7;
	vm4 =	vmmov vm4  }
0x28e: {  	[tilespmem:v6+s16+$0x0] =	vst.idx.add.s32.msk @p1 vm0, v3;
	v63 =	vand.u32 $0xFF, v4  }
0x28f: {  	[tilespmem:v10+s16+$0x0] =	vst.idx.add.s32.msk @p1 vm1, v3  }
0x290: {  	[tilespmem:v0+s16+$0x0] =	vst.idx.add.s32.msk @p0 vm3, v3  }
0x291: {  	[tilespmem:v5+s16+$0x0] =	vst.idx.add.s32.msk @p0 vm2, v3  }
0x292: {  	[tilespmem:v62+s16+$0x0] =	vst.idx.add.s32.msk vm5, v3  }
0x293: {  	[tilespmem:v63+s16+$0x0] =	vst.idx.add.s32.msk vm4, v3  }
.LBB2_34:
0x294: {  	p0 =	slt.s32 s14, $0x1  }
0x295: {  	s8 =	sshll.u32 @!p0 s8, $0x4  }
0x296: {  	v0 =	vld @!p0 [tilespmem:s8+$0x12200];
	_ =	sdelay $0x3  }
0x297: {  	v3 =	vlaneseq.u32 @!p0  }
0x298: {  	v3 =	vor.u32 @!p0 s8, v3;
	v4 =	vshra.s32 @!p0 v0, $0x8  }
0x299: {  	vm0 =	vlt.s32 @!p0 v3, s15;
	vm1 =	veq.s32 @!p0 v4, s11  }
0x29a: {  	vm0 =	vmand @!p0 vm0, vm1  }
0x29b: {  	v3 =	vand.u32 @!p0 $0xFF, v0;
	_ =	sdelay $0x3  }
0x29c: {  	s14 =	simm.s32 @!p0 $0x10000;
	v4 =	vimm.s32 @!p0 $0x1  }
0x29d: {  	[tilespmem:v3+s14+$0x0] =	vst.idx.add.s32.msk @!p0 vm0, v4;
	p0 =	slt.s32 s15, $0x3FF1  }
.Ltmp17:
0x29e: {  	_ = 	snop;
	(pc) =	sbr.rel @p0 .LBB2_40-.Ltmp17, $3  }
0x29f: {  	_ =	sdelay $0x1  }
0x2a0: {  	s5 =	sadd.s32 s7, s5;
	s4 =	sadd.s32 s7, s4  }
0x2a1: {  	s8 =	sadd.s32 s7, s3;
	s3 =	sadd.s32 s7, s6;
	s6 =	sadd.s32 s12, s13;
	v0 =	vmov s1  }
0x2a2: {  	s7 =	simm.s32 $0x10020;
	v3 =	vimm.s32 $0x0  }
0x2a3: {  	[tilespmem:s7+$0xFFFFFFE0] =	vst v3  }
0x2a4: {  	[tilespmem:s7+$0x10] =	vst v3  }
0x2a5: {  	s12 =	simm.s32 $0x0;
	[tilespmem:s7+$0x0] =	vst v3  }
.LBB2_36:
0x2a6: {  	s12 =	sadd.s32 $0x4, s12  }
0x2a7: {  	[tilespmem:s7+$0xFFFFFFF0] =	vst v3;
	s7 =	sadd.s32 $0x40, s7;
	p1 =	slt.u32 s12, $0xFC  }
.Ltmp18:
0x2a8: {  	[tilespmem:s7+$0xFFFFFFE0] =	vst v3;
	(pc) =	sbr.rel @p1 .LBB2_36-.Ltmp18, $3  }
0x2a9: {  	_ =	sdelay $0x1  }
0x2aa: {  	[tilespmem:s7+$0x10] =	vst v3  }
0x2ab: {  	[tilespmem:s7+$0x0] =	vst v3  }
0x2ac: {  	[tilespmem:s7+$0xFFFFFFF0] =	vst v3;
	s13 =	simm.s32 $0x20  }
0x2ad: {  	v7 =	vld [tilespmem:s13+$0x10];
	_ =	sdelay $0x3  }
0x2ae: {  	v5 =	vld [tilespmem:s13+$0xFFFFFFF0]  }
0x2af: {  	v4 =	vld [tilespmem:s13+$0x0];
	v6 =	vshra.s32 v7, $0x8  }
0x2b0: {  	vm0 =	veq.s32 v6, v2;
	v6 =	vld [tilespmem:s13+$0xFFFFFFE0];
	_ =	sdelay $0x2  }
0x2b1: {  	v3 =	vimm.s32 $0x1;
	v8 =	vshra.s32 v5, $0x8;
	v5 =	vand.u32 $0xFF, v5  }
0x2b2: {  	s7 =	simm.s32 $0x10000;
	s12 =	simm.s32 $0x0;
	v7 =	vand.u32 $0xFF, v7;
	vm1 =	veq.s32 v8, v2;
	v8 =	vshra.s32 v4, $0x8;
	s13 =	simm.s32 $0x60  }
.LBB2_38:
0x2b3: {  	v9 =	vld [tilespmem:s13+$0x10];
	s12 =	sadd.s32 $0x4, s12;
	v10 =	vshra.s32 v6, $0x8;
	v11 =	vand.u32 $0xFF, v6;
	vm2 =	veq.s32 v8, v2  }
0x2b4: {  	v8 =	vld [tilespmem:s13+$0xFFFFFFF0];
	p1 =	slt.u32 s12, $0xFFC;
	vm3 =	veq.s32 v10, v2;
	v10 =	vand.u32 $0xFF, v4  }
0x2b5: {  	v4 =	vld [tilespmem:s13+$0x0]  }
.Ltmp19:
0x2b6: {  	v6 =	vld [tilespmem:s13+$0xFFFFFFE0];
	(pc) =	sbr.rel @p1 .LBB2_38-.Ltmp19, $4  }
0x2b7: {  	[tilespmem:v7+s7+$0x0] =	vst.idx.add.s32.msk vm0, v3  }
0x2b8: {  	v7 =	vshra.s32 v9, $0x8;
	[tilespmem:v5+s7+$0x0] =	vst.idx.add.s32.msk vm1, v3  }
0x2b9: {  	v12 =	vshra.s32 v8, $0x8;
	v5 =	vand.u32 $0xFF, v8;
	vm0 =	veq.s32 v7, v2;
	[tilespmem:v10+s7+$0x0] =	vst.idx.add.s32.msk vm2, v3  }
0x2ba: {  	s13 =	sadd.s32 $0x40, s13;
	v7 =	vand.u32 $0xFF, v9;
	vm1 =	veq.s32 v12, v2;
	v8 =	vshra.s32 v4, $0x8;
	[tilespmem:v11+s7+$0x0] =	vst.idx.add.s32.msk vm3, v3  }
0x2bb: {  	_ = 	snop  }
0x2bc: {  	v9 =	vshra.s32 v6, $0x8;
	vm2 =	veq.s32 v8, v2  }
0x2bd: {  	vm3 =	veq.s32 v9, v2;
	v2 =	vand.u32 $0xFF, v4  }
0x2be: {  	v63 =	vand.u32 $0xFF, v6;
	_ =	sdelay $0x1  }
0x2bf: {  	[tilespmem:v7+s7+$0x0] =	vst.idx.add.s32.msk vm0, v3  }
0x2c0: {  	[tilespmem:v5+s7+$0x0] =	vst.idx.add.s32.msk vm1, v3  }
0x2c1: {  	[tilespmem:v2+s7+$0x0] =	vst.idx.add.s32.msk vm2, v3  }
0x2c2: {  	[tilespmem:v63+s7+$0x0] =	vst.idx.add.s32.msk vm3, v3  }
.LBB2_40:
0x2c3: {  	s7 =	simm.s32 $0x10000  }
0x2c4: {  	[spmem:s9] =	stream.linear.scatter [tilespmem:s7], [sflag:$0x5], $0x100, $0x38;
	[tilespmem:$0x1B310] =	vst v63  }
0x2c5: {  	s7 =	simm.s32 $0x5  }
0x2c6: {  	_ =	swait.ge [sflag:s7], $0x100  }
0x2c7: {  	[sflag:s7] =	ssyncset.done $0x0  }
0x2c8: {  	[sflag:s7] =	ssyncadd.s32 $0xFFFFFF00  }
0x2c9: {  	s19 =	simm.s32 $0x11000;
	[bflag:$0x0] =	sbarrier.arrive $0xFFFF  }
0x2ca: {  	[tilespmem:s19], [sflag:$0x5] =	stream.linear.gather [spmem:s2], $0x100, $0x38;
	[tilespmem:$0x1B310] =	vst v63  }
0x2cb: {  	_ =	swait.ge [sflag:s7], $0x100  }
0x2cc: {  	[sflag:s7] =	ssyncset.done $0x0  }
0x2cd: {  	s20 =	sadd.s32 $0x1000, s2;
	s12 =	simm.s32 $0x11100;
	[sflag:s7] =	ssyncadd.s32 $0xFFFFFF00  }
0x2ce: {  	[tilespmem:s12], [sflag:$0x5] =	stream.linear.gather [spmem:s20], $0x100, $0x38;
	[tilespmem:$0x1B310] =	vst v63  }
0x2cf: {  	_ =	swait.ge [sflag:s7], $0x100  }
0x2d0: {  	[sflag:s7] =	ssyncset.done $0x0  }
0x2d1: {  	s21 =	sadd.s32 $0x2000, s2;
	s22 =	simm.s32 $0x11200;
	[sflag:s7] =	ssyncadd.s32 $0xFFFFFF00  }
0x2d2: {  	[tilespmem:s22], [sflag:$0x5] =	stream.linear.gather [spmem:s21], $0x100, $0x38;
	[tilespmem:$0x1B310] =	vst v63  }
0x2d3: {  	_ =	swait.ge [sflag:s7], $0x100  }
0x2d4: {  	[sflag:s7] =	ssyncset.done $0x0  }
0x2d5: {  	s23 =	sadd.s32 $0x3000, s2;
	s24 =	simm.s32 $0x11300;
	[sflag:s7] =	ssyncadd.s32 $0xFFFFFF00  }
0x2d6: {  	[tilespmem:s24], [sflag:$0x5] =	stream.linear.gather [spmem:s23], $0x100, $0x38;
	[tilespmem:$0x1B310] =	vst v63  }
0x2d7: {  	_ =	swait.ge [sflag:s7], $0x100  }
0x2d8: {  	[sflag:s7] =	ssyncset.done $0x0  }
0x2d9: {  	s25 =	sadd.s32 $0x4000, s2;
	s26 =	simm.s32 $0x11400;
	[sflag:s7] =	ssyncadd.s32 $0xFFFFFF00  }
0x2da: {  	[tilespmem:s26], [sflag:$0x5] =	stream.linear.gather [spmem:s25], $0x100, $0x38;
	[tilespmem:$0x1B310] =	vst v63  }
0x2db: {  	_ =	swait.ge [sflag:s7], $0x100  }
0x2dc: {  	[sflag:s7] =	ssyncset.done $0x0  }
0x2dd: {  	s28 =	sadd.s32 $0x5000, s2;
	s29 =	simm.s32 $0x11500;
	[sflag:s7] =	ssyncadd.s32 $0xFFFFFF00  }
0x2de: {  	[tilespmem:s29], [sflag:$0x5] =	stream.linear.gather [spmem:s28], $0x100, $0x38;
	[tilespmem:$0x1B310] =	vst v63  }
0x2df: {  	_ =	swait.ge [sflag:s7], $0x100  }
0x2e0: {  	[sflag:s7] =	ssyncset.done $0x0  }
0x2e1: {  	s30 =	sadd.s32 $0x6000, s2;
	s31 =	simm.s32 $0x11600;
	[sflag:s7] =	ssyncadd.s32 $0xFFFFFF00  }
0x2e2: {  	[tilespmem:s31], [sflag:$0x5] =	stream.linear.gather [spmem:s30], $0x100, $0x38;
	[tilespmem:$0x1B310] =	vst v63  }
0x2e3: {  	_ =	swait.ge [sflag:s7], $0x100  }
0x2e4: {  	[sflag:s7] =	ssyncset.done $0x0  }
0x2e5: {  	s13 =	sadd.s32 $0x7000, s2;
	s14 =	simm.s32 $0x11700;
	[sflag:s7] =	ssyncadd.s32 $0xFFFFFF00  }
0x2e6: {  	[tilespmem:s14], [sflag:$0x5] =	stream.linear.gather [spmem:s13], $0x100, $0x38;
	[tilespmem:$0x1B310] =	vst v63  }
0x2e7: {  	_ =	swait.ge [sflag:s7], $0x100  }
0x2e8: {  	[sflag:s7] =	ssyncset.done $0x0  }
0x2e9: {  	s15 =	sadd.s32 $0x8000, s2;
	s16 =	simm.s32 $0x11800;
	[sflag:s7] =	ssyncadd.s32 $0xFFFFFF00  }
0x2ea: {  	[tilespmem:s16], [sflag:$0x5] =	stream.linear.gather [spmem:s15], $0x100, $0x38;
	[tilespmem:$0x1B310] =	vst v63  }
0x2eb: {  	_ =	swait.ge [sflag:s7], $0x100  }
0x2ec: {  	[sflag:s7] =	ssyncset.done $0x0  }
0x2ed: {  	s17 =	sadd.s32 $0x9000, s2;
	s18 =	simm.s32 $0x11900;
	[sflag:s7] =	ssyncadd.s32 $0xFFFFFF00  }
0x2ee: {  	[tilespmem:s18], [sflag:$0x5] =	stream.linear.gather [spmem:s17], $0x100, $0x38;
	[tilespmem:$0x1B310] =	vst v63  }
0x2ef: {  	_ =	swait.ge [sflag:s7], $0x100  }
0x2f0: {  	[sflag:s7] =	ssyncset.done $0x0  }
0x2f1: {  	s19 =	sadd.s32 $0xA000, s2;
	s20 =	simm.s32 $0x11A00;
	[sflag:s7] =	ssyncadd.s32 $0xFFFFFF00  }
0x2f2: {  	[tilespmem:s20], [sflag:$0x5] =	stream.linear.gather [spmem:s19], $0x100, $0x38;
	[tilespmem:$0x1B310] =	vst v63  }
0x2f3: {  	_ =	swait.ge [sflag:s7], $0x100  }
0x2f4: {  	[sflag:s7] =	ssyncset.done $0x0  }
0x2f5: {  	s21 =	sadd.s32 $0xB000, s2;
	s22 =	simm.s32 $0x11B00;
	[sflag:s7] =	ssyncadd.s32 $0xFFFFFF00  }
0x2f6: {  	[tilespmem:s22], [sflag:$0x5] =	stream.linear.gather [spmem:s21], $0x100, $0x38;
	[tilespmem:$0x1B310] =	vst v63  }
0x2f7: {  	_ =	swait.ge [sflag:s7], $0x100  }
0x2f8: {  	[sflag:s7] =	ssyncset.done $0x0  }
0x2f9: {  	s23 =	sadd.s32 $0xC000, s2;
	s24 =	simm.s32 $0x11C00;
	[sflag:s7] =	ssyncadd.s32 $0xFFFFFF00  }
0x2fa: {  	[tilespmem:s24], [sflag:$0x5] =	stream.linear.gather [spmem:s23], $0x100, $0x38;
	[tilespmem:$0x1B310] =	vst v63  }
0x2fb: {  	_ =	swait.ge [sflag:s7], $0x100  }
0x2fc: {  	[sflag:s7] =	ssyncset.done $0x0  }
0x2fd: {  	s25 =	sadd.s32 $0xD000, s2;
	s26 =	simm.s32 $0x11D00;
	[sflag:s7] =	ssyncadd.s32 $0xFFFFFF00  }
0x2fe: {  	[tilespmem:s26], [sflag:$0x5] =	stream.linear.gather [spmem:s25], $0x100, $0x38;
	[tilespmem:$0x1B310] =	vst v63  }
0x2ff: {  	_ =	swait.ge [sflag:s7], $0x100  }
0x300: {  	[sflag:s7] =	ssyncset.done $0x0  }
0x301: {  	s28 =	sadd.s32 $0xE000, s2;
	s29 =	simm.s32 $0x11E00;
	[sflag:s7] =	ssyncadd.s32 $0xFFFFFF00  }
0x302: {  	[tilespmem:s29], [sflag:$0x5] =	stream.linear.gather [spmem:s28], $0x100, $0x38;
	[tilespmem:$0x1B310] =	vst v63  }
0x303: {  	_ =	swait.ge [sflag:s7], $0x100  }
0x304: {  	[sflag:s7] =	ssyncset.done $0x0  }
0x305: {  	s30 =	sadd.s32 $0xF000, s2;
	s31 =	simm.s32 $0x11F00;
	[sflag:s7] =	ssyncadd.s32 $0xFFFFFF00  }
0x306: {  	[tilespmem:s31], [sflag:$0x5] =	stream.linear.gather [spmem:s30], $0x100, $0x38;
	[tilespmem:$0x1B310] =	vst v63  }
0x307: {  	_ =	swait.ge [sflag:s7], $0x100  }
0x308: {  	[sflag:s7] =	ssyncset.done $0x0  }
0x309: {  	s2 =	simm.s32 $0x0;
	[sflag:s7] =	ssyncadd.s32 $0xFFFFFF00  }
0x30a: {  	v2 =	vld [tilespmem:s2+$0x11000]  }
0x30b: {  	v3 =	vld [tilespmem:s2+$0x11100]  }
0x30c: {  	v4 =	vld [tilespmem:s2+$0x11200]  }
0x30d: {  	v5 =	vld [tilespmem:s2+$0x11300]  }
0x30e: {  	v6 =	vld [tilespmem:s2+$0x11400]  }
0x30f: {  	v7 =	vld [tilespmem:s2+$0x11500]  }
0x310: {  	v2 =	vadd.s32 v2, v3;
	v3 =	vld [tilespmem:s2+$0x11600]  }
0x311: {  	v2 =	vadd.s32 v2, v4;
	v4 =	vld [tilespmem:s2+$0x11700]  }
0x312: {  	v2 =	vadd.s32 v2, v5;
	v5 =	vld [tilespmem:s2+$0x11800]  }
0x313: {  	v2 =	vadd.s32 v2, v6;
	v6 =	vld [tilespmem:s2+$0x11900]  }
0x314: {  	v2 =	vadd.s32 v2, v7;
	v7 =	vld [tilespmem:s2+$0x11A00]  }
0x315: {  	v8 =	vld [tilespmem:s2+$0x11B00];
	v2 =	vadd.s32 v2, v3  }
0x316: {  	v3 =	vld [tilespmem:s2+$0x11C00];
	v2 =	vadd.s32 v2, v4  }
0x317: {  	v4 =	vld [tilespmem:s2+$0x11D00];
	v2 =	vadd.s32 v2, v5  }
0x318: {  	v5 =	vld [tilespmem:s2+$0x11E00];
	v2 =	vadd.s32 v2, v6  }
0x319: {  	s7 =	simm.s32 $0x10;
	v6 =	vld [tilespmem:s2+$0x11F00];
	v7 =	vadd.s32 v2, v7  }
0x31a: {  	s9 =	simm.s32 $0x80;
	v2 =	vld [tilespmem:s7+$0x11000];
	v7 =	vadd.s32 v7, v8  }
.LBB2_41:
0x31b: {  	p1 =	sne.s32 s9, $0x3C0;
	v8 =	vld [tilespmem:s7+$0x11100];
	v3 =	vadd.s32 v7, v3  }
0x31c: {  	v7 =	vld [tilespmem:s7+$0x11200];
	v3 =	vadd.s32 v3, v4  }
0x31d: {  	v4 =	vld [tilespmem:s7+$0x11300];
	v3 =	vadd.s32 v3, v5  }
0x31e: {  	v5 =	vld [tilespmem:s7+$0x11400];
	v3 =	vadd.s32 v3, v6  }
0x31f: {  	v6 =	vld [tilespmem:s7+$0x11500];
	[tilespmem:s2+$0x12100] =	vst v3;
	s2 =	smov.u32 s7  }
0x320: {  	v2 =	vadd.s32 v2, v8;
	v3 =	vld [tilespmem:s2+$0x11600]  }
0x321: {  	v2 =	vadd.s32 v2, v7;
	v7 =	vld [tilespmem:s2+$0x11700]  }
0x322: {  	v2 =	vadd.s32 v2, v4;
	v4 =	vld [tilespmem:s2+$0x11800]  }
0x323: {  	v2 =	vadd.s32 v2, v5;
	v5 =	vld [tilespmem:s2+$0x11900]  }
0x324: {  	v2 =	vadd.s32 v2, v6;
	v6 =	vld [tilespmem:s2+$0x11A00]  }
0x325: {  	v2 =	vadd.s32 v2, v3;
	v8 =	vld [tilespmem:s2+$0x11B00]  }
.Ltmp20:
0x326: {  	v2 =	vadd.s32 v2, v7;
	v3 =	vld [tilespmem:s2+$0x11C00];
	(pc) =	sbr.rel @p1 .LBB2_41-.Ltmp20, $4  }
0x327: {  	v2 =	vadd.s32 v2, v4;
	v4 =	vld [tilespmem:s2+$0x11D00]  }
0x328: {  	v2 =	vadd.s32 v2, v5;
	v5 =	vld [tilespmem:s2+$0x11E00]  }
0x329: {  	s7 =	sshra.s32 s9, $0x2;
	v7 =	vadd.s32 v2, v6;
	v6 =	vld [tilespmem:s2+$0x11F00]  }
0x32a: {  	s9 =	sadd.s32 $0x40, s9;
	v2 =	vld [tilespmem:s7+$0x11000];
	v7 =	vadd.s32 v7, v8  }
0x32b: {  	v8 =	vld [tilespmem:s7+$0x11100];
	v3 =	vadd.s32 v7, v3  }
0x32c: {  	v52 =	vld [tilespmem:s7+$0x11200];
	v3 =	vadd.s32 v3, v4  }
0x32d: {  	v53 =	vld [tilespmem:s7+$0x11300];
	v3 =	vadd.s32 v3, v5  }
0x32e: {  	v54 =	vld [tilespmem:s7+$0x11400];
	v3 =	vadd.s32 v3, v6  }
0x32f: {  	v55 =	vld [tilespmem:s7+$0x11500];
	[tilespmem:s2+$0x12100] =	vst v3  }
0x330: {  	v2 =	vadd.s32 v2, v8;
	v3 =	vld [tilespmem:s7+$0x11600]  }
0x331: {  	v56 =	vld [tilespmem:s7+$0x11700];
	v2 =	vadd.s32 v2, v52  }
0x332: {  	v57 =	vld [tilespmem:s7+$0x11800];
	v2 =	vadd.s32 v2, v53  }
0x333: {  	v58 =	vld [tilespmem:s7+$0x11900];
	v2 =	vadd.s32 v2, v54  }
0x334: {  	v59 =	vld [tilespmem:s7+$0x11A00];
	v2 =	vadd.s32 v2, v55  }
0x335: {  	v2 =	vadd.s32 v2, v3;
	v3 =	vld [tilespmem:s7+$0x11B00]  }
0x336: {  	v60 =	vld [tilespmem:s7+$0x11C00];
	v2 =	vadd.s32 v2, v56  }
0x337: {  	v61 =	vld [tilespmem:s7+$0x11D00];
	v2 =	vadd.s32 v2, v57  }
0x338: {  	v62 =	vld [tilespmem:s7+$0x11E00];
	v2 =	vadd.s32 v2, v58  }
0x339: {  	v63 =	vld [tilespmem:s7+$0x11F00];
	v2 =	vadd.s32 v2, v59  }
0x33a: {  	v2 =	vadd.s32 v2, v3  }
0x33b: {  	v2 =	vadd.s32 v2, v60  }
0x33c: {  	v2 =	vadd.s32 v2, v61  }
0x33d: {  	s12 =	simm.s32 $0xFFFFFFFF;
	v2 =	vadd.s32 v2, v62  }
0x33e: {  	s9 =	simm.s32 $0x0;
	s13 =	simm.s32 $0x121F0;
	s14 =	simm.s32 $0x0;
	v2 =	vadd.s32 v2, v63  }
0x33f: {  	s15 =	simm.s32 $0x0;
	s2 =	ssub.s32 $0x4000, s6;
	[tilespmem:s7+$0x12100] =	vst v2;
	s7 =	simm.s32 $0xF  }
.LBB2_43:
0x340: {  	v2 =	vld [tilespmem:s13+$0x0];
	_ =	sdelay $0x4  }
0x341: {  	(xrf0) =	vadd.scan.msk.s32 $0xffff, v2;
	_ =	sdelay $0x5  }
0x342: {  	v2, _, _ =	vpop (xrf0)  }
0x343: {  	(v2sf) =	vpush v2, $0xF;
	_ =	sdelay $0xe  }
0x344: {  	s16 =	spop (v2sf)  }
0x345: {  	s16 =	sadd.s32 s14, s16  }
0x346: {  	s17 =	smov.u32 s12;
	s12 =	smov.u32 s7;
	p1 =	slt.s32 s16, s2  }
0x347: {  	p2 =	sgt.u32 s15, $0xE;
	s12 =	smov.u32 @p1 s17  }
0x348: {  	p3 =	slt.s32 @!p2 s12, $0x0  }
0x349: {  	p2 =	por p2, !p3  }
.Ltmp21:
0x34a: {  	_ = 	snop;
	(pc) =	sbr.rel @!p2 .LBB2_43-.Ltmp21, $4  }
0x34b: {  	_ = 	snop  }
0x34c: {  	s7 =	sadd.s32 $0xFFFFFFFF, s7  }
0x34d: {  	s15 =	sadd.s32 $0x1, s15;
	s17 =	smov.u32 s9;
	s9 =	smov.u32 s14  }
0x34e: {  	s13 =	sadd.s32 $0xFFFFFFF0, s13;
	s14 =	smov.u32 s16;
	s9 =	smov.u32 @p1 s17  }
0x34f: {  	s7 =	sshll.u32 s12, $0x4  }
0x350: {  	v2 =	vld [tilespmem:s7+$0x12100];
	_ =	sdelay $0x4  }
0x351: {  	(xrf0) =	vadd.scan.msk.s32 $0xffff, v2;
	_ =	sdelay $0x5  }
0x352: {  	v4, _, _ =	vpop (xrf0)  }
0x353: {  	(v2sf) =	vpush v4, $0xF;
	_ =	sdelay $0xe  }
0x354: {  	s25 =	spop (v2sf)  }
0x355: {  	v2 =	vsub.s32 v2, v4;
	s9 =	sadd.s32 s9, s25  }
0x356: {  	v2 =	vadd.s32 s9, v2  }
0x357: {  	vm0 =	vge.s32 v2, s2;
	v2 =	vimm.s32 $0x0  }
0x358: {  	v3 =	vsel vm0, $0x1, v2  }
0x359: {  	(xrf0) =	vadd.scan.msk.s32 $0xffff, v3;
	_ =	sdelay $0x5  }
0x35a: {  	v3, _, _ =	vpop (xrf0)  }
0x35b: {  	(v2sf) =	vpush v3, $0xF;
	_ =	sdelay $0xe  }
0x35c: {  	v3 =	vlaneseq.u32;
	s26 =	spop (v2sf)  }
0x35d: {  	v5 =	vmul.u32 $0x100, v3;
	s2 =	sadd.s32 $0xFFFFFFFF, s26  }
0x35e: {  	s7 =	sadd.s32 s7, s2  }
0x35f: {  	v5 =	vadd.s32 s7, v5;
	_ =	sdelay $0x3  }
0x360: {  	s28 =	simm.s32 $0x11000  }
0x361: {  	v5 =	vld.idx.msk [tilespmem:v5+s28+$0x0], $0xffff;
	_ =	sdelay $0x1  }
0x362: {  	v6 =	vmov s2  }
0x363: {  	vm13 =	veq.s32 v6, v3  }
0x364: {  	vm14 =	vgt.u32 v0, v3;
	v4 =	vnsel vm13, $0x0, v4  }
0x365: {  	(xrf0) =	vadd.scan.msk.s32 $0xffff, v4;
	v4 =	vnsel vm14, $0x0, v5  }
0x366: {  	(xrf0) =	vadd.scan.msk.s32 $0xffff, v4;
	_ =	sdelay $0x1  }
0x367: {  	vm15 =	veq.s32 v0, v3  }
0x368: {  	v0 =	vnsel vm15, $0x0, v5;
	_ =	sdelay $0x1  }
0x369: {  	v4, _, _ =	vpop (xrf0);
	(xrf0) =	vadd.scan.msk.s32 $0xffff, v0  }
0x36a: {  	(v2sf) =	vpush v4, $0xF;
	v0, _, _ =	vpop (xrf0)  }
0x36b: {  	(v2sf) =	vpush v0, $0xF;
	_ =	sdelay $0x3  }
0x36c: {  	v0, _, _ =	vpop (xrf0)  }
0x36d: {  	(v2sf) =	vpush v0, $0xF;
	_ =	sdelay $0x8  }
0x36e: {  	s29 =	spop (v2sf)  }
0x36f: {  	s6 =	sadd.s32 s9, s6;
	s30 =	spop (v2sf)  }
0x370: {  	s6 =	sadd.s32 s30, s6  }
0x371: {  	p2 =	slt.s32 s10, $0x1;
	s2 =	ssub.s32 s29, s6  }
.Ltmp22:
0x372: {  	s2 =	sadd.s32 $0x4000, s2;
	(pc) =	sbr.rel @p2 .LBB2_45-.Ltmp22, $4  }
0x373: {  	p1 =	sgt.s32 s2, $0x0  }
0x374: {  	s31 =	sshll.u32 s11, $0x8;
	s9 =	spop (v2sf);
	s2 =	simm.s32 @!p1 $0x0  }
0x375: {  	s6 =	sadd.s32 s31, s7;
	p1 =	slt.s32 s9, s2  }
0x376: {  	v0 =	vmov s6;
	s2 =	smov.u32 @p1 s9  }
0x377: {  	p2 =	sne.s32 s10, $0x1  }
.Ltmp23:
0x378: {  	_ = 	snop;
	(pc) =	sbr.rel @!p2 .LBB2_47-.Ltmp23, $3  }
0x379: {  	_ =	sdelay $0x1  }
0x37a: {  	s11 =	simm.s32 $0x12200;
	s9 =	simm.s32 $0x16200  }
0x37b: {  	v4 =	vmov s2;
	s7 =	simm.s32 $0x0;
	s10 =	sadd.s32 $0xFFFFFFFF, s10;
	p1 =	por $0x0, $0x0;
	v5 =	vld [tilespmem:s11+$0x0]  }
0x37c: {  	_ =	sdelay $0x2  }
0x37d: {  	v6 =	vor.u32 s7, v3  }
0x37e: {  	vm0 =	vlt.s32 v6, v1;
	vm1 =	veq.s32 v5, v0  }
0x37f: {  	vm0 =	vmand vm0, vm1  }
0x380: {  	v5 =	vsel vm0, $0x1, v2  }
0x381: {  	(xrf0) =	vadd.scan.msk.s32 $0xffff, v5;
	_ =	sdelay $0x4  }
0x382: {  	v5 =	vld [tilespmem:s9+$0x0]  }
0x383: {  	v6, _, _ =	vpop (xrf0)  }
0x384: {  	v7 =	vadd.s32 s7, v6;
	(v2sf) =	vpush v6, $0xF  }
0x385: {  	vm15 =	vle.s32 v7, v4  }
0x386: {  	p2 =	sne.s32 s10, $0x1;
	vm0 =	vmand vm0, vm15  }
.Ltmp24:
0x387: {  	[tilespmem:s7+$0x16200] =	vst.msk vm0, v5;
	v5 =	vsel vm0, $0x1, v2;
	(pc) =	sbr.rel @!p2 .LBB2_49-.Ltmp24, $4  }
0x388: {  	(xrf0) =	vadd.scan.msk.s32 $0xffff, v5  }
0x389: {  	s14 =	simm.s32 $0x12210  }
0x38a: {  	s15 =	sadd.s32 $0xFFFFFFFF, s10;
	p1 =	por $0x1, $0x1;
	s13 =	simm.s32 $0x0  }
0x38b: {  	s12 =	simm.s32 $0x0;
	s11 =	simm.s32 $0x16200;
	s10 =	simm.s32 $0x0;
	v5 =	vld [tilespmem:s14+$0x0]  }
.LBB2_50:
0x38c: {  	p2 =	sne.s32 s15, $0x1;
	_ =	sdelay $0x1  }
0x38d: {  	s13 =	sadd.s32 $0x10, s13;
	v6, _, _ =	vpop (xrf0)  }
0x38e: {  	v7 =	vor.u32 s13, v3;
	(v2sf) =	vpush v6, $0xF  }
0x38f: {  	vm0 =	vlt.s32 v7, v1;
	vm1 =	veq.s32 v5, v0  }
0x390: {  	vm0 =	vmand vm0, vm1  }
0x391: {  	v5 =	vsel vm0, $0x1, v2  }
0x392: {  	(xrf0) =	vadd.scan.msk.s32 $0xffff, v5;
	s16 =	spop (v2sf)  }
0x393: {  	s12 =	sadd.s32 s12, s16;
	_ =	sdelay $0x4  }
0x394: {  	v5, _, _ =	vpop (xrf0)  }
0x395: {  	s11 =	sadd.s32 $0x10, s11;
	v6 =	vadd.s32 s12, v5;
	(v2sf) =	vpush v5, $0xF  }
0x396: {  	v5 =	vld [tilespmem:s11+$0x0];
	vm1 =	vle.s32 v6, v4  }
0x397: {  	vm0 =	vmand vm0, vm1  }
.Ltmp25:
0x398: {  	v6 =	vsel vm0, $0x1, v2;
	(pc) =	sbr.rel @p2 .LBB2_50-.Ltmp25, $4  }
0x399: {  	(xrf0) =	vadd.scan.msk.s32 $0xffff, v6;
	s16 =	spop (v2sf)  }
0x39a: {  	s10 =	sadd.s32 s10, s16  }
0x39b: {  	s14 =	sadd.s32 $0x10, s14;
	[tilespmem:s10+$0x16200] =	vst.msk vm0, v5  }
0x39c: {  	s15 =	sadd.s32 $0xFFFFFFFF, s15;
	v5 =	vld [tilespmem:s14+$0x0]  }
.LBB2_51:
0x39d: {  	_ = 	snop  }
0x39e: {  	s13 =	sadd.s32 @p1 $0x10, s13;
	s14 =	simm.s32 $0x0  }
0x39f: {  	s14 =	smov.u32 @p1 s13  }
0x3a0: {  	v3 =	vor.u32 s14, v3  }
0x3a1: {  	vm0 =	vlt.s32 v3, v1;
	vm1 =	veq.s32 v5, v0  }
0x3a2: {  	vm0 =	vmand vm0, vm1  }
0x3a3: {  	v1 =	vsel vm0, $0x1, v2  }
0x3a4: {  	(xrf0) =	vadd.scan.msk.s32 $0xffff, v1;
	_ =	sdelay $0x3  }
0x3a5: {  	s13 =	spop @p1 (v2sf)  }
0x3a6: {  	s12 =	sadd.s32 @p1 s12, s13;
	s13 =	simm.s32 $0x0;
	v1, _, _ =	vpop @p1 (xrf0)  }
0x3a7: {  	s13 =	smov.u32 @p1 s12;
	v3, _, _ =	vpop (xrf0)  }
0x3a8: {  	v63 =	vadd.s32 s13, v3  }
0x3a9: {  	vm15 =	vle.s32 v63, v4  }
0x3aa: {  	vm0 =	vmand vm0, vm15  }
0x3ab: {  	v2 =	vsel vm0, $0x1, v2  }
0x3ac: {  	(xrf0) =	vadd.scan.msk.s32 $0xffff, v2;
	_ =	sdelay $0x4  }
0x3ad: {  	(v2sf) =	vpush @p1 v1, $0xF  }
0x3ae: {  	(v2sf) =	vpush v3, $0xF;
	v1, _, _ =	vpop (xrf0)  }
0x3af: {  	(v2sf) =	vpush v1, $0xF;
	_ =	sdelay $0x8  }
0x3b0: {  	s11 =	sadd.s32 @p1 $0x10, s11  }
0x3b1: {  	s9 =	smov.u32 @p1 s11  }
0x3b2: {  	v1 =	vld [tilespmem:s9+$0x0]  }
.Ltmp26:
0x3b3: {  	_ = 	snop;
	(pc) =	sbr.rel .LBB2_52-.Ltmp26, $4  }
0x3b4: {  	s9 =	spop @p1 (v2sf)  }
0x3b5: {  	s9 =	sadd.s32 @p1 s10, s9;
	s30 =	spop (v2sf)  }
0x3b6: {  	s7 =	smov.u32 @p1 s9;
	s31 =	spop (v2sf)  }
0x3b7: {  	[tilespmem:s7+$0x16200] =	vst.msk vm0, v1;
	s7 =	sadd.s32 s7, s31  }
.LBB2_45:
0x3b8: {  	s7 =	simm.s32 $0x0  }
.LBB2_52:
.Ltmp27:
0x3b9: {  	(pc) =	sbr.rel @p0 .LBB2_58-.Ltmp27, $1  }
0x3ba: {  	_ =	sdelay $0x3  }
0x3bb: {  	p0 =	slt.s32 s2, $0x1  }
.Ltmp28:
0x3bc: {  	_ = 	snop;
	(pc) =	sbr.rel @p0 .LBB2_57-.Ltmp28, $2  }
0x3bd: {  	_ =	sdelay $0x2  }
0x3be: {  	s7 =	simm.s32 $0x0  }
0x3bf: {  	s9 =	simm.s32 $0x0  }
0x3c0: {  	v1 =	vmov s2;
	v2 =	vimm.s32 $0x0;
	v3 =	vlaneseq.u32;
	s10 =	simm.s32 $0x0;
	s11 =	simm.s32 $0x0;
	s12 =	simm.s32 $0x0  }
.LBB2_55:
0x3c1: {  	v4 =	vld [tilespmem:s10+$0x0];
	_ =	sdelay $0x4  }
0x3c2: {  	vm0 =	veq.s32 v4, v0  }
0x3c3: {  	v4 =	vsel vm0, $0x1, v2  }
0x3c4: {  	(xrf0) =	vadd.scan.msk.s32 $0xffff, v4;
	_ =	sdelay $0x5  }
0x3c5: {  	v4, _, _ =	vpop (xrf0)  }
0x3c6: {  	v5 =	vadd.s32 s11, v4  }
0x3c7: {  	vm1 =	vle.s32 v5, v1  }
0x3c8: {  	vm0 =	vmand vm0, vm1  }
0x3c9: {  	v5 =	vsel vm0, $0x1, v2  }
0x3ca: {  	(xrf0) =	vadd.scan.msk.s32 $0xffff, v5;
	_ =	sdelay $0x5  }
0x3cb: {  	v5, _, _ =	vpop (xrf0)  }
0x3cc: {  	(v2sf) =	vpush v5, $0xF;
	_ =	sdelay $0x6  }
0x3cd: {  	(v2sf) =	vpush v4, $0xF;
	_ =	sdelay $0x7  }
0x3ce: {  	v4 =	vor.u32 s9, v3;
	s13 =	spop (v2sf)  }
0x3cf: {  	p0 =	sgt.u32 s12, $0xFFE;
	[tilespmem:s7+$0x16200] =	vst.msk vm0, v4;
	s7 =	sadd.s32 s7, s13  }
0x3d0: {  	p1 =	slt.s32 @!p0 s7, s2  }
0x3d1: {  	p1 =	por p0, !p1  }
.Ltmp29:
0x3d2: {  	_ = 	snop;
	(pc) =	sbr.rel @!p1 .LBB2_55-.Ltmp29, $3  }
0x3d3: {  	_ =	sdelay $0x1  }
0x3d4: {  	s12 =	sadd.s32 $0x1, s12;
	s31 =	spop (v2sf)  }
0x3d5: {  	s10 =	sadd.s32 $0x10, s10;
	s9 =	sadd.s32 $0x10, s9;
	s11 =	sadd.s32 s11, s31  }
0x3d6: {  	s7 =	smov.u32 @p0 s7  }
.LBB2_57:
0x3d7: {  	[smem:$0x0] =	sst s7  }
.LBB2_58:
0x3d8: {  	s9 =	simm.s32 $0x20  }
0x3d9: {  	v2 =	vld [tilespmem:s9+$0x10]  }
0x3da: {  	v3 =	vld [tilespmem:s9+$0xFFFFFFF0]  }
0x3db: {  	v5 =	vld [tilespmem:s9+$0x0]  }
0x3dc: {  	v6 =	vld [tilespmem:s9+$0xFFFFFFE0];
	_ =	sdelay $0x1  }
0x3dd: {  	v1 =	vshra.s32 v2, $0x1F  }
0x3de: {  	s2 =	simm.s32 $0x60;
	vm0 =	vgt.s32 v3, v0;
	v7 =	vshra.s32 v3, $0x1F;
	v4 =	vshrl.u32 v1, $0x1  }
0x3df: {  	v8 =	vshra.s32 v5, $0x1F;
	vm1 =	vgt.s32 v2, v0;
	v1 =	vld [tilespmem:s2+$0x10];
	v2 =	vxor.u32 v2, v4  }
0x3e0: {  	v9 =	vshra.s32 v6, $0x1F;
	v7 =	vshrl.u32 v7, $0x1;
	v4 =	vld [tilespmem:s2+$0xFFFFFFF0];
	v2 =	vnsel vm1, $0x0, v2  }
0x3e1: {  	v9 =	vshrl.u32 v9, $0x1;
	v3 =	vxor.u32 v3, v7;
	v7 =	vshrl.u32 v8, $0x1;
	[tilespmem:s9+$0x10] =	vst v2;
	v2 =	vld [tilespmem:s2+$0x0]  }
0x3e2: {  	vm1 =	vgt.s32 v6, v0;
	v6 =	vxor.u32 v6, v9;
	v8 =	vnsel vm0, $0x0, v3;
	v3 =	vld [tilespmem:s2+$0xFFFFFFE0]  }
0x3e3: {  	v7 =	vxor.u32 v5, v7;
	v6 =	vnsel vm1, $0x0, v6;
	vm1 =	vgt.s32 v5, v0  }
0x3e4: {  	[tilespmem:s9+$0xFFFFFFF0] =	vst v8;
	v5 =	vnsel vm1, $0x0, v7;
	v63 =	vshra.s32 v1, $0x1F  }
0x3e5: {  	s10 =	simm.s32 $0x4;
	s11 =	simm.s32 $0xA0;
	[tilespmem:s9+$0xFFFFFFE0] =	vst v6;
	vm0 =	vgt.s32 v4, v0;
	v6 =	vshra.s32 v4, $0x1F;
	v7 =	vshrl.u32 v63, $0x1  }
.LBB2_59:
0x3e6: {  	s10 =	sadd.s32 $0x4, s10;
	v8 =	vshra.s32 v2, $0x1F;
	vm1 =	vgt.s32 v1, v0;
	v7 =	vxor.u32 v1, v7;
	v1 =	vld [tilespmem:s11+$0x10];
	[tilespmem:s9+$0x0] =	vst v5;
	v5 =	vmovc v2;
	s9 =	smov.u32 s2;
	s2 =	smov.u32 s11  }
0x3e7: {  	v6 =	vshrl.u32 v6, $0x1;
	v9 =	vld [tilespmem:s11+$0xFFFFFFF0];
	p0 =	slt.u32 s10, $0x3FC;
	v10 =	vshra.s32 v3, $0x1F;
	v7 =	vnsel vm1, $0x0, v7  }
.Ltmp30:
0x3e8: {  	v4 =	vxor.u32 v4, v6;
	v6 =	vshrl.u32 v8, $0x1;
	v2 =	vld [tilespmem:s11+$0x0];
	v10 =	vshrl.u32 v10, $0x1;
	[tilespmem:s9+$0x10] =	vst v7;
	(pc) =	sbr.rel @p0 .LBB2_59-.Ltmp30, $4  }
0x3e9: {  	vm1 =	vgt.s32 v3, v0;
	v6 =	vxor.u32 v5, v6;
	v7 =	vxor.u32 v3, v10;
	v3 =	vld [tilespmem:s11+$0xFFFFFFE0]  }
0x3ea: {  	v10 =	vnsel vm0, $0x0, v4;
	vm0 =	vgt.s32 v5, v0;
	v7 =	vnsel vm1, $0x0, v7  }
0x3eb: {  	v5 =	vnsel vm0, $0x0, v6;
	v8 =	vshra.s32 v1, $0x1F;
	[tilespmem:s9+$0xFFFFFFE0] =	vst v7  }
0x3ec: {  	s11 =	sadd.s32 $0x40, s11;
	vm0 =	vgt.s32 v9, v0;
	v6 =	vshra.s32 v9, $0x1F;
	v7 =	vshrl.u32 v8, $0x1;
	[tilespmem:s9+$0xFFFFFFF0] =	vst v10;
	v4 =	vmovc v9  }
0x3ed: {  	vm1 =	vgt.s32 v1, v0;
	v1 =	vxor.u32 v1, v7;
	v8 =	vshra.s32 v2, $0x1F  }
0x3ee: {  	v6 =	vshrl.u32 v6, $0x1;
	v62 =	vshra.s32 v3, $0x1F;
	v1 =	vnsel vm1, $0x0, v1  }
0x3ef: {  	[tilespmem:s9+$0x0] =	vst v5;
	s25 =	sadd.s32 $0xF, s7;
	vm14 =	vgt.s32 v3, v0;
	v4 =	vxor.u32 v4, v6;
	v7 =	vshrl.u32 v62, $0x1  }
0x3f0: {  	v63 =	vshrl.u32 v8, $0x1;
	s26 =	sand.u32 $0xF, s25;
	[tilespmem:s2+$0x10] =	vst v1;
	v4 =	vnsel vm0, $0x0, v4;
	v3 =	vxor.u32 v3, v7  }
0x3f1: {  	vm15 =	vgt.s32 v2, v0;
	s10 =	sshra.s32 s25, $0x1F;
	p0 =	slt.s32 s25, $0x1;
	p1 =	sne.s32 s26, $0x0;
	[tilespmem:s2+$0xFFFFFFF0] =	vst v4;
	v1 =	vnsel vm14, $0x0, v3;
	v3 =	vxor.u32 v2, v63  }
0x3f2: {  	s28 =	sshrl.u32 s10, $0x1C;
	p0 =	por !p0, !p1;
	[tilespmem:s2+$0xFFFFFFE0] =	vst v1;
	v1 =	vnsel vm15, $0x0, v3  }
0x3f3: {  	s9 =	simm.s32 $0x1;
	p0 =	por !p0, !p0;
	[tilespmem:s2+$0x0] =	vst v1;
	s2 =	sadd.s32 s28, s25  }
0x3f4: {  	s9 =	simm.s32 @!p0 $0x0;
	s2 =	sshra.s32 s2, $0x4  }
0x3f5: {  	s2 =	ssub.s32 s2, s9  }
0x3f6: {  	p0 =	slt.s32 s2, $0x1  }
.Ltmp31:
0x3f7: {  	_ = 	snop;
	(pc) =	sbr.rel @p0 .LBB2_67-.Ltmp31, $4  }
0x3f8: {  	s29 =	sshra.s32 s6, $0x1F  }
0x3f9: {  	s30 =	sshrl.u32 s29, $0x1  }
0x3fa: {  	s31 =	sxor.u32 s6, s30  }
0x3fb: {  	v2 =	vmov s7;
	v1 =	vmov s31  }
0x3fc: {  	p2 =	sne.s32 s2, $0x1  }
.Ltmp32:
0x3fd: {  	_ = 	snop;
	(pc) =	sbr.rel @!p2 .LBB2_62-.Ltmp32, $3  }
0x3fe: {  	_ =	sdelay $0x1  }
0x3ff: {  	s7 =	simm.s32 $0x16200  }
0x400: {  	s6 =	simm.s32 $0x0;
	v3 =	vlaneseq.u32;
	p1 =	por $0x0, $0x0;
	v4 =	vld [tilespmem:s7+$0x0];
	s7 =	sadd.s32 $0xFFFFFFFF, s2  }
0x401: {  	_ =	sdelay $0x2  }
0x402: {  	v5 =	vor.u32 s6, v3  }
0x403: {  	vm0 =	vlt.s32 v5, v2;
	vm1 =	vlt.u32 v4, $0x4000  }
0x404: {  	vm0 =	vmand vm0, vm1;
	_ =	sdelay $0x1  }
0x405: {  	p2 =	sne.s32 s7, $0x1  }
.Ltmp33:
0x406: {  	_ = 	snop;
	(pc) =	sbr.rel @!p2 .LBB2_64-.Ltmp33, $3  }
0x407: {  	_ =	sdelay $0x1  }
0x408: {  	s9 =	simm.s32 $0x16210;
	[tilespmem:v4+s6+$0x0] =	vst.idx.msk vm0, v1  }
0x409: {  	s10 =	sadd.s32 $0xFFFFFFFF, s7;
	p1 =	por $0x1, $0x1;
	s7 =	simm.s32 $0x0;
	v4 =	vld [tilespmem:s9+$0x0]  }
.LBB2_65:
0x40a: {  	p2 =	sne.s32 s10, $0x1;
	_ =	sdelay $0x1  }
0x40b: {  	s7 =	sadd.s32 $0x10, s7  }
0x40c: {  	v5 =	vor.u32 s7, v3  }
0x40d: {  	vm0 =	vlt.s32 v5, v2;
	vm1 =	vlt.u32 v4, $0x4000  }
0x40e: {  	vm0 =	vmand vm0, vm1;
	_ =	sdelay $0x2  }
.Ltmp34:
0x40f: {  	(pc) =	sbr.rel @p2 .LBB2_65-.Ltmp34, $3  }
0x410: {  	_ =	sdelay $0x1  }
0x411: {  	s9 =	sadd.s32 $0x10, s9;
	[tilespmem:v4+s6+$0x0] =	vst.idx.msk vm0, v1  }
0x412: {  	s10 =	sadd.s32 $0xFFFFFFFF, s10;
	v4 =	vld [tilespmem:s9+$0x0]  }
.LBB2_66:
0x413: {  	_ = 	snop  }
0x414: {  	s7 =	sadd.s32 @p1 $0x10, s7;
	s9 =	simm.s32 $0x0  }
0x415: {  	s9 =	smov.u32 @p1 s7  }
0x416: {  	v3 =	vor.u32 s9, v3  }
0x417: {  	vm0 =	vlt.s32 v3, v2;
	vm1 =	vlt.u32 v4, $0x4000  }
0x418: {  	vm0 =	vmand vm0, vm1;
	_ =	sdelay $0x5  }
0x419: {  	[tilespmem:v4+s6+$0x0] =	vst.idx.msk vm0, v1  }
.LBB2_67:
0x41a: {  	s6 =	simm.s32 $0x0;
	s7 =	simm.s32 $0x4030  }
0x41b: {  	[hbm4b:s8+s6] =	stream.linear.scatter [tilespmem:s6], [sflag:$0x1], $0x4000, $0x38;
	[tilespmem:$0x1B310] =	vst v63  }
0x41c: {  	v4 =	vld [tilespmem:s7+$0x0]  }
0x41d: {  	v5 =	vld [tilespmem:s7+$0xFFFFFFE0]  }
0x41e: {  	v7 =	vld [tilespmem:s7+$0xFFFFFFF0]  }
0x41f: {  	v8 =	vld [tilespmem:s7+$0xFFFFFFD0];
	_ =	sdelay $0x1  }
0x420: {  	v3 =	vshra.s32 v4, $0x1F  }
0x421: {  	s6 =	simm.s32 $0x4070;
	vm0 =	vgt.s32 v5, v0;
	v9 =	vshra.s32 v5, $0x1F;
	v6 =	vshrl.u32 v3, $0x1  }
0x422: {  	v10 =	vshra.s32 v7, $0x1F;
	vm1 =	vgt.s32 v4, v0;
	v3 =	vld [tilespmem:s6+$0x0];
	v4 =	vxor.u32 v4, v6  }
0x423: {  	v11 =	vshra.s32 v8, $0x1F;
	v9 =	vshrl.u32 v9, $0x1;
	v6 =	vld [tilespmem:s6+$0xFFFFFFE0];
	v4 =	vnsel vm1, $0x0, v4  }
0x424: {  	v11 =	vshrl.u32 v11, $0x1;
	v5 =	vxor.u32 v5, v9;
	v9 =	vshrl.u32 v10, $0x1;
	[tilespmem:s7+$0x0] =	vst v4;
	v4 =	vld [tilespmem:s6+$0xFFFFFFF0]  }
0x425: {  	vm1 =	vgt.s32 v8, v0;
	v8 =	vxor.u32 v8, v11;
	v10 =	vnsel vm0, $0x0, v5;
	v5 =	vld [tilespmem:s6+$0xFFFFFFD0]  }
0x426: {  	v9 =	vxor.u32 v7, v9;
	v8 =	vnsel vm1, $0x0, v8;
	vm1 =	vgt.s32 v7, v0  }
0x427: {  	[tilespmem:s7+$0xFFFFFFE0] =	vst v10;
	v7 =	vnsel vm1, $0x0, v9;
	v11 =	vshra.s32 v3, $0x1F  }
0x428: {  	s9 =	simm.s32 $0x40B0;
	s8 =	simm.s32 $0x404;
	[tilespmem:s7+$0xFFFFFFD0] =	vst v8;
	vm0 =	vgt.s32 v6, v0;
	v8 =	vshra.s32 v6, $0x1F;
	v9 =	vshrl.u32 v11, $0x1  }
.LBB2_68:
0x429: {  	s8 =	sadd.s32 $0x4, s8;
	v10 =	vshra.s32 v4, $0x1F;
	vm1 =	vgt.s32 v3, v0;
	v9 =	vxor.u32 v3, v9;
	v3 =	vld [tilespmem:s9+$0x0];
	[tilespmem:s7+$0xFFFFFFF0] =	vst v7;
	v7 =	vmovc v4;
	s7 =	smov.u32 s6;
	s6 =	smov.u32 s9  }
0x42a: {  	v8 =	vshrl.u32 v8, $0x1;
	v11 =	vld [tilespmem:s9+$0xFFFFFFE0];
	p1 =	slt.u32 s8, $0x7FC;
	v12 =	vshra.s32 v5, $0x1F;
	v9 =	vnsel vm1, $0x0, v9  }
.Ltmp35:
0x42b: {  	v6 =	vxor.u32 v6, v8;
	v8 =	vshrl.u32 v10, $0x1;
	v4 =	vld [tilespmem:s9+$0xFFFFFFF0];
	v12 =	vshrl.u32 v12, $0x1;
	[tilespmem:s7+$0x0] =	vst v9;
	(pc) =	sbr.rel @p1 .LBB2_68-.Ltmp35, $4  }
0x42c: {  	vm1 =	vgt.s32 v5, v0;
	v8 =	vxor.u32 v7, v8;
	v9 =	vxor.u32 v5, v12;
	v5 =	vld [tilespmem:s9+$0xFFFFFFD0]  }
0x42d: {  	v12 =	vnsel vm0, $0x0, v6;
	vm0 =	vgt.s32 v7, v0;
	v9 =	vnsel vm1, $0x0, v9  }
0x42e: {  	v7 =	vnsel vm0, $0x0, v8;
	v10 =	vshra.s32 v3, $0x1F;
	[tilespmem:s7+$0xFFFFFFD0] =	vst v9  }
0x42f: {  	s9 =	sadd.s32 $0x40, s9;
	vm0 =	vgt.s32 v11, v0;
	v8 =	vshra.s32 v11, $0x1F;
	v9 =	vshrl.u32 v10, $0x1;
	[tilespmem:s7+$0xFFFFFFE0] =	vst v12;
	v6 =	vmovc v11  }
0x430: {  	vm1 =	vgt.s32 v3, v0;
	v3 =	vxor.u32 v3, v9;
	v10 =	vshra.s32 v4, $0x1F  }
0x431: {  	v8 =	vshrl.u32 v8, $0x1;
	v60 =	vshra.s32 v5, $0x1F;
	v3 =	vnsel vm1, $0x0, v3  }
.Ltmp36:
0x432: {  	[tilespmem:s7+$0xFFFFFFF0] =	vst v7;
	vm14 =	vgt.s32 v5, v0;
	v6 =	vxor.u32 v6, v8;
	v9 =	vshrl.u32 v60, $0x1;
	(pc) =	sbr.rel @p0 .LBB2_76-.Ltmp36, $4  }
0x433: {  	v62 =	vshrl.u32 v10, $0x1;
	[tilespmem:s6+$0x0] =	vst v3;
	v6 =	vnsel vm0, $0x0, v6;
	v61 =	vxor.u32 v5, v9  }
0x434: {  	vm15 =	vgt.s32 v4, v0;
	v63 =	vxor.u32 v4, v62;
	[tilespmem:s6+$0xFFFFFFE0] =	vst v6;
	v3 =	vnsel vm14, $0x0, v61  }
0x435: {  	[tilespmem:s6+$0xFFFFFFD0] =	vst v3;
	v3 =	vnsel vm15, $0x0, v63  }
0x436: {  	[tilespmem:s6+$0xFFFFFFF0] =	vst v3  }
0x437: {  	p2 =	sne.s32 s2, $0x1  }
.Ltmp37:
0x438: {  	_ = 	snop;
	(pc) =	sbr.rel @!p2 .LBB2_71-.Ltmp37, $3  }
0x439: {  	_ =	sdelay $0x1  }
0x43a: {  	s7 =	simm.s32 $0x16200  }
0x43b: {  	s6 =	simm.s32 $0x0;
	v3 =	vlaneseq.u32;
	p1 =	por $0x0, $0x0;
	v4 =	vld [tilespmem:s7+$0x0];
	s7 =	sadd.s32 $0xFFFFFFFF, s2  }
0x43c: {  	_ =	sdelay $0x3  }
0x43d: {  	v5 =	vor.u32 s6, v3;
	v6 =	vand.u32 $0xFFFFC000, v4  }
0x43e: {  	vm0 =	vlt.s32 v5, v2;
	vm1 =	veq.s32 v6, $0x4000  }
0x43f: {  	vm0 =	vmand vm0, vm1;
	_ =	sdelay $0x1  }
0x440: {  	p2 =	sne.s32 s7, $0x1  }
.Ltmp38:
0x441: {  	_ = 	snop;
	(pc) =	sbr.rel @!p2 .LBB2_73-.Ltmp38, $3  }
0x442: {  	_ =	sdelay $0x1  }
0x443: {  	s8 =	simm.s32 $0x16210;
	[tilespmem:v4+s6+$0x0] =	vst.idx.msk vm0, v1  }
0x444: {  	s9 =	sadd.s32 $0xFFFFFFFF, s7;
	p1 =	por $0x1, $0x1;
	s7 =	simm.s32 $0x0;
	v4 =	vld [tilespmem:s8+$0x0]  }
.LBB2_74:
0x445: {  	p2 =	sne.s32 s9, $0x1;
	_ =	sdelay $0x2  }
0x446: {  	s7 =	sadd.s32 $0x10, s7  }
0x447: {  	v5 =	vor.u32 s7, v3;
	v6 =	vand.u32 $0xFFFFC000, v4  }
0x448: {  	vm0 =	vlt.s32 v5, v2;
	vm1 =	veq.s32 v6, $0x4000  }
0x449: {  	vm0 =	vmand vm0, vm1;
	_ =	sdelay $0x2  }
.Ltmp39:
0x44a: {  	(pc) =	sbr.rel @p2 .LBB2_74-.Ltmp39, $3  }
0x44b: {  	_ =	sdelay $0x1  }
0x44c: {  	s8 =	sadd.s32 $0x10, s8;
	[tilespmem:v4+s6+$0x0] =	vst.idx.msk vm0, v1  }
0x44d: {  	s9 =	sadd.s32 $0xFFFFFFFF, s9;
	v4 =	vld [tilespmem:s8+$0x0]  }
.LBB2_75:
0x44e: {  	_ =	sdelay $0x1  }
0x44f: {  	s7 =	sadd.s32 @p1 $0x10, s7;
	s8 =	simm.s32 $0x0  }
0x450: {  	s8 =	smov.u32 @p1 s7  }
0x451: {  	v3 =	vor.u32 s8, v3;
	v5 =	vand.u32 $0xFFFFC000, v4  }
0x452: {  	vm0 =	vlt.s32 v3, v2;
	vm1 =	veq.s32 v5, $0x4000  }
0x453: {  	vm0 =	vmand vm0, vm1;
	_ =	sdelay $0x5  }
0x454: {  	[tilespmem:v4+s6+$0x0] =	vst.idx.msk vm0, v1  }
.LBB2_76:
0x455: {  	s6 =	simm.s32 $0x0;
	s7 =	simm.s32 $0x4000  }
0x456: {  	[hbm4b:s5+s6] =	stream.linear.scatter [tilespmem:s7], [sflag:$0x2], $0x4000, $0x38;
	[tilespmem:$0x1B310] =	vst v63  }
0x457: {  	s6 =	simm.s32 $0x8030  }
0x458: {  	v4 =	vld [tilespmem:s6+$0x0]  }
0x459: {  	v5 =	vld [tilespmem:s6+$0xFFFFFFE0]  }
0x45a: {  	v7 =	vld [tilespmem:s6+$0xFFFFFFF0]  }
0x45b: {  	v8 =	vld [tilespmem:s6+$0xFFFFFFD0];
	_ =	sdelay $0x1  }
0x45c: {  	v3 =	vshra.s32 v4, $0x1F  }
0x45d: {  	s5 =	simm.s32 $0x8070;
	vm0 =	vgt.s32 v5, v0;
	v9 =	vshra.s32 v5, $0x1F;
	v6 =	vshrl.u32 v3, $0x1  }
0x45e: {  	v10 =	vshra.s32 v7, $0x1F;
	vm1 =	vgt.s32 v4, v0;
	v3 =	vld [tilespmem:s5+$0x0];
	v4 =	vxor.u32 v4, v6  }
0x45f: {  	v11 =	vshra.s32 v8, $0x1F;
	v9 =	vshrl.u32 v9, $0x1;
	v6 =	vld [tilespmem:s5+$0xFFFFFFE0];
	v4 =	vnsel vm1, $0x0, v4  }
0x460: {  	v11 =	vshrl.u32 v11, $0x1;
	v5 =	vxor.u32 v5, v9;
	v9 =	vshrl.u32 v10, $0x1;
	[tilespmem:s6+$0x0] =	vst v4;
	v4 =	vld [tilespmem:s5+$0xFFFFFFF0]  }
0x461: {  	vm1 =	vgt.s32 v8, v0;
	v8 =	vxor.u32 v8, v11;
	v10 =	vnsel vm0, $0x0, v5;
	v5 =	vld [tilespmem:s5+$0xFFFFFFD0]  }
0x462: {  	v9 =	vxor.u32 v7, v9;
	v8 =	vnsel vm1, $0x0, v8;
	vm1 =	vgt.s32 v7, v0  }
0x463: {  	[tilespmem:s6+$0xFFFFFFE0] =	vst v10;
	v7 =	vnsel vm1, $0x0, v9;
	v11 =	vshra.s32 v3, $0x1F  }
0x464: {  	s8 =	simm.s32 $0x80B0;
	s7 =	simm.s32 $0x804;
	[tilespmem:s6+$0xFFFFFFD0] =	vst v8;
	vm0 =	vgt.s32 v6, v0;
	v8 =	vshra.s32 v6, $0x1F;
	v9 =	vshrl.u32 v11, $0x1  }
.LBB2_77:
0x465: {  	s7 =	sadd.s32 $0x4, s7;
	v10 =	vshra.s32 v4, $0x1F;
	vm1 =	vgt.s32 v3, v0;
	v9 =	vxor.u32 v3, v9;
	v3 =	vld [tilespmem:s8+$0x0];
	[tilespmem:s6+$0xFFFFFFF0] =	vst v7;
	v7 =	vmovc v4;
	s6 =	smov.u32 s5;
	s5 =	smov.u32 s8  }
0x466: {  	v8 =	vshrl.u32 v8, $0x1;
	v11 =	vld [tilespmem:s8+$0xFFFFFFE0];
	p1 =	slt.u32 s7, $0xBFC;
	v12 =	vshra.s32 v5, $0x1F;
	v9 =	vnsel vm1, $0x0, v9  }
.Ltmp40:
0x467: {  	v6 =	vxor.u32 v6, v8;
	v8 =	vshrl.u32 v10, $0x1;
	v4 =	vld [tilespmem:s8+$0xFFFFFFF0];
	v12 =	vshrl.u32 v12, $0x1;
	[tilespmem:s6+$0x0] =	vst v9;
	(pc) =	sbr.rel @p1 .LBB2_77-.Ltmp40, $4  }
0x468: {  	vm1 =	vgt.s32 v5, v0;
	v8 =	vxor.u32 v7, v8;
	v9 =	vxor.u32 v5, v12;
	v5 =	vld [tilespmem:s8+$0xFFFFFFD0]  }
0x469: {  	v12 =	vnsel vm0, $0x0, v6;
	vm0 =	vgt.s32 v7, v0;
	v9 =	vnsel vm1, $0x0, v9  }
0x46a: {  	v7 =	vnsel vm0, $0x0, v8;
	v10 =	vshra.s32 v3, $0x1F;
	[tilespmem:s6+$0xFFFFFFD0] =	vst v9  }
0x46b: {  	s8 =	sadd.s32 $0x40, s8;
	vm0 =	vgt.s32 v11, v0;
	v8 =	vshra.s32 v11, $0x1F;
	v9 =	vshrl.u32 v10, $0x1;
	[tilespmem:s6+$0xFFFFFFE0] =	vst v12;
	v6 =	vmovc v11  }
0x46c: {  	vm1 =	vgt.s32 v3, v0;
	v3 =	vxor.u32 v3, v9;
	v10 =	vshra.s32 v4, $0x1F  }
0x46d: {  	v8 =	vshrl.u32 v8, $0x1;
	v60 =	vshra.s32 v5, $0x1F;
	v3 =	vnsel vm1, $0x0, v3  }
.Ltmp41:
0x46e: {  	[tilespmem:s6+$0xFFFFFFF0] =	vst v7;
	vm14 =	vgt.s32 v5, v0;
	v6 =	vxor.u32 v6, v8;
	v9 =	vshrl.u32 v60, $0x1;
	(pc) =	sbr.rel @p0 .LBB2_85-.Ltmp41, $4  }
0x46f: {  	v62 =	vshrl.u32 v10, $0x1;
	[tilespmem:s5+$0x0] =	vst v3;
	v6 =	vnsel vm0, $0x0, v6;
	v61 =	vxor.u32 v5, v9  }
0x470: {  	vm15 =	vgt.s32 v4, v0;
	v63 =	vxor.u32 v4, v62;
	[tilespmem:s5+$0xFFFFFFE0] =	vst v6;
	v3 =	vnsel vm14, $0x0, v61  }
0x471: {  	[tilespmem:s5+$0xFFFFFFD0] =	vst v3;
	v3 =	vnsel vm15, $0x0, v63  }
0x472: {  	[tilespmem:s5+$0xFFFFFFF0] =	vst v3  }
0x473: {  	p2 =	sne.s32 s2, $0x1  }
.Ltmp42:
0x474: {  	_ = 	snop;
	(pc) =	sbr.rel @!p2 .LBB2_80-.Ltmp42, $3  }
0x475: {  	_ =	sdelay $0x1  }
0x476: {  	s6 =	simm.s32 $0x16200  }
0x477: {  	s5 =	simm.s32 $0x0;
	v3 =	vlaneseq.u32;
	p1 =	por $0x0, $0x0;
	v4 =	vld [tilespmem:s6+$0x0];
	s6 =	sadd.s32 $0xFFFFFFFF, s2  }
0x478: {  	_ =	sdelay $0x3  }
0x479: {  	v5 =	vor.u32 s5, v3;
	v6 =	vand.u32 $0xFFFFC000, v4  }
0x47a: {  	vm0 =	vlt.s32 v5, v2;
	vm1 =	veq.s32 v6, $0x8000  }
0x47b: {  	vm0 =	vmand vm0, vm1;
	_ =	sdelay $0x1  }
0x47c: {  	p2 =	sne.s32 s6, $0x1  }
.Ltmp43:
0x47d: {  	_ = 	snop;
	(pc) =	sbr.rel @!p2 .LBB2_82-.Ltmp43, $3  }
0x47e: {  	_ =	sdelay $0x1  }
0x47f: {  	s7 =	simm.s32 $0x16210;
	[tilespmem:v4+s5+$0x0] =	vst.idx.msk vm0, v1  }
0x480: {  	s8 =	sadd.s32 $0xFFFFFFFF, s6;
	p1 =	por $0x1, $0x1;
	s6 =	simm.s32 $0x0;
	v4 =	vld [tilespmem:s7+$0x0]  }
.LBB2_83:
0x481: {  	p2 =	sne.s32 s8, $0x1;
	_ =	sdelay $0x2  }
0x482: {  	s6 =	sadd.s32 $0x10, s6  }
0x483: {  	v5 =	vor.u32 s6, v3;
	v6 =	vand.u32 $0xFFFFC000, v4  }
0x484: {  	vm0 =	vlt.s32 v5, v2;
	vm1 =	veq.s32 v6, $0x8000  }
0x485: {  	vm0 =	vmand vm0, vm1;
	_ =	sdelay $0x2  }
.Ltmp44:
0x486: {  	(pc) =	sbr.rel @p2 .LBB2_83-.Ltmp44, $3  }
0x487: {  	_ =	sdelay $0x1  }
0x488: {  	s7 =	sadd.s32 $0x10, s7;
	[tilespmem:v4+s5+$0x0] =	vst.idx.msk vm0, v1  }
0x489: {  	s8 =	sadd.s32 $0xFFFFFFFF, s8;
	v4 =	vld [tilespmem:s7+$0x0]  }
.LBB2_84:
0x48a: {  	_ =	sdelay $0x1  }
0x48b: {  	s6 =	sadd.s32 @p1 $0x10, s6;
	s7 =	simm.s32 $0x0  }
0x48c: {  	s7 =	smov.u32 @p1 s6  }
0x48d: {  	v3 =	vor.u32 s7, v3;
	v5 =	vand.u32 $0xFFFFC000, v4  }
0x48e: {  	vm0 =	vlt.s32 v3, v2;
	vm1 =	veq.s32 v5, $0x8000  }
0x48f: {  	vm0 =	vmand vm0, vm1;
	_ =	sdelay $0x5  }
0x490: {  	[tilespmem:v4+s5+$0x0] =	vst.idx.msk vm0, v1  }
.LBB2_85:
0x491: {  	s5 =	simm.s32 $0x0;
	s6 =	simm.s32 $0x8000  }
0x492: {  	[hbm4b:s4+s5] =	stream.linear.scatter [tilespmem:s6], [sflag:$0x3], $0x4000, $0x38;
	[tilespmem:$0x1B310] =	vst v63  }
0x493: {  	s5 =	simm.s32 $0xC030  }
0x494: {  	v4 =	vld [tilespmem:s5+$0x0]  }
0x495: {  	v5 =	vld [tilespmem:s5+$0xFFFFFFE0]  }
0x496: {  	v7 =	vld [tilespmem:s5+$0xFFFFFFF0]  }
0x497: {  	v8 =	vld [tilespmem:s5+$0xFFFFFFD0];
	_ =	sdelay $0x1  }
0x498: {  	v3 =	vshra.s32 v4, $0x1F  }
0x499: {  	s4 =	simm.s32 $0xC070;
	vm0 =	vgt.s32 v5, v0;
	v9 =	vshra.s32 v5, $0x1F;
	v6 =	vshrl.u32 v3, $0x1  }
0x49a: {  	v10 =	vshra.s32 v7, $0x1F;
	vm1 =	vgt.s32 v4, v0;
	v3 =	vld [tilespmem:s4+$0x0];
	v4 =	vxor.u32 v4, v6  }
0x49b: {  	v11 =	vshra.s32 v8, $0x1F;
	v9 =	vshrl.u32 v9, $0x1;
	v6 =	vld [tilespmem:s4+$0xFFFFFFE0];
	v4 =	vnsel vm1, $0x0, v4  }
0x49c: {  	v11 =	vshrl.u32 v11, $0x1;
	v5 =	vxor.u32 v5, v9;
	v9 =	vshrl.u32 v10, $0x1;
	[tilespmem:s5+$0x0] =	vst v4;
	v4 =	vld [tilespmem:s4+$0xFFFFFFF0]  }
0x49d: {  	vm1 =	vgt.s32 v8, v0;
	v8 =	vxor.u32 v8, v11;
	v10 =	vnsel vm0, $0x0, v5;
	v5 =	vld [tilespmem:s4+$0xFFFFFFD0]  }
0x49e: {  	v9 =	vxor.u32 v7, v9;
	v8 =	vnsel vm1, $0x0, v8;
	vm1 =	vgt.s32 v7, v0  }
0x49f: {  	[tilespmem:s5+$0xFFFFFFE0] =	vst v10;
	v7 =	vnsel vm1, $0x0, v9;
	v11 =	vshra.s32 v3, $0x1F  }
0x4a0: {  	s7 =	simm.s32 $0xC0B0;
	s6 =	simm.s32 $0xC04;
	[tilespmem:s5+$0xFFFFFFD0] =	vst v8;
	vm0 =	vgt.s32 v6, v0;
	v8 =	vshra.s32 v6, $0x1F;
	v9 =	vshrl.u32 v11, $0x1  }
.LBB2_86:
0x4a1: {  	s6 =	sadd.s32 $0x4, s6;
	v10 =	vshra.s32 v4, $0x1F;
	vm1 =	vgt.s32 v3, v0;
	v9 =	vxor.u32 v3, v9;
	v3 =	vld [tilespmem:s7+$0x0];
	[tilespmem:s5+$0xFFFFFFF0] =	vst v7;
	v7 =	vmovc v4;
	s5 =	smov.u32 s4;
	s4 =	smov.u32 s7  }
0x4a2: {  	v8 =	vshrl.u32 v8, $0x1;
	v11 =	vld [tilespmem:s7+$0xFFFFFFE0];
	p1 =	slt.u32 s6, $0xFFC;
	v12 =	vshra.s32 v5, $0x1F;
	v9 =	vnsel vm1, $0x0, v9  }
.Ltmp45:
0x4a3: {  	v6 =	vxor.u32 v6, v8;
	v8 =	vshrl.u32 v10, $0x1;
	v4 =	vld [tilespmem:s7+$0xFFFFFFF0];
	v12 =	vshrl.u32 v12, $0x1;
	[tilespmem:s5+$0x0] =	vst v9;
	(pc) =	sbr.rel @p1 .LBB2_86-.Ltmp45, $4  }
0x4a4: {  	vm1 =	vgt.s32 v5, v0;
	v8 =	vxor.u32 v7, v8;
	v9 =	vxor.u32 v5, v12;
	v5 =	vld [tilespmem:s7+$0xFFFFFFD0]  }
0x4a5: {  	v12 =	vnsel vm0, $0x0, v6;
	vm0 =	vgt.s32 v7, v0;
	v9 =	vnsel vm1, $0x0, v9  }
0x4a6: {  	v7 =	vnsel vm0, $0x0, v8;
	v10 =	vshra.s32 v3, $0x1F;
	[tilespmem:s5+$0xFFFFFFD0] =	vst v9  }
0x4a7: {  	s7 =	sadd.s32 $0x40, s7;
	vm0 =	vgt.s32 v11, v0;
	v8 =	vshra.s32 v11, $0x1F;
	v9 =	vshrl.u32 v10, $0x1;
	[tilespmem:s5+$0xFFFFFFE0] =	vst v12;
	v6 =	vmovc v11  }
0x4a8: {  	vm1 =	vgt.s32 v3, v0;
	v3 =	vxor.u32 v3, v9;
	v10 =	vshra.s32 v4, $0x1F  }
0x4a9: {  	v8 =	vshrl.u32 v8, $0x1;
	vm15 =	vgt.s32 v4, v0;
	v60 =	vshra.s32 v5, $0x1F  }
.Ltmp46:
0x4aa: {  	[tilespmem:s5+$0xFFFFFFF0] =	vst v7;
	v3 =	vnsel vm1, $0x0, v3;
	v6 =	vxor.u32 v6, v8;
	v62 =	vshrl.u32 v10, $0x1;
	(pc) =	sbr.rel @p0 .LBB2_94-.Ltmp46, $4  }
0x4ab: {  	v9 =	vshrl.u32 v60, $0x1;
	[tilespmem:s4+$0x0] =	vst v3;
	v63 =	vxor.u32 v4, v62;
	v6 =	vnsel vm0, $0x0, v6  }
0x4ac: {  	vm14 =	vgt.s32 v5, v0;
	v61 =	vxor.u32 v5, v9;
	v0 =	vnsel vm15, $0x0, v63;
	[tilespmem:s4+$0xFFFFFFE0] =	vst v6  }
0x4ad: {  	v3 =	vnsel vm14, $0x0, v61;
	[tilespmem:s4+$0xFFFFFFF0] =	vst v0  }
0x4ae: {  	[tilespmem:s4+$0xFFFFFFD0] =	vst v3  }
0x4af: {  	p1 =	sne.s32 s2, $0x1  }
.Ltmp47:
0x4b0: {  	_ = 	snop;
	(pc) =	sbr.rel @!p1 .LBB2_89-.Ltmp47, $3  }
0x4b1: {  	_ =	sdelay $0x1  }
0x4b2: {  	s5 =	simm.s32 $0x16200  }
0x4b3: {  	s4 =	simm.s32 $0x0;
	v0 =	vlaneseq.u32;
	s2 =	sadd.s32 $0xFFFFFFFF, s2;
	p0 =	por $0x0, $0x0;
	v3 =	vld [tilespmem:s5+$0x0]  }
0x4b4: {  	_ =	sdelay $0x3  }
0x4b5: {  	v4 =	vor.u32 s4, v0;
	v5 =	vand.u32 $0xFFFFC000, v3  }
0x4b6: {  	vm0 =	vlt.s32 v4, v2;
	vm1 =	veq.s32 v5, $0xC000  }
0x4b7: {  	vm0 =	vmand vm0, vm1;
	_ =	sdelay $0x1  }
0x4b8: {  	p1 =	sne.s32 s2, $0x1  }
.Ltmp48:
0x4b9: {  	_ = 	snop;
	(pc) =	sbr.rel @!p1 .LBB2_91-.Ltmp48, $3  }
0x4ba: {  	_ =	sdelay $0x1  }
0x4bb: {  	s5 =	simm.s32 $0x16210;
	[tilespmem:v3+s4+$0x0] =	vst.idx.msk vm0, v1  }
0x4bc: {  	s6 =	sadd.s32 $0xFFFFFFFF, s2;
	p0 =	por $0x1, $0x1;
	s2 =	simm.s32 $0x0;
	v3 =	vld [tilespmem:s5+$0x0]  }
.LBB2_92:
0x4bd: {  	p1 =	sne.s32 s6, $0x1;
	_ =	sdelay $0x2  }
0x4be: {  	s2 =	sadd.s32 $0x10, s2  }
0x4bf: {  	v4 =	vor.u32 s2, v0;
	v5 =	vand.u32 $0xFFFFC000, v3  }
0x4c0: {  	vm0 =	vlt.s32 v4, v2;
	vm1 =	veq.s32 v5, $0xC000  }
0x4c1: {  	vm0 =	vmand vm0, vm1;
	_ =	sdelay $0x2  }
.Ltmp49:
0x4c2: {  	(pc) =	sbr.rel @p1 .LBB2_92-.Ltmp49, $3  }
0x4c3: {  	_ =	sdelay $0x1  }
0x4c4: {  	s5 =	sadd.s32 $0x10, s5;
	[tilespmem:v3+s4+$0x0] =	vst.idx.msk vm0, v1  }
0x4c5: {  	s6 =	sadd.s32 $0xFFFFFFFF, s6;
	v3 =	vld [tilespmem:s5+$0x0]  }
.LBB2_93:
0x4c6: {  	_ =	sdelay $0x1  }
0x4c7: {  	s2 =	sadd.s32 @p0 $0x10, s2;
	s5 =	simm.s32 $0x0  }
0x4c8: {  	s5 =	smov.u32 @p0 s2  }
0x4c9: {  	v0 =	vor.u32 s5, v0;
	v4 =	vand.u32 $0xFFFFC000, v3  }
0x4ca: {  	vm0 =	vlt.s32 v0, v2;
	vm1 =	veq.s32 v4, $0xC000  }
0x4cb: {  	vm0 =	vmand vm0, vm1;
	_ =	sdelay $0x5  }
0x4cc: {  	[tilespmem:v3+s4+$0x0] =	vst.idx.msk vm0, v1  }
.LBB2_94:
0x4cd: {  	s2 =	simm.s32 $0x0;
	s4 =	simm.s32 $0xC000;
	s28 =	simm.s32 $0x1  }
0x4ce: {  	[hbm4b:s3+s2] =	stream.linear.scatter [tilespmem:s4], [sflag:$0x4], $0x4000, $0x38;
	[tilespmem:$0x1B310] =	vst v63  }
0x4cf: {  	_ =	swait.ge [sflag:s28], $0x4000  }
0x4d0: {  	[sflag:s28] =	ssyncset.done $0x0  }
0x4d1: {  	s29 =	simm.s32 $0x2;
	[sflag:s28] =	ssyncadd.s32 $0xFFFFC000  }
0x4d2: {  	_ =	swait.ge [sflag:s29], $0x4000  }
0x4d3: {  	[sflag:s29] =	ssyncset.done $0x0  }
0x4d4: {  	s30 =	simm.s32 $0x3;
	[sflag:s29] =	ssyncadd.s32 $0xFFFFC000  }
0x4d5: {  	_ =	swait.ge [sflag:s30], $0x4000  }
0x4d6: {  	[sflag:s30] =	ssyncset.done $0x0  }
0x4d7: {  	s31 =	simm.s32 $0x4;
	[sflag:s30] =	ssyncadd.s32 $0xFFFFC000  }
0x4d8: {  	_ =	swait.ge [sflag:s31], $0x4000  }
0x4d9: {  	[sflag:s31] =	ssyncset.done $0x0  }
0x4da: {  	[sflag:s31] =	ssyncadd.s32 $0xFFFFC000  }
0x4db: {  	_ =	sfence.sel $0x180000  }
0x4dc: {  	[bflag:$0x0] =	sbarrier.arrive $0xFFFF  }
0x4dd: {  	p0 =	sne.s32 s1, $0x0;
	_ =	strace $0x90000047  }
0x4de: {  	s0 =	sadd.s32 @!p0 $0x100000, s0;
	[bflag:$0x2] =	sbarrier.arrive $0xFFFF  }
0x4df: {  	[sflag:s0] =	ssyncadd.tile.s32 @!p0 $0x1;
	_ =	shalt  }
.LBB2_26:
.Ltmp50:
0x4e0: {  	(pc) =	sbr.rel .LBB2_33-.Ltmp50, $2  }
0x4e1: {  	_ =	sdelay $0x2  }
0x4e2: {  	s18 =	simm.s32 $0x10;
	v7 =	vmov v8  }
.LBB2_47:
.Ltmp51:
0x4e3: {  	(pc) =	sbr.rel .LBB2_51-.Ltmp51, $3  }
0x4e4: {  	_ =	sdelay $0x1  }
0x4e5: {  	s13 =	simm.s32 $0x0  }
0x4e6: {  	s12 =	simm.s32 $0x0;
	s11 =	simm.s32 $0x16200;
	s10 =	simm.s32 $0x0  }
.LBB2_62:
.Ltmp52:
0x4e7: {  	(pc) =	sbr.rel .LBB2_66-.Ltmp52, $2  }
0x4e8: {  	_ =	sdelay $0x2  }
0x4e9: {  	s7 =	simm.s32 $0x0  }
.LBB2_71:
.Ltmp53:
0x4ea: {  	(pc) =	sbr.rel .LBB2_75-.Ltmp53, $2  }
0x4eb: {  	_ =	sdelay $0x2  }
0x4ec: {  	s7 =	simm.s32 $0x0  }
.LBB2_80:
.Ltmp54:
0x4ed: {  	(pc) =	sbr.rel .LBB2_84-.Ltmp54, $2  }
0x4ee: {  	_ =	sdelay $0x2  }
0x4ef: {  	s6 =	simm.s32 $0x0  }
.LBB2_89:
.Ltmp55:
0x4f0: {  	(pc) =	sbr.rel .LBB2_93-.Ltmp55, $2  }
0x4f1: {  	_ =	sdelay $0x2  }
0x4f2: {  	s2 =	simm.s32 $0x0  }
.LBB2_28:
.Ltmp56:
0x4f3: {  	(pc) =	sbr.rel .LBB2_33-.Ltmp56, $2  }
0x4f4: {  	_ =	sdelay $0x2  }
0x4f5: {  	s18 =	simm.s32 $0x10  }
.LBB2_49:
.Ltmp57:
0x4f6: {  	(pc) =	sbr.rel .LBB2_51-.Ltmp57, $3  }
0x4f7: {  	_ =	sdelay $0x1  }
0x4f8: {  	s13 =	simm.s32 $0x0  }
0x4f9: {  	s12 =	simm.s32 $0x0;
	s11 =	simm.s32 $0x16200;
	s10 =	simm.s32 $0x0  }
.LBB2_64:
.Ltmp58:
0x4fa: {  	(pc) =	sbr.rel .LBB2_66-.Ltmp58, $2  }
0x4fb: {  	_ =	sdelay $0x2  }
0x4fc: {  	s7 =	simm.s32 $0x0  }
.LBB2_73:
.Ltmp59:
0x4fd: {  	(pc) =	sbr.rel .LBB2_75-.Ltmp59, $2  }
0x4fe: {  	_ =	sdelay $0x2  }
0x4ff: {  	s7 =	simm.s32 $0x0  }
.LBB2_82:
.Ltmp60:
0x500: {  	(pc) =	sbr.rel .LBB2_84-.Ltmp60, $2  }
0x501: {  	_ =	sdelay $0x2  }
0x502: {  	s6 =	simm.s32 $0x0  }
.LBB2_91:
.Ltmp61:
0x503: {  	(pc) =	sbr.rel .LBB2_93-.Ltmp61, $2  }
0x504: {  	_ =	sdelay $0x2  }
0x505: {  	s2 =	simm.s32 $0x0  }
.LBB2_30:
.Ltmp62:
0x506: {  	(pc) =	sbr.rel .LBB2_33-.Ltmp62, $2  }
0x507: {  	_ =	sdelay $0x2  }
0x508: {  	v8 =	vmovc v7;
	v10 =	vmov v5;
	v5 =	vmov v11;
	v7 =	vmov v9  }
.Lfunc_end2:
_tile_overlayer_lowered:
.L_overlay_start_2:
0x509: {  	(tag) =	ssettag $0x2  }
0x50a: {  	s0 =	rddreg [dreg:$0x0];
	s2 =	stileid.u32  }
0x50b: {  	s1 =	rddreg [dreg:$0x1];
	p0 =	sne.s32 s2, $0x0  }
0x50c: {  	s3 =	rddreg [dreg:$0x2];
	[bflag:$0x3] =	sbarrier.arrive $0xFFFF;
	s2 =	simm.s32 @!p0 $0x1C05  }
0x50d: {  	[timem:s3], [sflag:s2] =	dma.local @!p0 [hbm:s0], s1  }
0x50e: {  	s0 =	simm.s32 @!p0 $0x5  }
0x50f: {  	_ =	swait.ge @!p0 [sflag:s0], s1  }
0x510: {  	s1 =	ssub.s32 @!p0 $0x0, s1;
	[sflag:s0] =	ssyncset.done @!p0 $0x0  }
0x511: {  	[sflag:s0] =	ssyncadd.s32 @!p0 s1  }
0x512: {  	[bflag:$0x3] =	sbarrier.arrive $0xFFFF  }
0x513: {  	_ =	shalt  }

</sc_bundles>
